<compile_context>
chip_gen: v7x
topology: tpu7x:2x2x1
jax: 0.10.2.dev20260603
libtpu: 0.0.44.dev20260713+nightly
codegen_flags: <defaults>
</compile_context>

<pallas_src>
import functools
import math

import jax
import jax.numpy as jnp
from jax import lax
from jax.experimental import pallas as pl
from jax.experimental.pallas import tpu as pltpu
from jax.experimental.pallas import tpu_sc as plsc

N_NODES = 10000
DIM = 128
N_EDGES = 320000
N_LAYERS = 3
N_CLASSES = 10

BLK = 512
N_SUB = 16
CHUNK = 128
CHUNKS_PER_SUB = 160
E_PAD = N_SUB * CHUNKS_PER_SUB * CHUNK
HALF = DIM // 2

N_REAL = [N_NODES >> i for i in range(N_LAYERS)]
N_PAD = [-(-n // BLK) * BLK for n in N_REAL]

INV_SQRT2 = 1.0 / math.sqrt(2.0)


def _make_sc_agg(n_pad: int, shift: int):
  mesh = plsc.VectorSubcoreMesh(core_axis_name="c", subcore_axis_name="s")
  rows_per_sub = n_pad // N_SUB

  @functools.partial(
      pl.kernel,
      mesh=mesh,
      compiler_params=pltpu.CompilerParams(use_tc_tiling_on_sc=False),
      out_type=jax.ShapeDtypeStruct((2, n_pad, HALF), jnp.float32),
      scratch_types=[
          pltpu.VMEM((CHUNKS_PER_SUB, CHUNK), jnp.int32),
          pltpu.VMEM((CHUNKS_PER_SUB, CHUNK), jnp.int32),
          pltpu.VMEM((CHUNK, HALF), jnp.float32),
          pltpu.VMEM((CHUNK, HALF), jnp.float32),
          pltpu.VMEM((32, HALF), jnp.float32),
          pltpu.VMEM_SHARED((n_pad, HALF), jnp.float32),
          pltpu.SemaphoreType.DMA,
          pltpu.SemaphoreType.DMA,
      ],
  )
  def sc_agg(h2_hbm, src_hbm, dst_hbm, out_hbm, src_v, dst_v, rows0, rows1,
             zbuf, agg_sh, gs0, gs1):
    cid = lax.axis_index("c")
    sid = lax.axis_index("s")

    @pl.loop(0, 32)
    def _(r):
      @pl.loop(0, HALF, step=16)
      def _(t):
        zbuf[r, pl.ds(t, 16)] = jnp.zeros((16,), jnp.float32)

    base = sid * rows_per_sub

    @pl.loop(0, rows_per_sub, step=32)
    def _(r):
      pltpu.sync_copy(zbuf, agg_sh.at[pl.ds(base + r, 32)])

    pltpu.sync_copy(src_hbm.at[sid], src_v)
    pltpu.sync_copy(dst_hbm.at[sid], dst_v)

    @pl.loop(0, CHUNKS_PER_SUB)
    def _(j):
      for t in range(CHUNK // 16):
        sl = pl.ds(t * 16, 16)
        s = src_v[j, sl]
        if shift:
          s = lax.shift_right_logical(s, shift)
          dst_v[j, sl] = lax.shift_right_logical(dst_v[j, sl], shift)
        src_v[j, sl] = lax.shift_left(s, 1) | cid

    plsc.subcore_barrier()

    pltpu.async_copy(h2_hbm.at[src_v.at[0]], rows0, gs0)

    @pl.loop(0, CHUNKS_PER_SUB, step=2)
    def _(j):
      pltpu.async_copy(h2_hbm.at[src_v.at[j + 1]], rows1, gs1)
      pltpu.make_async_copy(h2_hbm.at[pl.ds(0, CHUNK)], rows0, gs0).wait()
      pltpu.sync_copy(rows0, agg_sh.at[dst_v.at[j]], add=True)

      @pl.when(j + 2 < CHUNKS_PER_SUB)
      def _():
        pltpu.async_copy(h2_hbm.at[src_v.at[j + 2]], rows0, gs0)

      pltpu.make_async_copy(h2_hbm.at[pl.ds(0, CHUNK)], rows1, gs1).wait()
      pltpu.sync_copy(rows1, agg_sh.at[dst_v.at[j + 1]], add=True)

    plsc.subcore_barrier()

    @pl.loop(0, rows_per_sub, step=32)
    def _(r):
      pltpu.sync_copy(agg_sh.at[pl.ds(base + r, 32)], zbuf)
      pltpu.sync_copy(zbuf, out_hbm.at[cid, pl.ds(base + r, 32)])

  return sc_agg


CHUNKS_FULL = E_PAD // (32 * CHUNK)


def _make_sc_agg_full(n_pad: int, shift: int):
  mesh = plsc.VectorSubcoreMesh(core_axis_name="c", subcore_axis_name="s")
  rows_per_sub = n_pad // N_SUB

  @functools.partial(
      pl.kernel,
      mesh=mesh,
      out_type=jax.ShapeDtypeStruct((2, n_pad, DIM), jnp.float32),
      scratch_types=[
          pltpu.VMEM((CHUNKS_FULL, CHUNK), jnp.int32),
          pltpu.VMEM((CHUNKS_FULL, CHUNK), jnp.int32),
          pltpu.VMEM((CHUNK, DIM), jnp.float32),
          pltpu.VMEM((CHUNK, DIM), jnp.float32),
          pltpu.VMEM((32, DIM), jnp.float32),
          pltpu.VMEM_SHARED((n_pad, DIM), jnp.float32),
          pltpu.SemaphoreType.DMA,
          pltpu.SemaphoreType.DMA,
      ],
  )
  def sc_agg(h_hbm, src_hbm, dst_hbm, out_hbm, src_v, dst_v, rows0, rows1,
             zbuf, agg_sh, gs0, gs1):
    cid = lax.axis_index("c")
    sid = lax.axis_index("s")
    wid = sid * 2 + cid

    @pl.loop(0, 32)
    def _(r):
      @pl.loop(0, DIM, step=16)
      def _(t):
        zbuf[r, pl.ds(t, 16)] = jnp.zeros((16,), jnp.float32)

    base = sid * rows_per_sub

    @pl.loop(0, rows_per_sub, step=32)
    def _(r):
      pltpu.sync_copy(zbuf, agg_sh.at[pl.ds(base + r, 32)])

    pltpu.sync_copy(src_hbm.at[wid], src_v)
    pltpu.sync_copy(dst_hbm.at[wid], dst_v)
    if shift:
      @pl.loop(0, CHUNKS_FULL)
      def _(j):
        for t in range(CHUNK // 16):
          sl = pl.ds(t * 16, 16)
          src_v[j, sl] = lax.shift_right_logical(src_v[j, sl], shift)
          dst_v[j, sl] = lax.shift_right_logical(dst_v[j, sl], shift)

    plsc.subcore_barrier()

    pltpu.async_copy(h_hbm.at[src_v.at[0]], rows0, gs0)

    @pl.loop(0, CHUNKS_FULL, step=2)
    def _(j):
      pltpu.async_copy(h_hbm.at[src_v.at[j + 1]], rows1, gs1)
      pltpu.make_async_copy(h_hbm.at[pl.ds(0, CHUNK)], rows0, gs0).wait()
      pltpu.sync_copy(rows0, agg_sh.at[dst_v.at[j]], add=True)

      @pl.when(j + 2 < CHUNKS_FULL)
      def _():
        pltpu.async_copy(h_hbm.at[src_v.at[j + 2]], rows0, gs0)

      pltpu.make_async_copy(h_hbm.at[pl.ds(0, CHUNK)], rows1, gs1).wait()
      pltpu.sync_copy(rows1, agg_sh.at[dst_v.at[j + 1]], add=True)

    plsc.subcore_barrier()

    @pl.loop(0, rows_per_sub, step=32)
    def _(r):
      pltpu.sync_copy(agg_sh.at[pl.ds(base + r, 32)], zbuf)
      pltpu.sync_copy(zbuf, out_hbm.at[cid, pl.ds(base + r, 32)])

  return sc_agg


def _start_body(n_real, x_ref, w_ref, v_ref, h_ref):
  i = pl.program_id(0)
  z = jnp.dot(x_ref[...], w_ref[...], preferred_element_type=jnp.float32)
  h = jax.nn.relu(v_ref[1:2, :] * (z + v_ref[0:1, :]) + v_ref[2:3, :])
  row = i * BLK + lax.broadcasted_iota(jnp.int32, (BLK, 1), 0)
  h_ref[...] = jnp.where(row < n_real, h, 0.0)


def _make_start(n_pad, n_real):
  grid = n_pad // BLK
  return pl.pallas_call(
      functools.partial(_start_body, n_real),
      grid=(grid,),
      in_specs=[
          pl.BlockSpec((BLK, DIM), lambda i: (i, 0)),
          pl.BlockSpec((DIM, DIM), lambda i: (0, 0)),
          pl.BlockSpec((3, DIM), lambda i: (0, 0)),
      ],
      out_specs=pl.BlockSpec((BLK, DIM), lambda i: (i, 0)),
      out_shape=jax.ShapeDtypeStruct((n_pad, DIM), jnp.float32),
  )


def _mlp_body(n_real, grid, col_split, last, *refs):
  if last:
    (h_ref, a0_ref, a1_ref, w1_ref, w2_ref, v_ref, p_ref, cs01_ref, ge_ref,
     be_ref, w3_ref, b3_ref, pool_ref, cs_ref, o_ref) = refs
  else:
    (h_ref, a0_ref, a1_ref, w1_ref, w2_ref, v_ref, p_ref, pool_ref,
     cs_ref) = refs
  i = pl.program_id(0)
  if col_split:
    agg = jnp.concatenate([a0_ref[0], a1_ref[0]], axis=-1)
  else:
    agg = a0_ref[0] + a1_ref[0]
  g = h_ref[...] + agg
  z = jnp.dot(g, w1_ref[...], preferred_element_type=jnp.float32)
  z = jax.nn.relu(v_ref[1:2, :] * (z + v_ref[0:1, :]) + v_ref[2:3, :])
  u = jnp.dot(z, w2_ref[...], preferred_element_type=jnp.float32)
  u = jax.nn.relu(v_ref[4:5, :] * (u + v_ref[3:4, :]) + v_ref[5:6, :])
  row = i * BLK + lax.broadcasted_iota(jnp.int32, (BLK, 1), 0)
  u = jnp.where(row < n_real, u, 0.0)
  pool_ref[...] = jnp.dot(p_ref[...], u, preferred_element_type=jnp.float32)
  cs = jnp.sum(u, axis=0, keepdims=True)

  @pl.when(i == 0)
  def _():
    cs_ref[...] = cs

  @pl.when(i > 0)
  def _():
    cs_ref[...] += cs

  if last:
    @pl.when(i == grid - 1)
    def _():
      e0 = jax.nn.relu(ge_ref[0:1, :] * (cs01_ref[0:1, :] * INV_SQRT2)
                       + be_ref[0:1, :])
      e1 = jax.nn.relu(ge_ref[1:2, :] * (cs01_ref[1:2, :] * INV_SQRT2)
                       + be_ref[1:2, :])
      e2 = jax.nn.relu(ge_ref[2:3, :] * (cs_ref[...] * INV_SQRT2)
                       + be_ref[2:3, :])
      acc = b3_ref[...]
      for k, e in enumerate((e0, e1, e2)):
        acc = acc + jnp.dot(e, w3_ref[k], preferred_element_type=jnp.float32)
      o_ref[...] = acc


def _make_mlp(n_pad, n_real, col_split, last):
  grid = n_pad // BLK
  aw = HALF if col_split else DIM
  in_specs = [
      pl.BlockSpec((BLK, DIM), lambda i: (i, 0)),
      pl.BlockSpec((1, BLK, aw), lambda i: (0, i, 0)),
      pl.BlockSpec((1, BLK, aw), lambda i: (1, i, 0)),
      pl.BlockSpec((DIM, DIM), lambda i: (0, 0)),
      pl.BlockSpec((DIM, DIM), lambda i: (0, 0)),
      pl.BlockSpec((6, DIM), lambda i: (0, 0)),
      pl.BlockSpec((BLK // 2, BLK), lambda i: (0, 0)),
  ]
  out_specs = [
      pl.BlockSpec((BLK // 2, DIM), lambda i: (i, 0)),
      pl.BlockSpec((1, DIM), lambda i: (0, 0)),
  ]
  out_shape = [
      jax.ShapeDtypeStruct((n_pad // 2, DIM), jnp.float32),
      jax.ShapeDtypeStruct((1, DIM), jnp.float32),
  ]
  if last:
    in_specs += [
        pl.BlockSpec((2, DIM), lambda i: (0, 0)),
        pl.BlockSpec((N_LAYERS, DIM), lambda i: (0, 0)),
        pl.BlockSpec((N_LAYERS, DIM), lambda i: (0, 0)),
        pl.BlockSpec((N_LAYERS, DIM, DIM), lambda i: (0, 0, 0)),
        pl.BlockSpec((1, DIM), lambda i: (0, 0)),
    ]
    out_specs.append(pl.BlockSpec((1, DIM), lambda i: (0, 0)))
    out_shape.append(jax.ShapeDtypeStruct((1, DIM), jnp.float32))
  return pl.pallas_call(
      functools.partial(_mlp_body, n_real, grid, col_split, last),
      grid=(grid,),
      in_specs=in_specs,
      out_specs=out_specs,
      out_shape=out_shape,
  )


def kernel(x, edge_index, Wstart, bstart, gstart, btstart, W1s, b1s, g1s,
           bt1s, W2s, b2s, gbns, btbns, gembd, btembd, Wlin, blin):
  f32 = jnp.float32
  pad_ids = jnp.arange(E_PAD - N_EDGES, dtype=jnp.int32)
  src = jnp.concatenate([edge_index[0], pad_ids % N_NODES])
  dst = jnp.concatenate(
      [edge_index[1], N_NODES + pad_ids % (N_PAD[0] - N_NODES)])
  src3 = src.reshape(N_SUB, CHUNKS_PER_SUB, CHUNK)
  dst3 = dst.reshape(N_SUB, CHUNKS_PER_SUB, CHUNK)
  src32 = src.reshape(32, CHUNKS_FULL, CHUNK)
  dst32 = dst.reshape(32, CHUNKS_FULL, CHUNK)

  vstart = jnp.stack([bstart, gstart, btstart]).astype(f32)
  h = _make_start(N_PAD[0], N_NODES)(x, Wstart, vstart)

  rr = lax.broadcasted_iota(jnp.int32, (BLK // 2, BLK), 0)
  cc = lax.broadcasted_iota(jnp.int32, (BLK // 2, BLK), 1)
  pmat = jnp.where(rr == cc // 2, INV_SQRT2, 0.0).astype(f32)

  w3 = jnp.pad(
      Wlin.reshape(N_LAYERS, DIM, N_CLASSES),
      ((0, 0), (0, 0), (0, DIM - N_CLASSES)))
  b3 = jnp.pad(blin, (0, DIM - N_CLASSES)).reshape(1, DIM)

  css = []
  for i in range(N_LAYERS):
    col_split = i == 0
    if col_split:
      agg = _make_sc_agg(N_PAD[i], i)(h.reshape(-1, HALF), src3, dst3)
    else:
      agg = _make_sc_agg_full(N_PAD[i], i)(h, src32, dst32)
    v6 = jnp.stack([b1s[i], g1s[i], bt1s[i], b2s[i], gbns[i], btbns[i]])
    mlp = _make_mlp(N_PAD[i], N_REAL[i], col_split, i == N_LAYERS - 1)
    if i < N_LAYERS - 1:
      h, cs = mlp(h, agg, agg, W1s[i], W2s[i], v6, pmat)
      css.append(cs)
    else:
      cs01 = jnp.concatenate(css, axis=0)
      _, _, out = mlp(h, agg, agg, W1s[i], W2s[i], v6, pmat, cs01, gembd,
                      btembd, w3, b3)
  return out[:, :N_CLASSES]

# --- scband reference (transcript-rebuilt; emitter-appended) ---
"""Pipeline reference for scband-haar-pool-47493748359650 (READ-ONLY COPY).

The authoritative reference and input builder live on the scoring server;
editing this copy changes nothing except your own understanding.
"""

import jax, jax.numpy as jnp
import numpy as np

N = 10000
D = 128
E = 320000
HID = 128
L = 3
NC = 10


def setup_inputs(seed: int = 0) -> dict:
    key = jax.random.key(seed)
    ks = jax.random.split(key, 8)
    x = jax.random.normal(ks[0], (N, D), dtype=jnp.float32)
    edge_index = jax.random.randint(ks[1], (2, E), 0, N, dtype=jnp.int32)
    s_in = 1.0 / np.sqrt(D)
    s_h = 1.0 / np.sqrt(HID)
    Wstart = jax.random.normal(ks[2], (D, HID), dtype=jnp.float32) * s_in
    bstart = jnp.zeros((HID,), jnp.float32)
    gstart = jnp.ones((HID,), jnp.float32)
    btstart = jnp.zeros((HID,), jnp.float32)
    W1s = jax.random.normal(ks[3], (L, HID, HID), dtype=jnp.float32) * s_h
    b1s = jnp.zeros((L, HID), jnp.float32)
    g1s = jnp.ones((L, HID), jnp.float32)
    bt1s = jnp.zeros((L, HID), jnp.float32)
    W2s = jax.random.normal(ks[4], (L, HID, HID), dtype=jnp.float32) * s_h
    b2s = jnp.zeros((L, HID), jnp.float32)
    gbns = jnp.ones((L, HID), jnp.float32)
    btbns = jnp.zeros((L, HID), jnp.float32)
    gembd = jnp.ones((L, HID), jnp.float32)
    btembd = jnp.zeros((L, HID), jnp.float32)
    Wlin = jax.random.normal(ks[5], (L * HID, NC), dtype=jnp.float32) * (1.0 / np.sqrt(L * HID))
    blin = jnp.zeros((NC,), jnp.float32)
    return dict(x=x, edge_index=edge_index, Wstart=Wstart, bstart=bstart, gstart=gstart,
                btstart=btstart, W1s=W1s, b1s=b1s, g1s=g1s, bt1s=bt1s, W2s=W2s, b2s=b2s,
                gbns=gbns, btbns=btbns, gembd=gembd, btembd=btembd, Wlin=Wlin, blin=blin)


def reference(x, edge_index, Wstart, bstart, gstart, btstart, W1s, b1s, g1s, bt1s,
              W2s, b2s, gbns, btbns, gembd, btembd, Wlin, blin):
    relu = jax.nn.relu
    # lin_before_conv: Linear + eval-mode BatchNorm1d + ReLU
    h = relu(gstart * (x @ Wstart + bstart) + btstart)
    ei = edge_index
    n = x.shape[0]
    embds = []
    for i in range(L):
        # GINConv with eps=0: mlp(x + sum_{j in N(i)} x_j)
        agg = jnp.zeros((n, h.shape[1]), h.dtype).at[ei[1]].add(h[ei[0]])
        z = (h + agg) @ W1s[i] + b1s[i]
        z = relu(g1s[i] * z + bt1s[i])
        z = z @ W2s[i] + b2s[i]
        h = relu(gbns[i] * z + btbns[i])
        # HaarPooling layer i: pairwise Haar coarsening (chain/tree level), ratio=0.5
        m = (n + 1) // 2
        cluster = jnp.arange(n) // 2
        cnt = jax.ops.segment_sum(jnp.ones((n,), h.dtype), cluster, num_segments=m)
        w = 1.0 / jnp.sqrt(jnp.maximum(cnt, 1.0))
        h = jax.ops.segment_sum(h * w[cluster][:, None], cluster, num_segments=m)
        ei = cluster[ei]
        n = m
        # global_add_pool over the single graph, then eval-mode BN + ReLU (dropout is eval no-op)
        embd = jnp.sum(h, axis=0, keepdims=True)
        embd = relu(gembd[i] * embd + btembd[i])
        embds.append(embd)
    e = jnp.concatenate(embds, axis=-1)
    return e @ Wlin + blin

if __name__ == "__main__":
    import jax
    _d = setup_inputs()
    print(jax.jit(kernel)(*tuple(_d.values())))

</pallas_src>

<mosaic_0001>
#map = affine_map<(d0, d1) -> (0, 0)>
#map1 = affine_map<(d0, d1) -> (0, 0, 0)>
module attributes {stable_mosaic.version = 14 : i64} {
  func.func @sc_agg(%arg0: i32, %arg1: i32, %arg2: memref<20480x64xf32, #tpu.memory_space<hbm>>, %arg3: memref<16x160x128xi32, #tpu.memory_space<hbm>>, %arg4: memref<16x160x128xi32, #tpu.memory_space<hbm>>, %arg5: memref<2x10240x64xf32, #tpu.memory_space<hbm>>, %arg6: memref<160x128xi32, #tpu.memory_space<vmem>>, %arg7: memref<160x128xi32, #tpu.memory_space<vmem>>, %arg8: memref<128x64xf32, #tpu.memory_space<vmem>>, %arg9: memref<128x64xf32, #tpu.memory_space<vmem>>, %arg10: memref<32x64xf32, #tpu.memory_space<vmem>>, %arg11: memref<10240x64xf32, #tpu.memory_space<vmem_shared>>, %arg12: memref<!tpu.dma_semaphore, #tpu.memory_space<semaphore_mem>>, %arg13: memref<!tpu.dma_semaphore, #tpu.memory_space<semaphore_mem>>) attributes {dimension_semantics = [#tpu.dimension_semantics<core_parallel>, #tpu.dimension_semantics<subcore_parallel>], iteration_bounds = array<i64: 2, 16>, scalar_prefetch = 0 : i64, scratch_operands = 8 : i64, tpu.core_type = #tpu.core_type<sc_vector_subcore>, window_params = [{transform_indices = #map}, {transform_indices = #map1}, {transform_indices = #map1}, {transform_indices = #map1}]} {
    %scan3A = arith.constant 0 : i32
    %scan3A_0 = arith.constant 32 : i32
    %scan3A_1 = arith.addi %scan3A, %scan3A_0 : i32
    %scan3A_2 = arith.constant 1 : i32
    scf.for %scan3A_32 = %scan3A to %scan3A_1 step %scan3A_2  : i32 {
      %mul3A_33 = arith.constant 1 : i32
      %mul3A_34 = arith.muli %scan3A_32, %mul3A_33 : i32
      %add3A = arith.constant 0 : i32
      %add3A_35 = arith.addi %add3A, %mul3A_34 : i32
      %scan3A_36 = arith.constant 0 : i32
      %scan3A_37 = arith.constant 4 : i32
      %scan3A_38 = arith.addi %scan3A_36, %scan3A_37 : i32
      %scan3A_39 = arith.constant 1 : i32
      scf.for %scan3A_41 = %scan3A_36 to %scan3A_38 step %scan3A_39  : i32 {
        %mul3A_42 = arith.constant 16 : i32
        %mul3A_43 = arith.muli %scan3A_41, %mul3A_42 : i32
        %add3A_44 = arith.constant 0 : i32
        %add3A_45 = arith.addi %add3A_44, %mul3A_43 : i32
        %broadcast_in_dim3A = arith.constant 0.000000e+00 : f32
        %broadcast_in_dim3A_46 = vector.broadcast %broadcast_in_dim3A : f32 to vector<16xf32>
        %swap3A = arith.index_cast %add3A_35 : i32 to index
        %swap3A_47 = arith.index_cast %add3A_45 : i32 to index
        %swap3A_48 = tpu.vector_load %arg10[%swap3A, %swap3A_47] {strides = array<i32>} : memref<32x64xf32, #tpu.memory_space<vmem>>, vector<1x16xf32>,
        %swap3A_49 = vector.shape_cast %swap3A_48 : vector<1x16xf32> to vector<16xf32>
        %swap3A_50 = vector.shape_cast %broadcast_in_dim3A_46 : vector<16xf32> to vector<1x16xf32>
        tpu.vector_store %arg10[%swap3A, %swap3A_47], %swap3A_50 {strides = array<i32>} : memref<32x64xf32, #tpu.memory_space<vmem>>, vector<1x16xf32>,
      }
      %scan3A_40 = arith.constant 4 : i32
    }
    %scan3A_3 = arith.constant 32 : i32
    %mul3A = arith.constant 640 : i32
    %mul3A_4 = arith.muli %arg1, %mul3A : i32
    %scan3A_5 = arith.constant 0 : i32
    %scan3A_6 = arith.constant 20 : i32
    %scan3A_7 = arith.addi %scan3A_5, %scan3A_6 : i32
    %scan3A_8 = arith.constant 1 : i32
    scf.for %scan3A_32 = %scan3A_5 to %scan3A_7 step %scan3A_8  : i32 {
      %mul3A_33 = arith.constant 32 : i32
      %mul3A_34 = arith.muli %scan3A_32, %mul3A_33 : i32
      %add3A = arith.constant 0 : i32
      %add3A_35 = arith.addi %add3A, %mul3A_34 : i32
      %add3A_36 = arith.addi %mul3A_4, %add3A_35 : i32
      "tpu.region"() ({
        %run_scoped3A = tpu.sem_alloc : memref<!tpu.dma_semaphore, #tpu.memory_space<semaphore_mem>>
        %dma_start3A_37 = arith.constant 0 : i32
        %dma_start3A_38 = tpu.memref_slice %arg11[%add3A_36, %dma_start3A_37] : memref<10240x64xf32, #tpu.memory_space<vmem_shared>> -> memref<32x64xf32, #tpu.memory_space<vmem_shared>>
        %dma_start3A_39 = arith.constant 0 : i32
        %dma_start3A_40 = tpu.memref_slice %arg11[%add3A_36, %dma_start3A_39] : memref<10240x64xf32, #tpu.memory_space<vmem_shared>> -> memref<32x64xf32, #tpu.memory_space<vmem_shared>>
        tpu.enqueue_dma source(%arg10 : memref<32x64xf32, #tpu.memory_space<vmem>>) target(%dma_start3A_40 : memref<32x64xf32, #tpu.memory_space<vmem_shared>>) target_semaphore(%run_scoped3A : memref<!tpu.dma_semaphore, #tpu.memory_space<semaphore_mem>>)
        %dma_wait3A = arith.constant 0 : i32
        %dma_wait3A_41 = tpu.memref_slice %arg11[%add3A_36, %dma_wait3A] : memref<10240x64xf32, #tpu.memory_space<vmem_shared>> -> memref<32x64xf32, #tpu.memory_space<vmem_shared>>
        %dma_wait3A_42 = arith.constant 0 : i32
        %dma_wait3A_43 = tpu.memref_slice %arg11[%add3A_36, %dma_wait3A_42] : memref<10240x64xf32, #tpu.memory_space<vmem_shared>> -> memref<32x64xf32, #tpu.memory_space<vmem_shared>>
        tpu.wait_dma2 semaphore(%run_scoped3A : memref<!tpu.dma_semaphore, #tpu.memory_space<semaphore_mem>>) src(%arg10 : memref<32x64xf32, #tpu.memory_space<vmem>>) dst(%dma_wait3A_43 : memref<32x64xf32, #tpu.memory_space<vmem_shared>>)
        tpu.yield
      }) : () -> ()
    }
    %scan3A_9 = arith.constant 20 : i32
    "tpu.region"() ({
      %run_scoped3A = tpu.sem_alloc : memref<!tpu.dma_semaphore, #tpu.memory_space<semaphore_mem>>
      %dma_start3A_32 = arith.constant 0 : i32
      %dma_start3A_33 = arith.constant 0 : i32
      %dma_start3A_34 = tpu.memref_slice %arg3[%arg1, %dma_start3A_32, %dma_start3A_33] : memref<16x160x128xi32, #tpu.memory_space<hbm>> -> memref<1x160x128xi32, #tpu.memory_space<hbm>>
      %dma_start3A_35 = tpu.memref_squeeze %dma_start3A_34 : memref<1x160x128xi32, #tpu.memory_space<hbm>> -> memref<160x128xi32, #tpu.memory_space<hbm>>
      %dma_start3A_36 = arith.constant 0 : i32
      %dma_start3A_37 = arith.constant 0 : i32
      %dma_start3A_38 = tpu.memref_slice %arg3[%arg1, %dma_start3A_36, %dma_start3A_37] : memref<16x160x128xi32, #tpu.memory_space<hbm>> -> memref<1x160x128xi32, #tpu.memory_space<hbm>>
      %dma_start3A_39 = tpu.memref_squeeze %dma_start3A_38 : memref<1x160x128xi32, #tpu.memory_space<hbm>> -> memref<160x128xi32, #tpu.memory_space<hbm>>
      tpu.enqueue_dma source(%dma_start3A_39 : memref<160x128xi32, #tpu.memory_space<hbm>>) target(%arg6 : memref<160x128xi32, #tpu.memory_space<vmem>>) target_semaphore(%run_scoped3A : memref<!tpu.dma_semaphore, #tpu.memory_space<semaphore_mem>>)
      %dma_wait3A = arith.constant 0 : i32
      %dma_wait3A_40 = arith.constant 0 : i32
      %dma_wait3A_41 = tpu.memref_slice %arg3[%arg1, %dma_wait3A, %dma_wait3A_40] : memref<16x160x128xi32, #tpu.memory_space<hbm>> -> memref<1x160x128xi32, #tpu.memory_space<hbm>>
      %dma_wait3A_42 = tpu.memref_squeeze %dma_wait3A_41 : memref<1x160x128xi32, #tpu.memory_space<hbm>> -> memref<160x128xi32, #tpu.memory_space<hbm>>
      %dma_wait3A_43 = arith.constant 0 : i32
      %dma_wait3A_44 = arith.constant 0 : i32
      %dma_wait3A_45 = tpu.memref_slice %arg3[%arg1, %dma_wait3A_43, %dma_wait3A_44] : memref<16x160x128xi32, #tpu.memory_space<hbm>> -> memref<1x160x128xi32, #tpu.memory_space<hbm>>
      %dma_wait3A_46 = tpu.memref_squeeze %dma_wait3A_45 : memref<1x160x128xi32, #tpu.memory_space<hbm>> -> memref<160x128xi32, #tpu.memory_space<hbm>>
      tpu.wait_dma2 semaphore(%run_scoped3A : memref<!tpu.dma_semaphore, #tpu.memory_space<semaphore_mem>>) src(%dma_wait3A_46 : memref<160x128xi32, #tpu.memory_space<hbm>>) dst(%arg6 : memref<160x128xi32, #tpu.memory_space<vmem>>)
      tpu.yield
    }) : () -> ()
    "tpu.region"() ({
      %run_scoped3A = tpu.sem_alloc : memref<!tpu.dma_semaphore, #tpu.memory_space<semaphore_mem>>
      %dma_start3A_32 = arith.constant 0 : i32
      %dma_start3A_33 = arith.constant 0 : i32
      %dma_start3A_34 = tpu.memref_slice %arg4[%arg1, %dma_start3A_32, %dma_start3A_33] : memref<16x160x128xi32, #tpu.memory_space<hbm>> -> memref<1x160x128xi32, #tpu.memory_space<hbm>>
      %dma_start3A_35 = tpu.memref_squeeze %dma_start3A_34 : memref<1x160x128xi32, #tpu.memory_space<hbm>> -> memref<160x128xi32, #tpu.memory_space<hbm>>
      %dma_start3A_36 = arith.constant 0 : i32
      %dma_start3A_37 = arith.constant 0 : i32
      %dma_start3A_38 = tpu.memref_slice %arg4[%arg1, %dma_start3A_36, %dma_start3A_37] : memref<16x160x128xi32, #tpu.memory_space<hbm>> -> memref<1x160x128xi32, #tpu.memory_space<hbm>>
      %dma_start3A_39 = tpu.memref_squeeze %dma_start3A_38 : memref<1x160x128xi32, #tpu.memory_space<hbm>> -> memref<160x128xi32, #tpu.memory_space<hbm>>
      tpu.enqueue_dma source(%dma_start3A_39 : memref<160x128xi32, #tpu.memory_space<hbm>>) target(%arg7 : memref<160x128xi32, #tpu.memory_space<vmem>>) target_semaphore(%run_scoped3A : memref<!tpu.dma_semaphore, #tpu.memory_space<semaphore_mem>>)
      %dma_wait3A = arith.constant 0 : i32
      %dma_wait3A_40 = arith.constant 0 : i32
      %dma_wait3A_41 = tpu.memref_slice %arg4[%arg1, %dma_wait3A, %dma_wait3A_40] : memref<16x160x128xi32, #tpu.memory_space<hbm>> -> memref<1x160x128xi32, #tpu.memory_space<hbm>>
      %dma_wait3A_42 = tpu.memref_squeeze %dma_wait3A_41 : memref<1x160x128xi32, #tpu.memory_space<hbm>> -> memref<160x128xi32, #tpu.memory_space<hbm>>
      %dma_wait3A_43 = arith.constant 0 : i32
      %dma_wait3A_44 = arith.constant 0 : i32
      %dma_wait3A_45 = tpu.memref_slice %arg4[%arg1, %dma_wait3A_43, %dma_wait3A_44] : memref<16x160x128xi32, #tpu.memory_space<hbm>> -> memref<1x160x128xi32, #tpu.memory_space<hbm>>
      %dma_wait3A_46 = tpu.memref_squeeze %dma_wait3A_45 : memref<1x160x128xi32, #tpu.memory_space<hbm>> -> memref<160x128xi32, #tpu.memory_space<hbm>>
      tpu.wait_dma2 semaphore(%run_scoped3A : memref<!tpu.dma_semaphore, #tpu.memory_space<semaphore_mem>>) src(%dma_wait3A_46 : memref<160x128xi32, #tpu.memory_space<hbm>>) dst(%arg7 : memref<160x128xi32, #tpu.memory_space<vmem>>)
      tpu.yield
    }) : () -> ()
    %scan3A_10 = arith.constant 0 : i32
    %scan3A_11 = arith.constant 160 : i32
    %scan3A_12 = arith.addi %scan3A_10, %scan3A_11 : i32
    %scan3A_13 = arith.constant 1 : i32
    scf.for %scan3A_32 = %scan3A_10 to %scan3A_12 step %scan3A_13  : i32 {
      %mul3A_33 = arith.constant 1 : i32
      %mul3A_34 = arith.muli %scan3A_32, %mul3A_33 : i32
      %add3A = arith.constant 0 : i32
      %add3A_35 = arith.addi %add3A, %mul3A_34 : i32
      %get3A = arith.index_cast %add3A_35 : i32 to index
      %get3A_36 = arith.constant 0 : index
      %get3A_37 = tpu.vector_load %arg6[%get3A, %get3A_36] {strides = array<i32>} : memref<160x128xi32, #tpu.memory_space<vmem>>, vector<1x16xi32>,
      %get3A_38 = vector.shape_cast %get3A_37 : vector<1x16xi32> to vector<16xi32>
      %shift_left3A = arith.constant 1 : i32
      %shift_left3A_39 = vector.broadcast %shift_left3A : i32 to vector<16xi32>
      %shift_left3A_40 = arith.shli %get3A_38, %shift_left3A_39 : vector<16xi32>
      %or3A = vector.broadcast %arg0 : i32 to vector<16xi32>
      %or3A_41 = arith.ori %shift_left3A_40, %or3A : vector<16xi32>
      %swap3A = arith.index_cast %add3A_35 : i32 to index
      %swap3A_42 = arith.constant 0 : index
      %swap3A_43 = tpu.vector_load %arg6[%swap3A, %swap3A_42] {strides = array<i32>} : memref<160x128xi32, #tpu.memory_space<vmem>>, vector<1x16xi32>,
      %swap3A_44 = vector.shape_cast %swap3A_43 : vector<1x16xi32> to vector<16xi32>
      %swap3A_45 = vector.shape_cast %or3A_41 : vector<16xi32> to vector<1x16xi32>
      tpu.vector_store %arg6[%swap3A, %swap3A_42], %swap3A_45 {strides = array<i32>} : memref<160x128xi32, #tpu.memory_space<vmem>>, vector<1x16xi32>,
      %get3A_46 = arith.index_cast %add3A_35 : i32 to index
      %get3A_47 = arith.constant 16 : index
      %get3A_48 = tpu.vector_load %arg6[%get3A_46, %get3A_47] {strides = array<i32>} : memref<160x128xi32, #tpu.memory_space<vmem>>, vector<1x16xi32>,
      %get3A_49 = vector.shape_cast %get3A_48 : vector<1x16xi32> to vector<16xi32>
      %shift_left3A_50 = arith.constant 1 : i32
      %shift_left3A_51 = vector.broadcast %shift_left3A_50 : i32 to vector<16xi32>
      %shift_left3A_52 = arith.shli %get3A_49, %shift_left3A_51 : vector<16xi32>
      %or3A_53 = vector.broadcast %arg0 : i32 to vector<16xi32>
      %or3A_54 = arith.ori %shift_left3A_52, %or3A_53 : vector<16xi32>
      %swap3A_55 = arith.index_cast %add3A_35 : i32 to index
      %swap3A_56 = arith.constant 16 : index
      %swap3A_57 = tpu.vector_load %arg6[%swap3A_55, %swap3A_56] {strides = array<i32>} : memref<160x128xi32, #tpu.memory_space<vmem>>, vector<1x16xi32>,
      %swap3A_58 = vector.shape_cast %swap3A_57 : vector<1x16xi32> to vector<16xi32>
      %swap3A_59 = vector.shape_cast %or3A_54 : vector<16xi32> to vector<1x16xi32>
      tpu.vector_store %arg6[%swap3A_55, %swap3A_56], %swap3A_59 {strides = array<i32>} : memref<160x128xi32, #tpu.memory_space<vmem>>, vector<1x16xi32>,
      %get3A_60 = arith.index_cast %add3A_35 : i32 to index
      %get3A_61 = arith.constant 32 : index
      %get3A_62 = tpu.vector_load %arg6[%get3A_60, %get3A_61] {strides = array<i32>} : memref<160x128xi32, #tpu.memory_space<vmem>>, vector<1x16xi32>,
      %get3A_63 = vector.shape_cast %get3A_62 : vector<1x16xi32> to vector<16xi32>
      %shift_left3A_64 = arith.constant 1 : i32
      %shift_left3A_65 = vector.broadcast %shift_left3A_64 : i32 to vector<16xi32>
      %shift_left3A_66 = arith.shli %get3A_63, %shift_left3A_65 : vector<16xi32>
      %or3A_67 = vector.broadcast %arg0 : i32 to vector<16xi32>
      %or3A_68 = arith.ori %shift_left3A_66, %or3A_67 : vector<16xi32>
      %swap3A_69 = arith.index_cast %add3A_35 : i32 to index
      %swap3A_70 = arith.constant 32 : index
      %swap3A_71 = tpu.vector_load %arg6[%swap3A_69, %swap3A_70] {strides = array<i32>} : memref<160x128xi32, #tpu.memory_space<vmem>>, vector<1x16xi32>,
      %swap3A_72 = vector.shape_cast %swap3A_71 : vector<1x16xi32> to vector<16xi32>
      %swap3A_73 = vector.shape_cast %or3A_68 : vector<16xi32> to vector<1x16xi32>
      tpu.vector_store %arg6[%swap3A_69, %swap3A_70], %swap3A_73 {strides = array<i32>} : memref<160x128xi32, #tpu.memory_space<vmem>>, vector<1x16xi32>,
      %get3A_74 = arith.index_cast %add3A_35 : i32 to index
      %get3A_75 = arith.constant 48 : index
      %get3A_76 = tpu.vector_load %arg6[%get3A_74, %get3A_75] {strides = array<i32>} : memref<160x128xi32, #tpu.memory_space<vmem>>, vector<1x16xi32>,
      %get3A_77 = vector.shape_cast %get3A_76 : vector<1x16xi32> to vector<16xi32>
      %shift_left3A_78 = arith.constant 1 : i32
      %shift_left3A_79 = vector.broadcast %shift_left3A_78 : i32 to vector<16xi32>
      %shift_left3A_80 = arith.shli %get3A_77, %shift_left3A_79 : vector<16xi32>
      %or3A_81 = vector.broadcast %arg0 : i32 to vector<16xi32>
      %or3A_82 = arith.ori %shift_left3A_80, %or3A_81 : vector<16xi32>
      %swap3A_83 = arith.index_cast %add3A_35 : i32 to index
      %swap3A_84 = arith.constant 48 : index
      %swap3A_85 = tpu.vector_load %arg6[%swap3A_83, %swap3A_84] {strides = array<i32>} : memref<160x128xi32, #tpu.memory_space<vmem>>, vector<1x16xi32>,
      %swap3A_86 = vector.shape_cast %swap3A_85 : vector<1x16xi32> to vector<16xi32>
      %swap3A_87 = vector.shape_cast %or3A_82 : vector<16xi32> to vector<1x16xi32>
      tpu.vector_store %arg6[%swap3A_83, %swap3A_84], %swap3A_87 {strides = array<i32>} : memref<160x128xi32, #tpu.memory_space<vmem>>, vector<1x16xi32>,
      %get3A_88 = arith.index_cast %add3A_35 : i32 to index
      %get3A_89 = arith.constant 64 : index
      %get3A_90 = tpu.vector_load %arg6[%get3A_88, %get3A_89] {strides = array<i32>} : memref<160x128xi32, #tpu.memory_space<vmem>>, vector<1x16xi32>,
      %get3A_91 = vector.shape_cast %get3A_90 : vector<1x16xi32> to vector<16xi32>
      %shift_left3A_92 = arith.constant 1 : i32
      %shift_left3A_93 = vector.broadcast %shift_left3A_92 : i32 to vector<16xi32>
      %shift_left3A_94 = arith.shli %get3A_91, %shift_left3A_93 : vector<16xi32>
      %or3A_95 = vector.broadcast %arg0 : i32 to vector<16xi32>
      %or3A_96 = arith.ori %shift_left3A_94, %or3A_95 : vector<16xi32>
      %swap3A_97 = arith.index_cast %add3A_35 : i32 to index
      %swap3A_98 = arith.constant 64 : index
      %swap3A_99 = tpu.vector_load %arg6[%swap3A_97, %swap3A_98] {strides = array<i32>} : memref<160x128xi32, #tpu.memory_space<vmem>>, vector<1x16xi32>,
      %swap3A_100 = vector.shape_cast %swap3A_99 : vector<1x16xi32> to vector<16xi32>
      %swap3A_101 = vector.shape_cast %or3A_96 : vector<16xi32> to vector<1x16xi32>
      tpu.vector_store %arg6[%swap3A_97, %swap3A_98], %swap3A_101 {strides = array<i32>} : memref<160x128xi32, #tpu.memory_space<vmem>>, vector<1x16xi32>,
      %get3A_102 = arith.index_cast %add3A_35 : i32 to index
      %get3A_103 = arith.constant 80 : index
      %get3A_104 = tpu.vector_load %arg6[%get3A_102, %get3A_103] {strides = array<i32>} : memref<160x128xi32, #tpu.memory_space<vmem>>, vector<1x16xi32>,
      %get3A_105 = vector.shape_cast %get3A_104 : vector<1x16xi32> to vector<16xi32>
      %shift_left3A_106 = arith.constant 1 : i32
      %shift_left3A_107 = vector.broadcast %shift_left3A_106 : i32 to vector<16xi32>
      %shift_left3A_108 = arith.shli %get3A_105, %shift_left3A_107 : vector<16xi32>
      %or3A_109 = vector.broadcast %arg0 : i32 to vector<16xi32>
      %or3A_110 = arith.ori %shift_left3A_108, %or3A_109 : vector<16xi32>
      %swap3A_111 = arith.index_cast %add3A_35 : i32 to index
      %swap3A_112 = arith.constant 80 : index
      %swap3A_113 = tpu.vector_load %arg6[%swap3A_111, %swap3A_112] {strides = array<i32>} : memref<160x128xi32, #tpu.memory_space<vmem>>, vector<1x16xi32>,
      %swap3A_114 = vector.shape_cast %swap3A_113 : vector<1x16xi32> to vector<16xi32>
      %swap3A_115 = vector.shape_cast %or3A_110 : vector<16xi32> to vector<1x16xi32>
      tpu.vector_store %arg6[%swap3A_111, %swap3A_112], %swap3A_115 {strides = array<i32>} : memref<160x128xi32, #tpu.memory_space<vmem>>, vector<1x16xi32>,
      %get3A_116 = arith.index_cast %add3A_35 : i32 to index
      %get3A_117 = arith.constant 96 : index
      %get3A_118 = tpu.vector_load %arg6[%get3A_116, %get3A_117] {strides = array<i32>} : memref<160x128xi32, #tpu.memory_space<vmem>>, vector<1x16xi32>,
      %get3A_119 = vector.shape_cast %get3A_118 : vector<1x16xi32> to vector<16xi32>
      %shift_left3A_120 = arith.constant 1 : i32
      %shift_left3A_121 = vector.broadcast %shift_left3A_120 : i32 to vector<16xi32>
      %shift_left3A_122 = arith.shli %get3A_119, %shift_left3A_121 : vector<16xi32>
      %or3A_123 = vector.broadcast %arg0 : i32 to vector<16xi32>
      %or3A_124 = arith.ori %shift_left3A_122, %or3A_123 : vector<16xi32>
      %swap3A_125 = arith.index_cast %add3A_35 : i32 to index
      %swap3A_126 = arith.constant 96 : index
      %swap3A_127 = tpu.vector_load %arg6[%swap3A_125, %swap3A_126] {strides = array<i32>} : memref<160x128xi32, #tpu.memory_space<vmem>>, vector<1x16xi32>,
      %swap3A_128 = vector.shape_cast %swap3A_127 : vector<1x16xi32> to vector<16xi32>
      %swap3A_129 = vector.shape_cast %or3A_124 : vector<16xi32> to vector<1x16xi32>
      tpu.vector_store %arg6[%swap3A_125, %swap3A_126], %swap3A_129 {strides = array<i32>} : memref<160x128xi32, #tpu.memory_space<vmem>>, vector<1x16xi32>,
      %get3A_130 = arith.index_cast %add3A_35 : i32 to index
      %get3A_131 = arith.constant 112 : index
      %get3A_132 = tpu.vector_load %arg6[%get3A_130, %get3A_131] {strides = array<i32>} : memref<160x128xi32, #tpu.memory_space<vmem>>, vector<1x16xi32>,
      %get3A_133 = vector.shape_cast %get3A_132 : vector<1x16xi32> to vector<16xi32>
      %shift_left3A_134 = arith.constant 1 : i32
      %shift_left3A_135 = vector.broadcast %shift_left3A_134 : i32 to vector<16xi32>
      %shift_left3A_136 = arith.shli %get3A_133, %shift_left3A_135 : vector<16xi32>
      %or3A_137 = vector.broadcast %arg0 : i32 to vector<16xi32>
      %or3A_138 = arith.ori %shift_left3A_136, %or3A_137 : vector<16xi32>
      %swap3A_139 = arith.index_cast %add3A_35 : i32 to index
      %swap3A_140 = arith.constant 112 : index
      %swap3A_141 = tpu.vector_load %arg6[%swap3A_139, %swap3A_140] {strides = array<i32>} : memref<160x128xi32, #tpu.memory_space<vmem>>, vector<1x16xi32>,
      %swap3A_142 = vector.shape_cast %swap3A_141 : vector<1x16xi32> to vector<16xi32>
      %swap3A_143 = vector.shape_cast %or3A_138 : vector<16xi32> to vector<1x16xi32>
      tpu.vector_store %arg6[%swap3A_139, %swap3A_140], %swap3A_143 {strides = array<i32>} : memref<160x128xi32, #tpu.memory_space<vmem>>, vector<1x16xi32>,
    }
    %scan3A_14 = arith.constant 160 : i32
    %barrier3A = arith.constant 0 : index
    tpu.barrier barrier_id(%barrier3A)
    %dma_start3A = arith.constant 0 : i32
    %dma_start3A_15 = arith.constant 0 : i32
    %dma_start3A_16 = tpu.memref_slice %arg6[%dma_start3A, %dma_start3A_15] : memref<160x128xi32, #tpu.memory_space<vmem>> -> memref<1x128xi32, #tpu.memory_space<vmem>>
    %dma_start3A_17 = tpu.memref_squeeze %dma_start3A_16 : memref<1x128xi32, #tpu.memory_space<vmem>> -> memref<128xi32, #tpu.memory_space<vmem>>
    %dma_start3A_18 = arith.constant 0 : i32
    %dma_start3A_19 = arith.constant 0 : i32
    %dma_start3A_20 = tpu.memref_slice %arg2[%dma_start3A_18, %dma_start3A_19] : memref<20480x64xf32, #tpu.memory_space<hbm>> -> memref<20480x64xf32, #tpu.memory_space<hbm>>
    tpu.enqueue_indirect_dma source(%dma_start3A_20 : memref<20480x64xf32, #tpu.memory_space<hbm>>) target(%arg8 : memref<128x64xf32, #tpu.memory_space<vmem>>) offsets(%dma_start3A_17 : memref<128xi32, #tpu.memory_space<vmem>>) semaphore(%arg12 : memref<!tpu.dma_semaphore, #tpu.memory_space<semaphore_mem>>)
    %scan3A_21 = arith.constant 0 : i32
    %scan3A_22 = arith.constant 80 : i32
    %scan3A_23 = arith.addi %scan3A_21, %scan3A_22 : i32
    %scan3A_24 = arith.constant 1 : i32
    scf.for %scan3A_32 = %scan3A_21 to %scan3A_23 step %scan3A_24  : i32 {
      %mul3A_33 = arith.constant 2 : i32
      %mul3A_34 = arith.muli %scan3A_32, %mul3A_33 : i32
      %add3A = arith.constant 0 : i32
      %add3A_35 = arith.addi %add3A, %mul3A_34 : i32
      %add3A_36 = arith.constant 1 : i32
      %add3A_37 = arith.addi %add3A_35, %add3A_36 : i32
      %dma_start3A_38 = arith.constant 0 : i32
      %dma_start3A_39 = tpu.memref_slice %arg6[%add3A_37, %dma_start3A_38] : memref<160x128xi32, #tpu.memory_space<vmem>> -> memref<1x128xi32, #tpu.memory_space<vmem>>
      %dma_start3A_40 = tpu.memref_squeeze %dma_start3A_39 : memref<1x128xi32, #tpu.memory_space<vmem>> -> memref<128xi32, #tpu.memory_space<vmem>>
      %dma_start3A_41 = arith.constant 0 : i32
      %dma_start3A_42 = arith.constant 0 : i32
      %dma_start3A_43 = tpu.memref_slice %arg2[%dma_start3A_41, %dma_start3A_42] : memref<20480x64xf32, #tpu.memory_space<hbm>> -> memref<20480x64xf32, #tpu.memory_space<hbm>>
      tpu.enqueue_indirect_dma source(%dma_start3A_43 : memref<20480x64xf32, #tpu.memory_space<hbm>>) target(%arg9 : memref<128x64xf32, #tpu.memory_space<vmem>>) offsets(%dma_start3A_40 : memref<128xi32, #tpu.memory_space<vmem>>) semaphore(%arg13 : memref<!tpu.dma_semaphore, #tpu.memory_space<semaphore_mem>>)
      %dma_wait3A = arith.constant 0 : i32
      %dma_wait3A_44 = arith.constant 0 : i32
      %dma_wait3A_45 = tpu.memref_slice %arg2[%dma_wait3A, %dma_wait3A_44] : memref<20480x64xf32, #tpu.memory_space<hbm>> -> memref<128x64xf32, #tpu.memory_space<hbm>>
      %dma_wait3A_46 = arith.constant 0 : i32
      %dma_wait3A_47 = arith.constant 0 : i32
      %dma_wait3A_48 = tpu.memref_slice %arg2[%dma_wait3A_46, %dma_wait3A_47] : memref<20480x64xf32, #tpu.memory_space<hbm>> -> memref<128x64xf32, #tpu.memory_space<hbm>>
      tpu.wait_dma2 semaphore(%arg12 : memref<!tpu.dma_semaphore, #tpu.memory_space<semaphore_mem>>) src(%dma_wait3A_48 : memref<128x64xf32, #tpu.memory_space<hbm>>) dst(%arg8 : memref<128x64xf32, #tpu.memory_space<vmem>>)
      "tpu.region"() ({
        %run_scoped3A = tpu.sem_alloc : memref<!tpu.dma_semaphore, #tpu.memory_space<semaphore_mem>>
        %dma_start3A_61 = arith.constant 0 : i32
        %dma_start3A_62 = tpu.memref_slice %arg7[%add3A_35, %dma_start3A_61] : memref<160x128xi32, #tpu.memory_space<vmem>> -> memref<1x128xi32, #tpu.memory_space<vmem>>
        %dma_start3A_63 = tpu.memref_squeeze %dma_start3A_62 : memref<1x128xi32, #tpu.memory_space<vmem>> -> memref<128xi32, #tpu.memory_space<vmem>>
        %dma_start3A_64 = arith.constant 0 : i32
        %dma_start3A_65 = arith.constant 0 : i32
        %dma_start3A_66 = tpu.memref_slice %arg11[%dma_start3A_64, %dma_start3A_65] : memref<10240x64xf32, #tpu.memory_space<vmem_shared>> -> memref<10240x64xf32, #tpu.memory_space<vmem_shared>>
        tpu.enqueue_indirect_dma source(%arg8 : memref<128x64xf32, #tpu.memory_space<vmem>>) target(%dma_start3A_66 : memref<10240x64xf32, #tpu.memory_space<vmem_shared>>) offsets(%dma_start3A_63 : memref<128xi32, #tpu.memory_space<vmem>>) semaphore(%run_scoped3A : memref<!tpu.dma_semaphore, #tpu.memory_space<semaphore_mem>>) {add = true}
        %dma_wait3A_67 = arith.constant 0 : i32
        %dma_wait3A_68 = tpu.memref_slice %arg7[%add3A_35, %dma_wait3A_67] : memref<160x128xi32, #tpu.memory_space<vmem>> -> memref<1x128xi32, #tpu.memory_space<vmem>>
        %dma_wait3A_69 = tpu.memref_squeeze %dma_wait3A_68 : memref<1x128xi32, #tpu.memory_space<vmem>> -> memref<128xi32, #tpu.memory_space<vmem>>
        %dma_wait3A_70 = arith.constant 0 : i32
        %dma_wait3A_71 = arith.constant 0 : i32
        %dma_wait3A_72 = tpu.memref_slice %arg11[%dma_wait3A_70, %dma_wait3A_71] : memref<10240x64xf32, #tpu.memory_space<vmem_shared>> -> memref<10240x64xf32, #tpu.memory_space<vmem_shared>>
        tpu.wait_indirect_dma semaphore(%run_scoped3A : memref<!tpu.dma_semaphore, #tpu.memory_space<semaphore_mem>>) src(%arg8 : memref<128x64xf32, #tpu.memory_space<vmem>>) dst(%dma_wait3A_72 : memref<10240x64xf32, #tpu.memory_space<vmem_shared>>)
        tpu.yield
      }) : () -> ()
      %add3A_49 = arith.constant 2 : i32
      %add3A_50 = arith.addi %add3A_35, %add3A_49 : i32
      %lt3A = arith.constant 160 : i32
      %lt3A_51 = arith.cmpi slt, %add3A_50, %lt3A : i32
      %convert_element_type3A = arith.extui %lt3A_51 : i1 to i32
      %cond3A = arith.constant 0 : i32
      %cond3A_52 = arith.cmpi ne, %convert_element_type3A, %cond3A : i32
      scf.if %cond3A_52 {
        %add3A_61 = arith.constant 2 : i32
        %add3A_62 = arith.addi %add3A_35, %add3A_61 : i32
        %dma_start3A_63 = arith.constant 0 : i32
        %dma_start3A_64 = tpu.memref_slice %arg6[%add3A_62, %dma_start3A_63] : memref<160x128xi32, #tpu.memory_space<vmem>> -> memref<1x128xi32, #tpu.memory_space<vmem>>
        %dma_start3A_65 = tpu.memref_squeeze %dma_start3A_64 : memref<1x128xi32, #tpu.memory_space<vmem>> -> memref<128xi32, #tpu.memory_space<vmem>>
        %dma_start3A_66 = arith.constant 0 : i32
        %dma_start3A_67 = arith.constant 0 : i32
        %dma_start3A_68 = tpu.memref_slice %arg2[%dma_start3A_66, %dma_start3A_67] : memref<20480x64xf32, #tpu.memory_space<hbm>> -> memref<20480x64xf32, #tpu.memory_space<hbm>>
        tpu.enqueue_indirect_dma source(%dma_start3A_68 : memref<20480x64xf32, #tpu.memory_space<hbm>>) target(%arg8 : memref<128x64xf32, #tpu.memory_space<vmem>>) offsets(%dma_start3A_65 : memref<128xi32, #tpu.memory_space<vmem>>) semaphore(%arg12 : memref<!tpu.dma_semaphore, #tpu.memory_space<semaphore_mem>>)
      } else {
      }
      %dma_wait3A_53 = arith.constant 0 : i32
      %dma_wait3A_54 = arith.constant 0 : i32
      %dma_wait3A_55 = tpu.memref_slice %arg2[%dma_wait3A_53, %dma_wait3A_54] : memref<20480x64xf32, #tpu.memory_space<hbm>> -> memref<128x64xf32, #tpu.memory_space<hbm>>
      %dma_wait3A_56 = arith.constant 0 : i32
      %dma_wait3A_57 = arith.constant 0 : i32
      %dma_wait3A_58 = tpu.memref_slice %arg2[%dma_wait3A_56, %dma_wait3A_57] : memref<20480x64xf32, #tpu.memory_space<hbm>> -> memref<128x64xf32, #tpu.memory_space<hbm>>
      tpu.wait_dma2 semaphore(%arg13 : memref<!tpu.dma_semaphore, #tpu.memory_space<semaphore_mem>>) src(%dma_wait3A_58 : memref<128x64xf32, #tpu.memory_space<hbm>>) dst(%arg9 : memref<128x64xf32, #tpu.memory_space<vmem>>)
      %add3A_59 = arith.constant 1 : i32
      %add3A_60 = arith.addi %add3A_35, %add3A_59 : i32
      "tpu.region"() ({
        %run_scoped3A = tpu.sem_alloc : memref<!tpu.dma_semaphore, #tpu.memory_space<semaphore_mem>>
        %dma_start3A_61 = arith.constant 0 : i32
        %dma_start3A_62 = tpu.memref_slice %arg7[%add3A_60, %dma_start3A_61] : memref<160x128xi32, #tpu.memory_space<vmem>> -> memref<1x128xi32, #tpu.memory_space<vmem>>
        %dma_start3A_63 = tpu.memref_squeeze %dma_start3A_62 : memref<1x128xi32, #tpu.memory_space<vmem>> -> memref<128xi32, #tpu.memory_space<vmem>>
        %dma_start3A_64 = arith.constant 0 : i32
        %dma_start3A_65 = arith.constant 0 : i32
        %dma_start3A_66 = tpu.memref_slice %arg11[%dma_start3A_64, %dma_start3A_65] : memref<10240x64xf32, #tpu.memory_space<vmem_shared>> -> memref<10240x64xf32, #tpu.memory_space<vmem_shared>>
        tpu.enqueue_indirect_dma source(%arg9 : memref<128x64xf32, #tpu.memory_space<vmem>>) target(%dma_start3A_66 : memref<10240x64xf32, #tpu.memory_space<vmem_shared>>) offsets(%dma_start3A_63 : memref<128xi32, #tpu.memory_space<vmem>>) semaphore(%run_scoped3A : memref<!tpu.dma_semaphore, #tpu.memory_space<semaphore_mem>>) {add = true}
        %dma_wait3A_67 = arith.constant 0 : i32
        %dma_wait3A_68 = tpu.memref_slice %arg7[%add3A_60, %dma_wait3A_67] : memref<160x128xi32, #tpu.memory_space<vmem>> -> memref<1x128xi32, #tpu.memory_space<vmem>>
        %dma_wait3A_69 = tpu.memref_squeeze %dma_wait3A_68 : memref<1x128xi32, #tpu.memory_space<vmem>> -> memref<128xi32, #tpu.memory_space<vmem>>
        %dma_wait3A_70 = arith.constant 0 : i32
        %dma_wait3A_71 = arith.constant 0 : i32
        %dma_wait3A_72 = tpu.memref_slice %arg11[%dma_wait3A_70, %dma_wait3A_71] : memref<10240x64xf32, #tpu.memory_space<vmem_shared>> -> memref<10240x64xf32, #tpu.memory_space<vmem_shared>>
        tpu.wait_indirect_dma semaphore(%run_scoped3A : memref<!tpu.dma_semaphore, #tpu.memory_space<semaphore_mem>>) src(%arg9 : memref<128x64xf32, #tpu.memory_space<vmem>>) dst(%dma_wait3A_72 : memref<10240x64xf32, #tpu.memory_space<vmem_shared>>)
        tpu.yield
      }) : () -> ()
    }
    %scan3A_25 = arith.constant 80 : i32
    %barrier3A_26 = arith.constant 0 : index
    tpu.barrier barrier_id(%barrier3A_26)
    %scan3A_27 = arith.constant 0 : i32
    %scan3A_28 = arith.constant 20 : i32
    %scan3A_29 = arith.addi %scan3A_27, %scan3A_28 : i32
    %scan3A_30 = arith.constant 1 : i32
    scf.for %scan3A_32 = %scan3A_27 to %scan3A_29 step %scan3A_30  : i32 {
      %mul3A_33 = arith.constant 32 : i32
      %mul3A_34 = arith.muli %scan3A_32, %mul3A_33 : i32
      %add3A = arith.constant 0 : i32
      %add3A_35 = arith.addi %add3A, %mul3A_34 : i32
      %add3A_36 = arith.addi %mul3A_4, %add3A_35 : i32
      "tpu.region"() ({
        %run_scoped3A = tpu.sem_alloc : memref<!tpu.dma_semaphore, #tpu.memory_space<semaphore_mem>>
        %dma_start3A_38 = arith.constant 0 : i32
        %dma_start3A_39 = tpu.memref_slice %arg11[%add3A_36, %dma_start3A_38] : memref<10240x64xf32, #tpu.memory_space<vmem_shared>> -> memref<32x64xf32, #tpu.memory_space<vmem_shared>>
        %dma_start3A_40 = arith.constant 0 : i32
        %dma_start3A_41 = tpu.memref_slice %arg11[%add3A_36, %dma_start3A_40] : memref<10240x64xf32, #tpu.memory_space<vmem_shared>> -> memref<32x64xf32, #tpu.memory_space<vmem_shared>>
        tpu.enqueue_dma source(%dma_start3A_41 : memref<32x64xf32, #tpu.memory_space<vmem_shared>>) target(%arg10 : memref<32x64xf32, #tpu.memory_space<vmem>>) target_semaphore(%run_scoped3A : memref<!tpu.dma_semaphore, #tpu.memory_space<semaphore_mem>>)
        %dma_wait3A = arith.constant 0 : i32
        %dma_wait3A_42 = tpu.memref_slice %arg11[%add3A_36, %dma_wait3A] : memref<10240x64xf32, #tpu.memory_space<vmem_shared>> -> memref<32x64xf32, #tpu.memory_space<vmem_shared>>
        %dma_wait3A_43 = arith.constant 0 : i32
        %dma_wait3A_44 = tpu.memref_slice %arg11[%add3A_36, %dma_wait3A_43] : memref<10240x64xf32, #tpu.memory_space<vmem_shared>> -> memref<32x64xf32, #tpu.memory_space<vmem_shared>>
        tpu.wait_dma2 semaphore(%run_scoped3A : memref<!tpu.dma_semaphore, #tpu.memory_space<semaphore_mem>>) src(%dma_wait3A_44 : memref<32x64xf32, #tpu.memory_space<vmem_shared>>) dst(%arg10 : memref<32x64xf32, #tpu.memory_space<vmem>>)
        tpu.yield
      }) : () -> ()
      %add3A_37 = arith.addi %mul3A_4, %add3A_35 : i32
      "tpu.region"() ({
        %run_scoped3A = tpu.sem_alloc : memref<!tpu.dma_semaphore, #tpu.memory_space<semaphore_mem>>
        %dma_start3A_38 = arith.constant 0 : i32
        %dma_start3A_39 = tpu.memref_slice %arg5[%arg0, %add3A_37, %dma_start3A_38] : memref<2x10240x64xf32, #tpu.memory_space<hbm>> -> memref<1x32x64xf32, #tpu.memory_space<hbm>>
        %dma_start3A_40 = tpu.memref_squeeze %dma_start3A_39 : memref<1x32x64xf32, #tpu.memory_space<hbm>> -> memref<32x64xf32, #tpu.memory_space<hbm>>
        %dma_start3A_41 = arith.constant 0 : i32
        %dma_start3A_42 = tpu.memref_slice %arg5[%arg0, %add3A_37, %dma_start3A_41] : memref<2x10240x64xf32, #tpu.memory_space<hbm>> -> memref<1x32x64xf32, #tpu.memory_space<hbm>>
        %dma_start3A_43 = tpu.memref_squeeze %dma_start3A_42 : memref<1x32x64xf32, #tpu.memory_space<hbm>> -> memref<32x64xf32, #tpu.memory_space<hbm>>
        tpu.enqueue_dma source(%arg10 : memref<32x64xf32, #tpu.memory_space<vmem>>) target(%dma_start3A_43 : memref<32x64xf32, #tpu.memory_space<hbm>>) target_semaphore(%run_scoped3A : memref<!tpu.dma_semaphore, #tpu.memory_space<semaphore_mem>>)
        %dma_wait3A = arith.constant 0 : i32
        %dma_wait3A_44 = tpu.memref_slice %arg5[%arg0, %add3A_37, %dma_wait3A] : memref<2x10240x64xf32, #tpu.memory_space<hbm>> -> memref<1x32x64xf32, #tpu.memory_space<hbm>>
        %dma_wait3A_45 = tpu.memref_squeeze %dma_wait3A_44 : memref<1x32x64xf32, #tpu.memory_space<hbm>> -> memref<32x64xf32, #tpu.memory_space<hbm>>
        %dma_wait3A_46 = arith.constant 0 : i32
        %dma_wait3A_47 = tpu.memref_slice %arg5[%arg0, %add3A_37, %dma_wait3A_46] : memref<2x10240x64xf32, #tpu.memory_space<hbm>> -> memref<1x32x64xf32, #tpu.memory_space<hbm>>
        %dma_wait3A_48 = tpu.memref_squeeze %dma_wait3A_47 : memref<1x32x64xf32, #tpu.memory_space<hbm>> -> memref<32x64xf32, #tpu.memory_space<hbm>>
        tpu.wait_dma2 semaphore(%run_scoped3A : memref<!tpu.dma_semaphore, #tpu.memory_space<semaphore_mem>>) src(%arg10 : memref<32x64xf32, #tpu.memory_space<vmem>>) dst(%dma_wait3A_48 : memref<32x64xf32, #tpu.memory_space<hbm>>)
        tpu.yield
      }) : () -> ()
    }
    %scan3A_31 = arith.constant 20 : i32
    return
  }
}

#map = affine_map<(d0, d1) -> (0, 0)>
#map1 = affine_map<(d0, d1) -> (0, 0, 0)>
module attributes {stable_mosaic.version = 14 : i64} {
  func.func @sc_agg(%arg0: i32, %arg1: i32, %arg2: memref<2560x128xf32, #tpu.memory_space<hbm>>, %arg3: memref<32x80x128xi32, #tpu.memory_space<hbm>>, %arg4: memref<32x80x128xi32, #tpu.memory_space<hbm>>, %arg5: memref<2x2560x128xf32, #tpu.memory_space<hbm>>, %arg6: memref<80x128xi32, #tpu.memory_space<vmem>>, %arg7: memref<80x128xi32, #tpu.memory_space<vmem>>, %arg8: memref<128x128xf32, #tpu.memory_space<vmem>>, %arg9: memref<128x128xf32, #tpu.memory_space<vmem>>, %arg10: memref<32x128xf32, #tpu.memory_space<vmem>>, %arg11: memref<2560x128xf32, #tpu.memory_space<vmem_shared>>, %arg12: memref<!tpu.dma_semaphore, #tpu.memory_space<semaphore_mem>>, %arg13: memref<!tpu.dma_semaphore, #tpu.memory_space<semaphore_mem>>) attributes {dimension_semantics = [#tpu.dimension_semantics<core_parallel>, #tpu.dimension_semantics<subcore_parallel>], iteration_bounds = array<i64: 2, 16>, scalar_prefetch = 0 : i64, scratch_operands = 8 : i64, tpu.core_type = #tpu.core_type<sc_vector_subcore>, window_params = [{transform_indices = #map}, {transform_indices = #map1}, {transform_indices = #map1}, {transform_indices = #map1}]} {
    %mul3A = arith.constant 2 : i32
    %mul3A_0 = arith.muli %arg1, %mul3A : i32
    %add3A = arith.addi %mul3A_0, %arg0 : i32
    %scan3A = arith.constant 0 : i32
    %scan3A_1 = arith.constant 32 : i32
    %scan3A_2 = arith.addi %scan3A, %scan3A_1 : i32
    %scan3A_3 = arith.constant 1 : i32
    scf.for %scan3A_34 = %scan3A to %scan3A_2 step %scan3A_3  : i32 {
      %mul3A_35 = arith.constant 1 : i32
      %mul3A_36 = arith.muli %scan3A_34, %mul3A_35 : i32
      %add3A_37 = arith.constant 0 : i32
      %add3A_38 = arith.addi %add3A_37, %mul3A_36 : i32
      %scan3A_39 = arith.constant 0 : i32
      %scan3A_40 = arith.constant 8 : i32
      %scan3A_41 = arith.addi %scan3A_39, %scan3A_40 : i32
      %scan3A_42 = arith.constant 1 : i32
      scf.for %scan3A_44 = %scan3A_39 to %scan3A_41 step %scan3A_42  : i32 {
        %mul3A_45 = arith.constant 16 : i32
        %mul3A_46 = arith.muli %scan3A_44, %mul3A_45 : i32
        %add3A_47 = arith.constant 0 : i32
        %add3A_48 = arith.addi %add3A_47, %mul3A_46 : i32
        %broadcast_in_dim3A = arith.constant 0.000000e+00 : f32
        %broadcast_in_dim3A_49 = vector.broadcast %broadcast_in_dim3A : f32 to vector<16xf32>
        %swap3A = arith.index_cast %add3A_38 : i32 to index
        %swap3A_50 = arith.index_cast %add3A_48 : i32 to index
        %swap3A_51 = tpu.vector_load %arg10[%swap3A, %swap3A_50] {strides = array<i32>} : memref<32x128xf32, #tpu.memory_space<vmem>>, vector<1x16xf32>,
        %swap3A_52 = vector.shape_cast %swap3A_51 : vector<1x16xf32> to vector<16xf32>
        %swap3A_53 = vector.shape_cast %broadcast_in_dim3A_49 : vector<16xf32> to vector<1x16xf32>
        tpu.vector_store %arg10[%swap3A, %swap3A_50], %swap3A_53 {strides = array<i32>} : memref<32x128xf32, #tpu.memory_space<vmem>>, vector<1x16xf32>,
      }
      %scan3A_43 = arith.constant 8 : i32
    }
    %scan3A_4 = arith.constant 32 : i32
    %mul3A_5 = arith.constant 160 : i32
    %mul3A_6 = arith.muli %arg1, %mul3A_5 : i32
    %scan3A_7 = arith.constant 0 : i32
    %scan3A_8 = arith.constant 5 : i32
    %scan3A_9 = arith.addi %scan3A_7, %scan3A_8 : i32
    %scan3A_10 = arith.constant 1 : i32
    scf.for %scan3A_34 = %scan3A_7 to %scan3A_9 step %scan3A_10  : i32 {
      %mul3A_35 = arith.constant 32 : i32
      %mul3A_36 = arith.muli %scan3A_34, %mul3A_35 : i32
      %add3A_37 = arith.constant 0 : i32
      %add3A_38 = arith.addi %add3A_37, %mul3A_36 : i32
      %add3A_39 = arith.addi %mul3A_6, %add3A_38 : i32
      "tpu.region"() ({
        %run_scoped3A = tpu.sem_alloc : memref<!tpu.dma_semaphore, #tpu.memory_space<semaphore_mem>>
        %dma_start3A_40 = arith.constant 0 : i32
        %dma_start3A_41 = tpu.memref_slice %arg11[%add3A_39, %dma_start3A_40] : memref<2560x128xf32, #tpu.memory_space<vmem_shared>> -> memref<32x128xf32, #tpu.memory_space<vmem_shared>>
        %dma_start3A_42 = arith.constant 0 : i32
        %dma_start3A_43 = tpu.memref_slice %arg11[%add3A_39, %dma_start3A_42] : memref<2560x128xf32, #tpu.memory_space<vmem_shared>> -> memref<32x128xf32, #tpu.memory_space<vmem_shared>>
        tpu.enqueue_dma source(%arg10 : memref<32x128xf32, #tpu.memory_space<vmem>>) target(%dma_start3A_43 : memref<32x128xf32, #tpu.memory_space<vmem_shared>>) target_semaphore(%run_scoped3A : memref<!tpu.dma_semaphore, #tpu.memory_space<semaphore_mem>>)
        %dma_wait3A = arith.constant 0 : i32
        %dma_wait3A_44 = tpu.memref_slice %arg11[%add3A_39, %dma_wait3A] : memref<2560x128xf32, #tpu.memory_space<vmem_shared>> -> memref<32x128xf32, #tpu.memory_space<vmem_shared>>
        %dma_wait3A_45 = arith.constant 0 : i32
        %dma_wait3A_46 = tpu.memref_slice %arg11[%add3A_39, %dma_wait3A_45] : memref<2560x128xf32, #tpu.memory_space<vmem_shared>> -> memref<32x128xf32, #tpu.memory_space<vmem_shared>>
        tpu.wait_dma2 semaphore(%run_scoped3A : memref<!tpu.dma_semaphore, #tpu.memory_space<semaphore_mem>>) src(%arg10 : memref<32x128xf32, #tpu.memory_space<vmem>>) dst(%dma_wait3A_46 : memref<32x128xf32, #tpu.memory_space<vmem_shared>>)
        tpu.yield
      }) : () -> ()
    }
    %scan3A_11 = arith.constant 5 : i32
    "tpu.region"() ({
      %run_scoped3A = tpu.sem_alloc : memref<!tpu.dma_semaphore, #tpu.memory_space<semaphore_mem>>
      %dma_start3A_34 = arith.constant 0 : i32
      %dma_start3A_35 = arith.constant 0 : i32
      %dma_start3A_36 = tpu.memref_slice %arg3[%add3A, %dma_start3A_34, %dma_start3A_35] : memref<32x80x128xi32, #tpu.memory_space<hbm>> -> memref<1x80x128xi32, #tpu.memory_space<hbm>>
      %dma_start3A_37 = tpu.memref_squeeze %dma_start3A_36 : memref<1x80x128xi32, #tpu.memory_space<hbm>> -> memref<80x128xi32, #tpu.memory_space<hbm>>
      %dma_start3A_38 = arith.constant 0 : i32
      %dma_start3A_39 = arith.constant 0 : i32
      %dma_start3A_40 = tpu.memref_slice %arg3[%add3A, %dma_start3A_38, %dma_start3A_39] : memref<32x80x128xi32, #tpu.memory_space<hbm>> -> memref<1x80x128xi32, #tpu.memory_space<hbm>>
      %dma_start3A_41 = tpu.memref_squeeze %dma_start3A_40 : memref<1x80x128xi32, #tpu.memory_space<hbm>> -> memref<80x128xi32, #tpu.memory_space<hbm>>
      tpu.enqueue_dma source(%dma_start3A_41 : memref<80x128xi32, #tpu.memory_space<hbm>>) target(%arg6 : memref<80x128xi32, #tpu.memory_space<vmem>>) target_semaphore(%run_scoped3A : memref<!tpu.dma_semaphore, #tpu.memory_space<semaphore_mem>>)
      %dma_wait3A = arith.constant 0 : i32
      %dma_wait3A_42 = arith.constant 0 : i32
      %dma_wait3A_43 = tpu.memref_slice %arg3[%add3A, %dma_wait3A, %dma_wait3A_42] : memref<32x80x128xi32, #tpu.memory_space<hbm>> -> memref<1x80x128xi32, #tpu.memory_space<hbm>>
      %dma_wait3A_44 = tpu.memref_squeeze %dma_wait3A_43 : memref<1x80x128xi32, #tpu.memory_space<hbm>> -> memref<80x128xi32, #tpu.memory_space<hbm>>
      %dma_wait3A_45 = arith.constant 0 : i32
      %dma_wait3A_46 = arith.constant 0 : i32
      %dma_wait3A_47 = tpu.memref_slice %arg3[%add3A, %dma_wait3A_45, %dma_wait3A_46] : memref<32x80x128xi32, #tpu.memory_space<hbm>> -> memref<1x80x128xi32, #tpu.memory_space<hbm>>
      %dma_wait3A_48 = tpu.memref_squeeze %dma_wait3A_47 : memref<1x80x128xi32, #tpu.memory_space<hbm>> -> memref<80x128xi32, #tpu.memory_space<hbm>>
      tpu.wait_dma2 semaphore(%run_scoped3A : memref<!tpu.dma_semaphore, #tpu.memory_space<semaphore_mem>>) src(%dma_wait3A_48 : memref<80x128xi32, #tpu.memory_space<hbm>>) dst(%arg6 : memref<80x128xi32, #tpu.memory_space<vmem>>)
      tpu.yield
    }) : () -> ()
    "tpu.region"() ({
      %run_scoped3A = tpu.sem_alloc : memref<!tpu.dma_semaphore, #tpu.memory_space<semaphore_mem>>
      %dma_start3A_34 = arith.constant 0 : i32
      %dma_start3A_35 = arith.constant 0 : i32
      %dma_start3A_36 = tpu.memref_slice %arg4[%add3A, %dma_start3A_34, %dma_start3A_35] : memref<32x80x128xi32, #tpu.memory_space<hbm>> -> memref<1x80x128xi32, #tpu.memory_space<hbm>>
      %dma_start3A_37 = tpu.memref_squeeze %dma_start3A_36 : memref<1x80x128xi32, #tpu.memory_space<hbm>> -> memref<80x128xi32, #tpu.memory_space<hbm>>
      %dma_start3A_38 = arith.constant 0 : i32
      %dma_start3A_39 = arith.constant 0 : i32
      %dma_start3A_40 = tpu.memref_slice %arg4[%add3A, %dma_start3A_38, %dma_start3A_39] : memref<32x80x128xi32, #tpu.memory_space<hbm>> -> memref<1x80x128xi32, #tpu.memory_space<hbm>>
      %dma_start3A_41 = tpu.memref_squeeze %dma_start3A_40 : memref<1x80x128xi32, #tpu.memory_space<hbm>> -> memref<80x128xi32, #tpu.memory_space<hbm>>
      tpu.enqueue_dma source(%dma_start3A_41 : memref<80x128xi32, #tpu.memory_space<hbm>>) target(%arg7 : memref<80x128xi32, #tpu.memory_space<vmem>>) target_semaphore(%run_scoped3A : memref<!tpu.dma_semaphore, #tpu.memory_space<semaphore_mem>>)
      %dma_wait3A = arith.constant 0 : i32
      %dma_wait3A_42 = arith.constant 0 : i32
      %dma_wait3A_43 = tpu.memref_slice %arg4[%add3A, %dma_wait3A, %dma_wait3A_42] : memref<32x80x128xi32, #tpu.memory_space<hbm>> -> memref<1x80x128xi32, #tpu.memory_space<hbm>>
      %dma_wait3A_44 = tpu.memref_squeeze %dma_wait3A_43 : memref<1x80x128xi32, #tpu.memory_space<hbm>> -> memref<80x128xi32, #tpu.memory_space<hbm>>
      %dma_wait3A_45 = arith.constant 0 : i32
      %dma_wait3A_46 = arith.constant 0 : i32
      %dma_wait3A_47 = tpu.memref_slice %arg4[%add3A, %dma_wait3A_45, %dma_wait3A_46] : memref<32x80x128xi32, #tpu.memory_space<hbm>> -> memref<1x80x128xi32, #tpu.memory_space<hbm>>
      %dma_wait3A_48 = tpu.memref_squeeze %dma_wait3A_47 : memref<1x80x128xi32, #tpu.memory_space<hbm>> -> memref<80x128xi32, #tpu.memory_space<hbm>>
      tpu.wait_dma2 semaphore(%run_scoped3A : memref<!tpu.dma_semaphore, #tpu.memory_space<semaphore_mem>>) src(%dma_wait3A_48 : memref<80x128xi32, #tpu.memory_space<hbm>>) dst(%arg7 : memref<80x128xi32, #tpu.memory_space<vmem>>)
      tpu.yield
    }) : () -> ()
    %scan3A_12 = arith.constant 0 : i32
    %scan3A_13 = arith.constant 80 : i32
    %scan3A_14 = arith.addi %scan3A_12, %scan3A_13 : i32
    %scan3A_15 = arith.constant 1 : i32
    scf.for %scan3A_34 = %scan3A_12 to %scan3A_14 step %scan3A_15  : i32 {
      %mul3A_35 = arith.constant 1 : i32
      %mul3A_36 = arith.muli %scan3A_34, %mul3A_35 : i32
      %add3A_37 = arith.constant 0 : i32
      %add3A_38 = arith.addi %add3A_37, %mul3A_36 : i32
      %get3A = arith.index_cast %add3A_38 : i32 to index
      %get3A_39 = arith.constant 0 : index
      %get3A_40 = tpu.vector_load %arg6[%get3A, %get3A_39] {strides = array<i32>} : memref<80x128xi32, #tpu.memory_space<vmem>>, vector<1x16xi32>,
      %get3A_41 = vector.shape_cast %get3A_40 : vector<1x16xi32> to vector<16xi32>
      %shift_right_logical3A = arith.constant 2 : i32
      %shift_right_logical3A_42 = vector.broadcast %shift_right_logical3A : i32 to vector<16xi32>
      %shift_right_logical3A_43 = arith.shrui %get3A_41, %shift_right_logical3A_42 : vector<16xi32>
      %swap3A = arith.index_cast %add3A_38 : i32 to index
      %swap3A_44 = arith.constant 0 : index
      %swap3A_45 = tpu.vector_load %arg6[%swap3A, %swap3A_44] {strides = array<i32>} : memref<80x128xi32, #tpu.memory_space<vmem>>, vector<1x16xi32>,
      %swap3A_46 = vector.shape_cast %swap3A_45 : vector<1x16xi32> to vector<16xi32>
      %swap3A_47 = vector.shape_cast %shift_right_logical3A_43 : vector<16xi32> to vector<1x16xi32>
      tpu.vector_store %arg6[%swap3A, %swap3A_44], %swap3A_47 {strides = array<i32>} : memref<80x128xi32, #tpu.memory_space<vmem>>, vector<1x16xi32>,
      %get3A_48 = arith.index_cast %add3A_38 : i32 to index
      %get3A_49 = arith.constant 0 : index
      %get3A_50 = tpu.vector_load %arg7[%get3A_48, %get3A_49] {strides = array<i32>} : memref<80x128xi32, #tpu.memory_space<vmem>>, vector<1x16xi32>,
      %get3A_51 = vector.shape_cast %get3A_50 : vector<1x16xi32> to vector<16xi32>
      %shift_right_logical3A_52 = arith.constant 2 : i32
      %shift_right_logical3A_53 = vector.broadcast %shift_right_logical3A_52 : i32 to vector<16xi32>
      %shift_right_logical3A_54 = arith.shrui %get3A_51, %shift_right_logical3A_53 : vector<16xi32>
      %swap3A_55 = arith.index_cast %add3A_38 : i32 to index
      %swap3A_56 = arith.constant 0 : index
      %swap3A_57 = tpu.vector_load %arg7[%swap3A_55, %swap3A_56] {strides = array<i32>} : memref<80x128xi32, #tpu.memory_space<vmem>>, vector<1x16xi32>,
      %swap3A_58 = vector.shape_cast %swap3A_57 : vector<1x16xi32> to vector<16xi32>
      %swap3A_59 = vector.shape_cast %shift_right_logical3A_54 : vector<16xi32> to vector<1x16xi32>
      tpu.vector_store %arg7[%swap3A_55, %swap3A_56], %swap3A_59 {strides = array<i32>} : memref<80x128xi32, #tpu.memory_space<vmem>>, vector<1x16xi32>,
      %get3A_60 = arith.index_cast %add3A_38 : i32 to index
      %get3A_61 = arith.constant 16 : index
      %get3A_62 = tpu.vector_load %arg6[%get3A_60, %get3A_61] {strides = array<i32>} : memref<80x128xi32, #tpu.memory_space<vmem>>, vector<1x16xi32>,
      %get3A_63 = vector.shape_cast %get3A_62 : vector<1x16xi32> to vector<16xi32>
      %shift_right_logical3A_64 = arith.constant 2 : i32
      %shift_right_logical3A_65 = vector.broadcast %shift_right_logical3A_64 : i32 to vector<16xi32>
      %shift_right_logical3A_66 = arith.shrui %get3A_63, %shift_right_logical3A_65 : vector<16xi32>
      %swap3A_67 = arith.index_cast %add3A_38 : i32 to index
      %swap3A_68 = arith.constant 16 : index
      %swap3A_69 = tpu.vector_load %arg6[%swap3A_67, %swap3A_68] {strides = array<i32>} : memref<80x128xi32, #tpu.memory_space<vmem>>, vector<1x16xi32>,
      %swap3A_70 = vector.shape_cast %swap3A_69 : vector<1x16xi32> to vector<16xi32>
      %swap3A_71 = vector.shape_cast %shift_right_logical3A_66 : vector<16xi32> to vector<1x16xi32>
      tpu.vector_store %arg6[%swap3A_67, %swap3A_68], %swap3A_71 {strides = array<i32>} : memref<80x128xi32, #tpu.memory_space<vmem>>, vector<1x16xi32>,
      %get3A_72 = arith.index_cast %add3A_38 : i32 to index
      %get3A_73 = arith.constant 16 : index
      %get3A_74 = tpu.vector_load %arg7[%get3A_72, %get3A_73] {strides = array<i32>} : memref<80x128xi32, #tpu.memory_space<vmem>>, vector<1x16xi32>,
      %get3A_75 = vector.shape_cast %get3A_74 : vector<1x16xi32> to vector<16xi32>
      %shift_right_logical3A_76 = arith.constant 2 : i32
      %shift_right_logical3A_77 = vector.broadcast %shift_right_logical3A_76 : i32 to vector<16xi32>
      %shift_right_logical3A_78 = arith.shrui %get3A_75, %shift_right_logical3A_77 : vector<16xi32>
      %swap3A_79 = arith.index_cast %add3A_38 : i32 to index
      %swap3A_80 = arith.constant 16 : index
      %swap3A_81 = tpu.vector_load %arg7[%swap3A_79, %swap3A_80] {strides = array<i32>} : memref<80x128xi32, #tpu.memory_space<vmem>>, vector<1x16xi32>,
      %swap3A_82 = vector.shape_cast %swap3A_81 : vector<1x16xi32> to vector<16xi32>
      %swap3A_83 = vector.shape_cast %shift_right_logical3A_78 : vector<16xi32> to vector<1x16xi32>
      tpu.vector_store %arg7[%swap3A_79, %swap3A_80], %swap3A_83 {strides = array<i32>} : memref<80x128xi32, #tpu.memory_space<vmem>>, vector<1x16xi32>,
      %get3A_84 = arith.index_cast %add3A_38 : i32 to index
      %get3A_85 = arith.constant 32 : index
      %get3A_86 = tpu.vector_load %arg6[%get3A_84, %get3A_85] {strides = array<i32>} : memref<80x128xi32, #tpu.memory_space<vmem>>, vector<1x16xi32>,
      %get3A_87 = vector.shape_cast %get3A_86 : vector<1x16xi32> to vector<16xi32>
      %shift_right_logical3A_88 = arith.constant 2 : i32
      %shift_right_logical3A_89 = vector.broadcast %shift_right_logical3A_88 : i32 to vector<16xi32>
      %shift_right_logical3A_90 = arith.shrui %get3A_87, %shift_right_logical3A_89 : vector<16xi32>
      %swap3A_91 = arith.index_cast %add3A_38 : i32 to index
      %swap3A_92 = arith.constant 32 : index
      %swap3A_93 = tpu.vector_load %arg6[%swap3A_91, %swap3A_92] {strides = array<i32>} : memref<80x128xi32, #tpu.memory_space<vmem>>, vector<1x16xi32>,
      %swap3A_94 = vector.shape_cast %swap3A_93 : vector<1x16xi32> to vector<16xi32>
      %swap3A_95 = vector.shape_cast %shift_right_logical3A_90 : vector<16xi32> to vector<1x16xi32>
      tpu.vector_store %arg6[%swap3A_91, %swap3A_92], %swap3A_95 {strides = array<i32>} : memref<80x128xi32, #tpu.memory_space<vmem>>, vector<1x16xi32>,
      %get3A_96 = arith.index_cast %add3A_38 : i32 to index
      %get3A_97 = arith.constant 32 : index
      %get3A_98 = tpu.vector_load %arg7[%get3A_96, %get3A_97] {strides = array<i32>} : memref<80x128xi32, #tpu.memory_space<vmem>>, vector<1x16xi32>,
      %get3A_99 = vector.shape_cast %get3A_98 : vector<1x16xi32> to vector<16xi32>
      %shift_right_logical3A_100 = arith.constant 2 : i32
      %shift_right_logical3A_101 = vector.broadcast %shift_right_logical3A_100 : i32 to vector<16xi32>
      %shift_right_logical3A_102 = arith.shrui %get3A_99, %shift_right_logical3A_101 : vector<16xi32>
      %swap3A_103 = arith.index_cast %add3A_38 : i32 to index
      %swap3A_104 = arith.constant 32 : index
      %swap3A_105 = tpu.vector_load %arg7[%swap3A_103, %swap3A_104] {strides = array<i32>} : memref<80x128xi32, #tpu.memory_space<vmem>>, vector<1x16xi32>,
      %swap3A_106 = vector.shape_cast %swap3A_105 : vector<1x16xi32> to vector<16xi32>
      %swap3A_107 = vector.shape_cast %shift_right_logical3A_102 : vector<16xi32> to vector<1x16xi32>
      tpu.vector_store %arg7[%swap3A_103, %swap3A_104], %swap3A_107 {strides = array<i32>} : memref<80x128xi32, #tpu.memory_space<vmem>>, vector<1x16xi32>,
      %get3A_108 = arith.index_cast %add3A_38 : i32 to index
      %get3A_109 = arith.constant 48 : index
      %get3A_110 = tpu.vector_load %arg6[%get3A_108, %get3A_109] {strides = array<i32>} : memref<80x128xi32, #tpu.memory_space<vmem>>, vector<1x16xi32>,
      %get3A_111 = vector.shape_cast %get3A_110 : vector<1x16xi32> to vector<16xi32>
      %shift_right_logical3A_112 = arith.constant 2 : i32
      %shift_right_logical3A_113 = vector.broadcast %shift_right_logical3A_112 : i32 to vector<16xi32>
      %shift_right_logical3A_114 = arith.shrui %get3A_111, %shift_right_logical3A_113 : vector<16xi32>
      %swap3A_115 = arith.index_cast %add3A_38 : i32 to index
      %swap3A_116 = arith.constant 48 : index
      %swap3A_117 = tpu.vector_load %arg6[%swap3A_115, %swap3A_116] {strides = array<i32>} : memref<80x128xi32, #tpu.memory_space<vmem>>, vector<1x16xi32>,
      %swap3A_118 = vector.shape_cast %swap3A_117 : vector<1x16xi32> to vector<16xi32>
      %swap3A_119 = vector.shape_cast %shift_right_logical3A_114 : vector<16xi32> to vector<1x16xi32>
      tpu.vector_store %arg6[%swap3A_115, %swap3A_116], %swap3A_119 {strides = array<i32>} : memref<80x128xi32, #tpu.memory_space<vmem>>, vector<1x16xi32>,
      %get3A_120 = arith.index_cast %add3A_38 : i32 to index
      %get3A_121 = arith.constant 48 : index
      %get3A_122 = tpu.vector_load %arg7[%get3A_120, %get3A_121] {strides = array<i32>} : memref<80x128xi32, #tpu.memory_space<vmem>>, vector<1x16xi32>,
      %get3A_123 = vector.shape_cast %get3A_122 : vector<1x16xi32> to vector<16xi32>
      %shift_right_logical3A_124 = arith.constant 2 : i32
      %shift_right_logical3A_125 = vector.broadcast %shift_right_logical3A_124 : i32 to vector<16xi32>
      %shift_right_logical3A_126 = arith.shrui %get3A_123, %shift_right_logical3A_125 : vector<16xi32>
      %swap3A_127 = arith.index_cast %add3A_38 : i32 to index
      %swap3A_128 = arith.constant 48 : index
      %swap3A_129 = tpu.vector_load %arg7[%swap3A_127, %swap3A_128] {strides = array<i32>} : memref<80x128xi32, #tpu.memory_space<vmem>>, vector<1x16xi32>,
      %swap3A_130 = vector.shape_cast %swap3A_129 : vector<1x16xi32> to vector<16xi32>
      %swap3A_131 = vector.shape_cast %shift_right_logical3A_126 : vector<16xi32> to vector<1x16xi32>
      tpu.vector_store %arg7[%swap3A_127, %swap3A_128], %swap3A_131 {strides = array<i32>} : memref<80x128xi32, #tpu.memory_space<vmem>>, vector<1x16xi32>,
      %get3A_132 = arith.index_cast %add3A_38 : i32 to index
      %get3A_133 = arith.constant 64 : index
      %get3A_134 = tpu.vector_load %arg6[%get3A_132, %get3A_133] {strides = array<i32>} : memref<80x128xi32, #tpu.memory_space<vmem>>, vector<1x16xi32>,
      %get3A_135 = vector.shape_cast %get3A_134 : vector<1x16xi32> to vector<16xi32>
      %shift_right_logical3A_136 = arith.constant 2 : i32
      %shift_right_logical3A_137 = vector.broadcast %shift_right_logical3A_136 : i32 to vector<16xi32>
      %shift_right_logical3A_138 = arith.shrui %get3A_135, %shift_right_logical3A_137 : vector<16xi32>
      %swap3A_139 = arith.index_cast %add3A_38 : i32 to index
      %swap3A_140 = arith.constant 64 : index
      %swap3A_141 = tpu.vector_load %arg6[%swap3A_139, %swap3A_140] {strides = array<i32>} : memref<80x128xi32, #tpu.memory_space<vmem>>, vector<1x16xi32>,
      %swap3A_142 = vector.shape_cast %swap3A_141 : vector<1x16xi32> to vector<16xi32>
      %swap3A_143 = vector.shape_cast %shift_right_logical3A_138 : vector<16xi32> to vector<1x16xi32>
      tpu.vector_store %arg6[%swap3A_139, %swap3A_140], %swap3A_143 {strides = array<i32>} : memref<80x128xi32, #tpu.memory_space<vmem>>, vector<1x16xi32>,
      %get3A_144 = arith.index_cast %add3A_38 : i32 to index
      %get3A_145 = arith.constant 64 : index
      %get3A_146 = tpu.vector_load %arg7[%get3A_144, %get3A_145] {strides = array<i32>} : memref<80x128xi32, #tpu.memory_space<vmem>>, vector<1x16xi32>,
      %get3A_147 = vector.shape_cast %get3A_146 : vector<1x16xi32> to vector<16xi32>
      %shift_right_logical3A_148 = arith.constant 2 : i32
      %shift_right_logical3A_149 = vector.broadcast %shift_right_logical3A_148 : i32 to vector<16xi32>
      %shift_right_logical3A_150 = arith.shrui %get3A_147, %shift_right_logical3A_149 : vector<16xi32>
      %swap3A_151 = arith.index_cast %add3A_38 : i32 to index
      %swap3A_152 = arith.constant 64 : index
      %swap3A_153 = tpu.vector_load %arg7[%swap3A_151, %swap3A_152] {strides = array<i32>} : memref<80x128xi32, #tpu.memory_space<vmem>>, vector<1x16xi32>,
      %swap3A_154 = vector.shape_cast %swap3A_153 : vector<1x16xi32> to vector<16xi32>
      %swap3A_155 = vector.shape_cast %shift_right_logical3A_150 : vector<16xi32> to vector<1x16xi32>
      tpu.vector_store %arg7[%swap3A_151, %swap3A_152], %swap3A_155 {strides = array<i32>} : memref<80x128xi32, #tpu.memory_space<vmem>>, vector<1x16xi32>,
      %get3A_156 = arith.index_cast %add3A_38 : i32 to index
      %get3A_157 = arith.constant 80 : index
      %get3A_158 = tpu.vector_load %arg6[%get3A_156, %get3A_157] {strides = array<i32>} : memref<80x128xi32, #tpu.memory_space<vmem>>, vector<1x16xi32>,
      %get3A_159 = vector.shape_cast %get3A_158 : vector<1x16xi32> to vector<16xi32>
      %shift_right_logical3A_160 = arith.constant 2 : i32
      %shift_right_logical3A_161 = vector.broadcast %shift_right_logical3A_160 : i32 to vector<16xi32>
      %shift_right_logical3A_162 = arith.shrui %get3A_159, %shift_right_logical3A_161 : vector<16xi32>
      %swap3A_163 = arith.index_cast %add3A_38 : i32 to index
      %swap3A_164 = arith.constant 80 : index
      %swap3A_165 = tpu.vector_load %arg6[%swap3A_163, %swap3A_164] {strides = array<i32>} : memref<80x128xi32, #tpu.memory_space<vmem>>, vector<1x16xi32>,
      %swap3A_166 = vector.shape_cast %swap3A_165 : vector<1x16xi32> to vector<16xi32>
      %swap3A_167 = vector.shape_cast %shift_right_logical3A_162 : vector<16xi32> to vector<1x16xi32>
      tpu.vector_store %arg6[%swap3A_163, %swap3A_164], %swap3A_167 {strides = array<i32>} : memref<80x128xi32, #tpu.memory_space<vmem>>, vector<1x16xi32>,
      %get3A_168 = arith.index_cast %add3A_38 : i32 to index
      %get3A_169 = arith.constant 80 : index
      %get3A_170 = tpu.vector_load %arg7[%get3A_168, %get3A_169] {strides = array<i32>} : memref<80x128xi32, #tpu.memory_space<vmem>>, vector<1x16xi32>,
      %get3A_171 = vector.shape_cast %get3A_170 : vector<1x16xi32> to vector<16xi32>
      %shift_right_logical3A_172 = arith.constant 2 : i32
      %shift_right_logical3A_173 = vector.broadcast %shift_right_logical3A_172 : i32 to vector<16xi32>
      %shift_right_logical3A_174 = arith.shrui %get3A_171, %shift_right_logical3A_173 : vector<16xi32>
      %swap3A_175 = arith.index_cast %add3A_38 : i32 to index
      %swap3A_176 = arith.constant 80 : index
      %swap3A_177 = tpu.vector_load %arg7[%swap3A_175, %swap3A_176] {strides = array<i32>} : memref<80x128xi32, #tpu.memory_space<vmem>>, vector<1x16xi32>,
      %swap3A_178 = vector.shape_cast %swap3A_177 : vector<1x16xi32> to vector<16xi32>
      %swap3A_179 = vector.shape_cast %shift_right_logical3A_174 : vector<16xi32> to vector<1x16xi32>
      tpu.vector_store %arg7[%swap3A_175, %swap3A_176], %swap3A_179 {strides = array<i32>} : memref<80x128xi32, #tpu.memory_space<vmem>>, vector<1x16xi32>,
      %get3A_180 = arith.index_cast %add3A_38 : i32 to index
      %get3A_181 = arith.constant 96 : index
      %get3A_182 = tpu.vector_load %arg6[%get3A_180, %get3A_181] {strides = array<i32>} : memref<80x128xi32, #tpu.memory_space<vmem>>, vector<1x16xi32>,
      %get3A_183 = vector.shape_cast %get3A_182 : vector<1x16xi32> to vector<16xi32>
      %shift_right_logical3A_184 = arith.constant 2 : i32
      %shift_right_logical3A_185 = vector.broadcast %shift_right_logical3A_184 : i32 to vector<16xi32>
      %shift_right_logical3A_186 = arith.shrui %get3A_183, %shift_right_logical3A_185 : vector<16xi32>
      %swap3A_187 = arith.index_cast %add3A_38 : i32 to index
      %swap3A_188 = arith.constant 96 : index
      %swap3A_189 = tpu.vector_load %arg6[%swap3A_187, %swap3A_188] {strides = array<i32>} : memref<80x128xi32, #tpu.memory_space<vmem>>, vector<1x16xi32>,
      %swap3A_190 = vector.shape_cast %swap3A_189 : vector<1x16xi32> to vector<16xi32>
      %swap3A_191 = vector.shape_cast %shift_right_logical3A_186 : vector<16xi32> to vector<1x16xi32>
      tpu.vector_store %arg6[%swap3A_187, %swap3A_188], %swap3A_191 {strides = array<i32>} : memref<80x128xi32, #tpu.memory_space<vmem>>, vector<1x16xi32>,
      %get3A_192 = arith.index_cast %add3A_38 : i32 to index
      %get3A_193 = arith.constant 96 : index
      %get3A_194 = tpu.vector_load %arg7[%get3A_192, %get3A_193] {strides = array<i32>} : memref<80x128xi32, #tpu.memory_space<vmem>>, vector<1x16xi32>,
      %get3A_195 = vector.shape_cast %get3A_194 : vector<1x16xi32> to vector<16xi32>
      %shift_right_logical3A_196 = arith.constant 2 : i32
      %shift_right_logical3A_197 = vector.broadcast %shift_right_logical3A_196 : i32 to vector<16xi32>
      %shift_right_logical3A_198 = arith.shrui %get3A_195, %shift_right_logical3A_197 : vector<16xi32>
      %swap3A_199 = arith.index_cast %add3A_38 : i32 to index
      %swap3A_200 = arith.constant 96 : index
      %swap3A_201 = tpu.vector_load %arg7[%swap3A_199, %swap3A_200] {strides = array<i32>} : memref<80x128xi32, #tpu.memory_space<vmem>>, vector<1x16xi32>,
      %swap3A_202 = vector.shape_cast %swap3A_201 : vector<1x16xi32> to vector<16xi32>
      %swap3A_203 = vector.shape_cast %shift_right_logical3A_198 : vector<16xi32> to vector<1x16xi32>
      tpu.vector_store %arg7[%swap3A_199, %swap3A_200], %swap3A_203 {strides = array<i32>} : memref<80x128xi32, #tpu.memory_space<vmem>>, vector<1x16xi32>,
      %get3A_204 = arith.index_cast %add3A_38 : i32 to index
      %get3A_205 = arith.constant 112 : index
      %get3A_206 = tpu.vector_load %arg6[%get3A_204, %get3A_205] {strides = array<i32>} : memref<80x128xi32, #tpu.memory_space<vmem>>, vector<1x16xi32>,
      %get3A_207 = vector.shape_cast %get3A_206 : vector<1x16xi32> to vector<16xi32>
      %shift_right_logical3A_208 = arith.constant 2 : i32
      %shift_right_logical3A_209 = vector.broadcast %shift_right_logical3A_208 : i32 to vector<16xi32>
      %shift_right_logical3A_210 = arith.shrui %get3A_207, %shift_right_logical3A_209 : vector<16xi32>
      %swap3A_211 = arith.index_cast %add3A_38 : i32 to index
      %swap3A_212 = arith.constant 112 : index
      %swap3A_213 = tpu.vector_load %arg6[%swap3A_211, %swap3A_212] {strides = array<i32>} : memref<80x128xi32, #tpu.memory_space<vmem>>, vector<1x16xi32>,
      %swap3A_214 = vector.shape_cast %swap3A_213 : vector<1x16xi32> to vector<16xi32>
      %swap3A_215 = vector.shape_cast %shift_right_logical3A_210 : vector<16xi32> to vector<1x16xi32>
      tpu.vector_store %arg6[%swap3A_211, %swap3A_212], %swap3A_215 {strides = array<i32>} : memref<80x128xi32, #tpu.memory_space<vmem>>, vector<1x16xi32>,
      %get3A_216 = arith.index_cast %add3A_38 : i32 to index
      %get3A_217 = arith.constant 112 : index
      %get3A_218 = tpu.vector_load %arg7[%get3A_216, %get3A_217] {strides = array<i32>} : memref<80x128xi32, #tpu.memory_space<vmem>>, vector<1x16xi32>,
      %get3A_219 = vector.shape_cast %get3A_218 : vector<1x16xi32> to vector<16xi32>
      %shift_right_logical3A_220 = arith.constant 2 : i32
      %shift_right_logical3A_221 = vector.broadcast %shift_right_logical3A_220 : i32 to vector<16xi32>
      %shift_right_logical3A_222 = arith.shrui %get3A_219, %shift_right_logical3A_221 : vector<16xi32>
      %swap3A_223 = arith.index_cast %add3A_38 : i32 to index
      %swap3A_224 = arith.constant 112 : index
      %swap3A_225 = tpu.vector_load %arg7[%swap3A_223, %swap3A_224] {strides = array<i32>} : memref<80x128xi32, #tpu.memory_space<vmem>>, vector<1x16xi32>,
      %swap3A_226 = vector.shape_cast %swap3A_225 : vector<1x16xi32> to vector<16xi32>
      %swap3A_227 = vector.shape_cast %shift_right_logical3A_222 : vector<16xi32> to vector<1x16xi32>
      tpu.vector_store %arg7[%swap3A_223, %swap3A_224], %swap3A_227 {strides = array<i32>} : memref<80x128xi32, #tpu.memory_space<vmem>>, vector<1x16xi32>,
    }
    %scan3A_16 = arith.constant 80 : i32
    %barrier3A = arith.constant 0 : index
    tpu.barrier barrier_id(%barrier3A)
    %dma_start3A = arith.constant 0 : i32
    %dma_start3A_17 = arith.constant 0 : i32
    %dma_start3A_18 = tpu.memref_slice %arg6[%dma_start3A, %dma_start3A_17] : memref<80x128xi32, #tpu.memory_space<vmem>> -> memref<1x128xi32, #tpu.memory_space<vmem>>
    %dma_start3A_19 = tpu.memref_squeeze %dma_start3A_18 : memref<1x128xi32, #tpu.memory_space<vmem>> -> memref<128xi32, #tpu.memory_space<vmem>>
    %dma_start3A_20 = arith.constant 0 : i32
    %dma_start3A_21 = arith.constant 0 : i32
    %dma_start3A_22 = tpu.memref_slice %arg2[%dma_start3A_20, %dma_start3A_21] : memref<2560x128xf32, #tpu.memory_space<hbm>> -> memref<2560x128xf32, #tpu.memory_space<hbm>>
    tpu.enqueue_indirect_dma source(%dma_start3A_22 : memref<2560x128xf32, #tpu.memory_space<hbm>>) target(%arg8 : memref<128x128xf32, #tpu.memory_space<vmem>>) offsets(%dma_start3A_19 : memref<128xi32, #tpu.memory_space<vmem>>) semaphore(%arg12 : memref<!tpu.dma_semaphore, #tpu.memory_space<semaphore_mem>>)
    %scan3A_23 = arith.constant 0 : i32
    %scan3A_24 = arith.constant 40 : i32
    %scan3A_25 = arith.addi %scan3A_23, %scan3A_24 : i32
    %scan3A_26 = arith.constant 1 : i32
    scf.for %scan3A_34 = %scan3A_23 to %scan3A_25 step %scan3A_26  : i32 {
      %mul3A_35 = arith.constant 2 : i32
      %mul3A_36 = arith.muli %scan3A_34, %mul3A_35 : i32
      %add3A_37 = arith.constant 0 : i32
      %add3A_38 = arith.addi %add3A_37, %mul3A_36 : i32
      %add3A_39 = arith.constant 1 : i32
      %add3A_40 = arith.addi %add3A_38, %add3A_39 : i32
      %dma_start3A_41 = arith.constant 0 : i32
      %dma_start3A_42 = tpu.memref_slice %arg6[%add3A_40, %dma_start3A_41] : memref<80x128xi32, #tpu.memory_space<vmem>> -> memref<1x128xi32, #tpu.memory_space<vmem>>
      %dma_start3A_43 = tpu.memref_squeeze %dma_start3A_42 : memref<1x128xi32, #tpu.memory_space<vmem>> -> memref<128xi32, #tpu.memory_space<vmem>>
      %dma_start3A_44 = arith.constant 0 : i32
      %dma_start3A_45 = arith.constant 0 : i32
      %dma_start3A_46 = tpu.memref_slice %arg2[%dma_start3A_44, %dma_start3A_45] : memref<2560x128xf32, #tpu.memory_space<hbm>> -> memref<2560x128xf32, #tpu.memory_space<hbm>>
      tpu.enqueue_indirect_dma source(%dma_start3A_46 : memref<2560x128xf32, #tpu.memory_space<hbm>>) target(%arg9 : memref<128x128xf32, #tpu.memory_space<vmem>>) offsets(%dma_start3A_43 : memref<128xi32, #tpu.memory_space<vmem>>) semaphore(%arg13 : memref<!tpu.dma_semaphore, #tpu.memory_space<semaphore_mem>>)
      %dma_wait3A = arith.constant 0 : i32
      %dma_wait3A_47 = arith.constant 0 : i32
      %dma_wait3A_48 = tpu.memref_slice %arg2[%dma_wait3A, %dma_wait3A_47] : memref<2560x128xf32, #tpu.memory_space<hbm>> -> memref<128x128xf32, #tpu.memory_space<hbm>>
      %dma_wait3A_49 = arith.constant 0 : i32
      %dma_wait3A_50 = arith.constant 0 : i32
      %dma_wait3A_51 = tpu.memref_slice %arg2[%dma_wait3A_49, %dma_wait3A_50] : memref<2560x128xf32, #tpu.memory_space<hbm>> -> memref<128x128xf32, #tpu.memory_space<hbm>>
      tpu.wait_dma2 semaphore(%arg12 : memref<!tpu.dma_semaphore, #tpu.memory_space<semaphore_mem>>) src(%dma_wait3A_51 : memref<128x128xf32, #tpu.memory_space<hbm>>) dst(%arg8 : memref<128x128xf32, #tpu.memory_space<vmem>>)
      "tpu.region"() ({
        %run_scoped3A = tpu.sem_alloc : memref<!tpu.dma_semaphore, #tpu.memory_space<semaphore_mem>>
        %dma_start3A_64 = arith.constant 0 : i32
        %dma_start3A_65 = tpu.memref_slice %arg7[%add3A_38, %dma_start3A_64] : memref<80x128xi32, #tpu.memory_space<vmem>> -> memref<1x128xi32, #tpu.memory_space<vmem>>
        %dma_start3A_66 = tpu.memref_squeeze %dma_start3A_65 : memref<1x128xi32, #tpu.memory_space<vmem>> -> memref<128xi32, #tpu.memory_space<vmem>>
        %dma_start3A_67 = arith.constant 0 : i32
        %dma_start3A_68 = arith.constant 0 : i32
        %dma_start3A_69 = tpu.memref_slice %arg11[%dma_start3A_67, %dma_start3A_68] : memref<2560x128xf32, #tpu.memory_space<vmem_shared>> -> memref<2560x128xf32, #tpu.memory_space<vmem_shared>>
        tpu.enqueue_indirect_dma source(%arg8 : memref<128x128xf32, #tpu.memory_space<vmem>>) target(%dma_start3A_69 : memref<2560x128xf32, #tpu.memory_space<vmem_shared>>) offsets(%dma_start3A_66 : memref<128xi32, #tpu.memory_space<vmem>>) semaphore(%run_scoped3A : memref<!tpu.dma_semaphore, #tpu.memory_space<semaphore_mem>>) {add = true}
        %dma_wait3A_70 = arith.constant 0 : i32
        %dma_wait3A_71 = tpu.memref_slice %arg7[%add3A_38, %dma_wait3A_70] : memref<80x128xi32, #tpu.memory_space<vmem>> -> memref<1x128xi32, #tpu.memory_space<vmem>>
        %dma_wait3A_72 = tpu.memref_squeeze %dma_wait3A_71 : memref<1x128xi32, #tpu.memory_space<vmem>> -> memref<128xi32, #tpu.memory_space<vmem>>
        %dma_wait3A_73 = arith.constant 0 : i32
        %dma_wait3A_74 = arith.constant 0 : i32
        %dma_wait3A_75 = tpu.memref_slice %arg11[%dma_wait3A_73, %dma_wait3A_74] : memref<2560x128xf32, #tpu.memory_space<vmem_shared>> -> memref<2560x128xf32, #tpu.memory_space<vmem_shared>>
        tpu.wait_indirect_dma semaphore(%run_scoped3A : memref<!tpu.dma_semaphore, #tpu.memory_space<semaphore_mem>>) src(%arg8 : memref<128x128xf32, #tpu.memory_space<vmem>>) dst(%dma_wait3A_75 : memref<2560x128xf32, #tpu.memory_space<vmem_shared>>)
        tpu.yield
      }) : () -> ()
      %add3A_52 = arith.constant 2 : i32
      %add3A_53 = arith.addi %add3A_38, %add3A_52 : i32
      %lt3A = arith.constant 80 : i32
      %lt3A_54 = arith.cmpi slt, %add3A_53, %lt3A : i32
      %convert_element_type3A = arith.extui %lt3A_54 : i1 to i32
      %cond3A = arith.constant 0 : i32
      %cond3A_55 = arith.cmpi ne, %convert_element_type3A, %cond3A : i32
      scf.if %cond3A_55 {
        %add3A_64 = arith.constant 2 : i32
        %add3A_65 = arith.addi %add3A_38, %add3A_64 : i32
        %dma_start3A_66 = arith.constant 0 : i32
        %dma_start3A_67 = tpu.memref_slice %arg6[%add3A_65, %dma_start3A_66] : memref<80x128xi32, #tpu.memory_space<vmem>> -> memref<1x128xi32, #tpu.memory_space<vmem>>
        %dma_start3A_68 = tpu.memref_squeeze %dma_start3A_67 : memref<1x128xi32, #tpu.memory_space<vmem>> -> memref<128xi32, #tpu.memory_space<vmem>>
        %dma_start3A_69 = arith.constant 0 : i32
        %dma_start3A_70 = arith.constant 0 : i32
        %dma_start3A_71 = tpu.memref_slice %arg2[%dma_start3A_69, %dma_start3A_70] : memref<2560x128xf32, #tpu.memory_space<hbm>> -> memref<2560x128xf32, #tpu.memory_space<hbm>>
        tpu.enqueue_indirect_dma source(%dma_start3A_71 : memref<2560x128xf32, #tpu.memory_space<hbm>>) target(%arg8 : memref<128x128xf32, #tpu.memory_space<vmem>>) offsets(%dma_start3A_68 : memref<128xi32, #tpu.memory_space<vmem>>) semaphore(%arg12 : memref<!tpu.dma_semaphore, #tpu.memory_space<semaphore_mem>>)
      } else {
      }
      %dma_wait3A_56 = arith.constant 0 : i32
      %dma_wait3A_57 = arith.constant 0 : i32
      %dma_wait3A_58 = tpu.memref_slice %arg2[%dma_wait3A_56, %dma_wait3A_57] : memref<2560x128xf32, #tpu.memory_space<hbm>> -> memref<128x128xf32, #tpu.memory_space<hbm>>
      %dma_wait3A_59 = arith.constant 0 : i32
      %dma_wait3A_60 = arith.constant 0 : i32
      %dma_wait3A_61 = tpu.memref_slice %arg2[%dma_wait3A_59, %dma_wait3A_60] : memref<2560x128xf32, #tpu.memory_space<hbm>> -> memref<128x128xf32, #tpu.memory_space<hbm>>
      tpu.wait_dma2 semaphore(%arg13 : memref<!tpu.dma_semaphore, #tpu.memory_space<semaphore_mem>>) src(%dma_wait3A_61 : memref<128x128xf32, #tpu.memory_space<hbm>>) dst(%arg9 : memref<128x128xf32, #tpu.memory_space<vmem>>)
      %add3A_62 = arith.constant 1 : i32
      %add3A_63 = arith.addi %add3A_38, %add3A_62 : i32
      "tpu.region"() ({
        %run_scoped3A = tpu.sem_alloc : memref<!tpu.dma_semaphore, #tpu.memory_space<semaphore_mem>>
        %dma_start3A_64 = arith.constant 0 : i32
        %dma_start3A_65 = tpu.memref_slice %arg7[%add3A_63, %dma_start3A_64] : memref<80x128xi32, #tpu.memory_space<vmem>> -> memref<1x128xi32, #tpu.memory_space<vmem>>
        %dma_start3A_66 = tpu.memref_squeeze %dma_start3A_65 : memref<1x128xi32, #tpu.memory_space<vmem>> -> memref<128xi32, #tpu.memory_space<vmem>>
        %dma_start3A_67 = arith.constant 0 : i32
        %dma_start3A_68 = arith.constant 0 : i32
        %dma_start3A_69 = tpu.memref_slice %arg11[%dma_start3A_67, %dma_start3A_68] : memref<2560x128xf32, #tpu.memory_space<vmem_shared>> -> memref<2560x128xf32, #tpu.memory_space<vmem_shared>>
        tpu.enqueue_indirect_dma source(%arg9 : memref<128x128xf32, #tpu.memory_space<vmem>>) target(%dma_start3A_69 : memref<2560x128xf32, #tpu.memory_space<vmem_shared>>) offsets(%dma_start3A_66 : memref<128xi32, #tpu.memory_space<vmem>>) semaphore(%run_scoped3A : memref<!tpu.dma_semaphore, #tpu.memory_space<semaphore_mem>>) {add = true}
        %dma_wait3A_70 = arith.constant 0 : i32
        %dma_wait3A_71 = tpu.memref_slice %arg7[%add3A_63, %dma_wait3A_70] : memref<80x128xi32, #tpu.memory_space<vmem>> -> memref<1x128xi32, #tpu.memory_space<vmem>>
        %dma_wait3A_72 = tpu.memref_squeeze %dma_wait3A_71 : memref<1x128xi32, #tpu.memory_space<vmem>> -> memref<128xi32, #tpu.memory_space<vmem>>
        %dma_wait3A_73 = arith.constant 0 : i32
        %dma_wait3A_74 = arith.constant 0 : i32
        %dma_wait3A_75 = tpu.memref_slice %arg11[%dma_wait3A_73, %dma_wait3A_74] : memref<2560x128xf32, #tpu.memory_space<vmem_shared>> -> memref<2560x128xf32, #tpu.memory_space<vmem_shared>>
        tpu.wait_indirect_dma semaphore(%run_scoped3A : memref<!tpu.dma_semaphore, #tpu.memory_space<semaphore_mem>>) src(%arg9 : memref<128x128xf32, #tpu.memory_space<vmem>>) dst(%dma_wait3A_75 : memref<2560x128xf32, #tpu.memory_space<vmem_shared>>)
        tpu.yield
      }) : () -> ()
    }
    %scan3A_27 = arith.constant 40 : i32
    %barrier3A_28 = arith.constant 0 : index
    tpu.barrier barrier_id(%barrier3A_28)
    %scan3A_29 = arith.constant 0 : i32
    %scan3A_30 = arith.constant 5 : i32
    %scan3A_31 = arith.addi %scan3A_29, %scan3A_30 : i32
    %scan3A_32 = arith.constant 1 : i32
    scf.for %scan3A_34 = %scan3A_29 to %scan3A_31 step %scan3A_32  : i32 {
      %mul3A_35 = arith.constant 32 : i32
      %mul3A_36 = arith.muli %scan3A_34, %mul3A_35 : i32
      %add3A_37 = arith.constant 0 : i32
      %add3A_38 = arith.addi %add3A_37, %mul3A_36 : i32
      %add3A_39 = arith.addi %mul3A_6, %add3A_38 : i32
      "tpu.region"() ({
        %run_scoped3A = tpu.sem_alloc : memref<!tpu.dma_semaphore, #tpu.memory_space<semaphore_mem>>
        %dma_start3A_41 = arith.constant 0 : i32
        %dma_start3A_42 = tpu.memref_slice %arg11[%add3A_39, %dma_start3A_41] : memref<2560x128xf32, #tpu.memory_space<vmem_shared>> -> memref<32x128xf32, #tpu.memory_space<vmem_shared>>
        %dma_start3A_43 = arith.constant 0 : i32
        %dma_start3A_44 = tpu.memref_slice %arg11[%add3A_39, %dma_start3A_43] : memref<2560x128xf32, #tpu.memory_space<vmem_shared>> -> memref<32x128xf32, #tpu.memory_space<vmem_shared>>
        tpu.enqueue_dma source(%dma_start3A_44 : memref<32x128xf32, #tpu.memory_space<vmem_shared>>) target(%arg10 : memref<32x128xf32, #tpu.memory_space<vmem>>) target_semaphore(%run_scoped3A : memref<!tpu.dma_semaphore, #tpu.memory_space<semaphore_mem>>)
        %dma_wait3A = arith.constant 0 : i32
        %dma_wait3A_45 = tpu.memref_slice %arg11[%add3A_39, %dma_wait3A] : memref<2560x128xf32, #tpu.memory_space<vmem_shared>> -> memref<32x128xf32, #tpu.memory_space<vmem_shared>>
        %dma_wait3A_46 = arith.constant 0 : i32
        %dma_wait3A_47 = tpu.memref_slice %arg11[%add3A_39, %dma_wait3A_46] : memref<2560x128xf32, #tpu.memory_space<vmem_shared>> -> memref<32x128xf32, #tpu.memory_space<vmem_shared>>
        tpu.wait_dma2 semaphore(%run_scoped3A : memref<!tpu.dma_semaphore, #tpu.memory_space<semaphore_mem>>) src(%dma_wait3A_47 : memref<32x128xf32, #tpu.memory_space<vmem_shared>>) dst(%arg10 : memref<32x128xf32, #tpu.memory_space<vmem>>)
        tpu.yield
      }) : () -> ()
      %add3A_40 = arith.addi %mul3A_6, %add3A_38 : i32
      "tpu.region"() ({
        %run_scoped3A = tpu.sem_alloc : memref<!tpu.dma_semaphore, #tpu.memory_space<semaphore_mem>>
        %dma_start3A_41 = arith.constant 0 : i32
        %dma_start3A_42 = tpu.memref_slice %arg5[%arg0, %add3A_40, %dma_start3A_41] : memref<2x2560x128xf32, #tpu.memory_space<hbm>> -> memref<1x32x128xf32, #tpu.memory_space<hbm>>
        %dma_start3A_43 = tpu.memref_squeeze %dma_start3A_42 : memref<1x32x128xf32, #tpu.memory_space<hbm>> -> memref<32x128xf32, #tpu.memory_space<hbm>>
        %dma_start3A_44 = arith.constant 0 : i32
        %dma_start3A_45 = tpu.memref_slice %arg5[%arg0, %add3A_40, %dma_start3A_44] : memref<2x2560x128xf32, #tpu.memory_space<hbm>> -> memref<1x32x128xf32, #tpu.memory_space<hbm>>
        %dma_start3A_46 = tpu.memref_squeeze %dma_start3A_45 : memref<1x32x128xf32, #tpu.memory_space<hbm>> -> memref<32x128xf32, #tpu.memory_space<hbm>>
        tpu.enqueue_dma source(%arg10 : memref<32x128xf32, #tpu.memory_space<vmem>>) target(%dma_start3A_46 : memref<32x128xf32, #tpu.memory_space<hbm>>) target_semaphore(%run_scoped3A : memref<!tpu.dma_semaphore, #tpu.memory_space<semaphore_mem>>)
        %dma_wait3A = arith.constant 0 : i32
        %dma_wait3A_47 = tpu.memref_slice %arg5[%arg0, %add3A_40, %dma_wait3A] : memref<2x2560x128xf32, #tpu.memory_space<hbm>> -> memref<1x32x128xf32, #tpu.memory_space<hbm>>
        %dma_wait3A_48 = tpu.memref_squeeze %dma_wait3A_47 : memref<1x32x128xf32, #tpu.memory_space<hbm>> -> memref<32x128xf32, #tpu.memory_space<hbm>>
        %dma_wait3A_49 = arith.constant 0 : i32
        %dma_wait3A_50 = tpu.memref_slice %arg5[%arg0, %add3A_40, %dma_wait3A_49] : memref<2x2560x128xf32, #tpu.memory_space<hbm>> -> memref<1x32x128xf32, #tpu.memory_space<hbm>>
        %dma_wait3A_51 = tpu.memref_squeeze %dma_wait3A_50 : memref<1x32x128xf32, #tpu.memory_space<hbm>> -> memref<32x128xf32, #tpu.memory_space<hbm>>
        tpu.wait_dma2 semaphore(%run_scoped3A : memref<!tpu.dma_semaphore, #tpu.memory_space<semaphore_mem>>) src(%arg10 : memref<32x128xf32, #tpu.memory_space<vmem>>) dst(%dma_wait3A_51 : memref<32x128xf32, #tpu.memory_space<hbm>>)
        tpu.yield
      }) : () -> ()
    }
    %scan3A_33 = arith.constant 5 : i32
    return
  }
}

#map = affine_map<(d0, d1) -> (0, 0)>
#map1 = affine_map<(d0, d1) -> (0, 0, 0)>
module attributes {stable_mosaic.version = 14 : i64} {
  func.func @sc_agg(%arg0: i32, %arg1: i32, %arg2: memref<5120x128xf32, #tpu.memory_space<hbm>>, %arg3: memref<32x80x128xi32, #tpu.memory_space<hbm>>, %arg4: memref<32x80x128xi32, #tpu.memory_space<hbm>>, %arg5: memref<2x5120x128xf32, #tpu.memory_space<hbm>>, %arg6: memref<80x128xi32, #tpu.memory_space<vmem>>, %arg7: memref<80x128xi32, #tpu.memory_space<vmem>>, %arg8: memref<128x128xf32, #tpu.memory_space<vmem>>, %arg9: memref<128x128xf32, #tpu.memory_space<vmem>>, %arg10: memref<32x128xf32, #tpu.memory_space<vmem>>, %arg11: memref<5120x128xf32, #tpu.memory_space<vmem_shared>>, %arg12: memref<!tpu.dma_semaphore, #tpu.memory_space<semaphore_mem>>, %arg13: memref<!tpu.dma_semaphore, #tpu.memory_space<semaphore_mem>>) attributes {dimension_semantics = [#tpu.dimension_semantics<core_parallel>, #tpu.dimension_semantics<subcore_parallel>], iteration_bounds = array<i64: 2, 16>, scalar_prefetch = 0 : i64, scratch_operands = 8 : i64, tpu.core_type = #tpu.core_type<sc_vector_subcore>, window_params = [{transform_indices = #map}, {transform_indices = #map1}, {transform_indices = #map1}, {transform_indices = #map1}]} {
    %mul3A = arith.constant 2 : i32
    %mul3A_0 = arith.muli %arg1, %mul3A : i32
    %add3A = arith.addi %mul3A_0, %arg0 : i32
    %scan3A = arith.constant 0 : i32
    %scan3A_1 = arith.constant 32 : i32
    %scan3A_2 = arith.addi %scan3A, %scan3A_1 : i32
    %scan3A_3 = arith.constant 1 : i32
    scf.for %scan3A_34 = %scan3A to %scan3A_2 step %scan3A_3  : i32 {
      %mul3A_35 = arith.constant 1 : i32
      %mul3A_36 = arith.muli %scan3A_34, %mul3A_35 : i32
      %add3A_37 = arith.constant 0 : i32
      %add3A_38 = arith.addi %add3A_37, %mul3A_36 : i32
      %scan3A_39 = arith.constant 0 : i32
      %scan3A_40 = arith.constant 8 : i32
      %scan3A_41 = arith.addi %scan3A_39, %scan3A_40 : i32
      %scan3A_42 = arith.constant 1 : i32
      scf.for %scan3A_44 = %scan3A_39 to %scan3A_41 step %scan3A_42  : i32 {
        %mul3A_45 = arith.constant 16 : i32
        %mul3A_46 = arith.muli %scan3A_44, %mul3A_45 : i32
        %add3A_47 = arith.constant 0 : i32
        %add3A_48 = arith.addi %add3A_47, %mul3A_46 : i32
        %broadcast_in_dim3A = arith.constant 0.000000e+00 : f32
        %broadcast_in_dim3A_49 = vector.broadcast %broadcast_in_dim3A : f32 to vector<16xf32>
        %swap3A = arith.index_cast %add3A_38 : i32 to index
        %swap3A_50 = arith.index_cast %add3A_48 : i32 to index
        %swap3A_51 = tpu.vector_load %arg10[%swap3A, %swap3A_50] {strides = array<i32>} : memref<32x128xf32, #tpu.memory_space<vmem>>, vector<1x16xf32>,
        %swap3A_52 = vector.shape_cast %swap3A_51 : vector<1x16xf32> to vector<16xf32>
        %swap3A_53 = vector.shape_cast %broadcast_in_dim3A_49 : vector<16xf32> to vector<1x16xf32>
        tpu.vector_store %arg10[%swap3A, %swap3A_50], %swap3A_53 {strides = array<i32>} : memref<32x128xf32, #tpu.memory_space<vmem>>, vector<1x16xf32>,
      }
      %scan3A_43 = arith.constant 8 : i32
    }
    %scan3A_4 = arith.constant 32 : i32
    %mul3A_5 = arith.constant 320 : i32
    %mul3A_6 = arith.muli %arg1, %mul3A_5 : i32
    %scan3A_7 = arith.constant 0 : i32
    %scan3A_8 = arith.constant 10 : i32
    %scan3A_9 = arith.addi %scan3A_7, %scan3A_8 : i32
    %scan3A_10 = arith.constant 1 : i32
    scf.for %scan3A_34 = %scan3A_7 to %scan3A_9 step %scan3A_10  : i32 {
      %mul3A_35 = arith.constant 32 : i32
      %mul3A_36 = arith.muli %scan3A_34, %mul3A_35 : i32
      %add3A_37 = arith.constant 0 : i32
      %add3A_38 = arith.addi %add3A_37, %mul3A_36 : i32
      %add3A_39 = arith.addi %mul3A_6, %add3A_38 : i32
      "tpu.region"() ({
        %run_scoped3A = tpu.sem_alloc : memref<!tpu.dma_semaphore, #tpu.memory_space<semaphore_mem>>
        %dma_start3A_40 = arith.constant 0 : i32
        %dma_start3A_41 = tpu.memref_slice %arg11[%add3A_39, %dma_start3A_40] : memref<5120x128xf32, #tpu.memory_space<vmem_shared>> -> memref<32x128xf32, #tpu.memory_space<vmem_shared>>
        %dma_start3A_42 = arith.constant 0 : i32
        %dma_start3A_43 = tpu.memref_slice %arg11[%add3A_39, %dma_start3A_42] : memref<5120x128xf32, #tpu.memory_space<vmem_shared>> -> memref<32x128xf32, #tpu.memory_space<vmem_shared>>
        tpu.enqueue_dma source(%arg10 : memref<32x128xf32, #tpu.memory_space<vmem>>) target(%dma_start3A_43 : memref<32x128xf32, #tpu.memory_space<vmem_shared>>) target_semaphore(%run_scoped3A : memref<!tpu.dma_semaphore, #tpu.memory_space<semaphore_mem>>)
        %dma_wait3A = arith.constant 0 : i32
        %dma_wait3A_44 = tpu.memref_slice %arg11[%add3A_39, %dma_wait3A] : memref<5120x128xf32, #tpu.memory_space<vmem_shared>> -> memref<32x128xf32, #tpu.memory_space<vmem_shared>>
        %dma_wait3A_45 = arith.constant 0 : i32
        %dma_wait3A_46 = tpu.memref_slice %arg11[%add3A_39, %dma_wait3A_45] : memref<5120x128xf32, #tpu.memory_space<vmem_shared>> -> memref<32x128xf32, #tpu.memory_space<vmem_shared>>
        tpu.wait_dma2 semaphore(%run_scoped3A : memref<!tpu.dma_semaphore, #tpu.memory_space<semaphore_mem>>) src(%arg10 : memref<32x128xf32, #tpu.memory_space<vmem>>) dst(%dma_wait3A_46 : memref<32x128xf32, #tpu.memory_space<vmem_shared>>)
        tpu.yield
      }) : () -> ()
    }
    %scan3A_11 = arith.constant 10 : i32
    "tpu.region"() ({
      %run_scoped3A = tpu.sem_alloc : memref<!tpu.dma_semaphore, #tpu.memory_space<semaphore_mem>>
      %dma_start3A_34 = arith.constant 0 : i32
      %dma_start3A_35 = arith.constant 0 : i32
      %dma_start3A_36 = tpu.memref_slice %arg3[%add3A, %dma_start3A_34, %dma_start3A_35] : memref<32x80x128xi32, #tpu.memory_space<hbm>> -> memref<1x80x128xi32, #tpu.memory_space<hbm>>
      %dma_start3A_37 = tpu.memref_squeeze %dma_start3A_36 : memref<1x80x128xi32, #tpu.memory_space<hbm>> -> memref<80x128xi32, #tpu.memory_space<hbm>>
      %dma_start3A_38 = arith.constant 0 : i32
      %dma_start3A_39 = arith.constant 0 : i32
      %dma_start3A_40 = tpu.memref_slice %arg3[%add3A, %dma_start3A_38, %dma_start3A_39] : memref<32x80x128xi32, #tpu.memory_space<hbm>> -> memref<1x80x128xi32, #tpu.memory_space<hbm>>
      %dma_start3A_41 = tpu.memref_squeeze %dma_start3A_40 : memref<1x80x128xi32, #tpu.memory_space<hbm>> -> memref<80x128xi32, #tpu.memory_space<hbm>>
      tpu.enqueue_dma source(%dma_start3A_41 : memref<80x128xi32, #tpu.memory_space<hbm>>) target(%arg6 : memref<80x128xi32, #tpu.memory_space<vmem>>) target_semaphore(%run_scoped3A : memref<!tpu.dma_semaphore, #tpu.memory_space<semaphore_mem>>)
      %dma_wait3A = arith.constant 0 : i32
      %dma_wait3A_42 = arith.constant 0 : i32
      %dma_wait3A_43 = tpu.memref_slice %arg3[%add3A, %dma_wait3A, %dma_wait3A_42] : memref<32x80x128xi32, #tpu.memory_space<hbm>> -> memref<1x80x128xi32, #tpu.memory_space<hbm>>
      %dma_wait3A_44 = tpu.memref_squeeze %dma_wait3A_43 : memref<1x80x128xi32, #tpu.memory_space<hbm>> -> memref<80x128xi32, #tpu.memory_space<hbm>>
      %dma_wait3A_45 = arith.constant 0 : i32
      %dma_wait3A_46 = arith.constant 0 : i32
      %dma_wait3A_47 = tpu.memref_slice %arg3[%add3A, %dma_wait3A_45, %dma_wait3A_46] : memref<32x80x128xi32, #tpu.memory_space<hbm>> -> memref<1x80x128xi32, #tpu.memory_space<hbm>>
      %dma_wait3A_48 = tpu.memref_squeeze %dma_wait3A_47 : memref<1x80x128xi32, #tpu.memory_space<hbm>> -> memref<80x128xi32, #tpu.memory_space<hbm>>
      tpu.wait_dma2 semaphore(%run_scoped3A : memref<!tpu.dma_semaphore, #tpu.memory_space<semaphore_mem>>) src(%dma_wait3A_48 : memref<80x128xi32, #tpu.memory_space<hbm>>) dst(%arg6 : memref<80x128xi32, #tpu.memory_space<vmem>>)
      tpu.yield
    }) : () -> ()
    "tpu.region"() ({
      %run_scoped3A = tpu.sem_alloc : memref<!tpu.dma_semaphore, #tpu.memory_space<semaphore_mem>>
      %dma_start3A_34 = arith.constant 0 : i32
      %dma_start3A_35 = arith.constant 0 : i32
      %dma_start3A_36 = tpu.memref_slice %arg4[%add3A, %dma_start3A_34, %dma_start3A_35] : memref<32x80x128xi32, #tpu.memory_space<hbm>> -> memref<1x80x128xi32, #tpu.memory_space<hbm>>
      %dma_start3A_37 = tpu.memref_squeeze %dma_start3A_36 : memref<1x80x128xi32, #tpu.memory_space<hbm>> -> memref<80x128xi32, #tpu.memory_space<hbm>>
      %dma_start3A_38 = arith.constant 0 : i32
      %dma_start3A_39 = arith.constant 0 : i32
      %dma_start3A_40 = tpu.memref_slice %arg4[%add3A, %dma_start3A_38, %dma_start3A_39] : memref<32x80x128xi32, #tpu.memory_space<hbm>> -> memref<1x80x128xi32, #tpu.memory_space<hbm>>
      %dma_start3A_41 = tpu.memref_squeeze %dma_start3A_40 : memref<1x80x128xi32, #tpu.memory_space<hbm>> -> memref<80x128xi32, #tpu.memory_space<hbm>>
      tpu.enqueue_dma source(%dma_start3A_41 : memref<80x128xi32, #tpu.memory_space<hbm>>) target(%arg7 : memref<80x128xi32, #tpu.memory_space<vmem>>) target_semaphore(%run_scoped3A : memref<!tpu.dma_semaphore, #tpu.memory_space<semaphore_mem>>)
      %dma_wait3A = arith.constant 0 : i32
      %dma_wait3A_42 = arith.constant 0 : i32
      %dma_wait3A_43 = tpu.memref_slice %arg4[%add3A, %dma_wait3A, %dma_wait3A_42] : memref<32x80x128xi32, #tpu.memory_space<hbm>> -> memref<1x80x128xi32, #tpu.memory_space<hbm>>
      %dma_wait3A_44 = tpu.memref_squeeze %dma_wait3A_43 : memref<1x80x128xi32, #tpu.memory_space<hbm>> -> memref<80x128xi32, #tpu.memory_space<hbm>>
      %dma_wait3A_45 = arith.constant 0 : i32
      %dma_wait3A_46 = arith.constant 0 : i32
      %dma_wait3A_47 = tpu.memref_slice %arg4[%add3A, %dma_wait3A_45, %dma_wait3A_46] : memref<32x80x128xi32, #tpu.memory_space<hbm>> -> memref<1x80x128xi32, #tpu.memory_space<hbm>>
      %dma_wait3A_48 = tpu.memref_squeeze %dma_wait3A_47 : memref<1x80x128xi32, #tpu.memory_space<hbm>> -> memref<80x128xi32, #tpu.memory_space<hbm>>
      tpu.wait_dma2 semaphore(%run_scoped3A : memref<!tpu.dma_semaphore, #tpu.memory_space<semaphore_mem>>) src(%dma_wait3A_48 : memref<80x128xi32, #tpu.memory_space<hbm>>) dst(%arg7 : memref<80x128xi32, #tpu.memory_space<vmem>>)
      tpu.yield
    }) : () -> ()
    %scan3A_12 = arith.constant 0 : i32
    %scan3A_13 = arith.constant 80 : i32
    %scan3A_14 = arith.addi %scan3A_12, %scan3A_13 : i32
    %scan3A_15 = arith.constant 1 : i32
    scf.for %scan3A_34 = %scan3A_12 to %scan3A_14 step %scan3A_15  : i32 {
      %mul3A_35 = arith.constant 1 : i32
      %mul3A_36 = arith.muli %scan3A_34, %mul3A_35 : i32
      %add3A_37 = arith.constant 0 : i32
      %add3A_38 = arith.addi %add3A_37, %mul3A_36 : i32
      %get3A = arith.index_cast %add3A_38 : i32 to index
      %get3A_39 = arith.constant 0 : index
      %get3A_40 = tpu.vector_load %arg6[%get3A, %get3A_39] {strides = array<i32>} : memref<80x128xi32, #tpu.memory_space<vmem>>, vector<1x16xi32>,
      %get3A_41 = vector.shape_cast %get3A_40 : vector<1x16xi32> to vector<16xi32>
      %shift_right_logical3A = arith.constant 1 : i32
      %shift_right_logical3A_42 = vector.broadcast %shift_right_logical3A : i32 to vector<16xi32>
      %shift_right_logical3A_43 = arith.shrui %get3A_41, %shift_right_logical3A_42 : vector<16xi32>
      %swap3A = arith.index_cast %add3A_38 : i32 to index
      %swap3A_44 = arith.constant 0 : index
      %swap3A_45 = tpu.vector_load %arg6[%swap3A, %swap3A_44] {strides = array<i32>} : memref<80x128xi32, #tpu.memory_space<vmem>>, vector<1x16xi32>,
      %swap3A_46 = vector.shape_cast %swap3A_45 : vector<1x16xi32> to vector<16xi32>
      %swap3A_47 = vector.shape_cast %shift_right_logical3A_43 : vector<16xi32> to vector<1x16xi32>
      tpu.vector_store %arg6[%swap3A, %swap3A_44], %swap3A_47 {strides = array<i32>} : memref<80x128xi32, #tpu.memory_space<vmem>>, vector<1x16xi32>,
      %get3A_48 = arith.index_cast %add3A_38 : i32 to index
      %get3A_49 = arith.constant 0 : index
      %get3A_50 = tpu.vector_load %arg7[%get3A_48, %get3A_49] {strides = array<i32>} : memref<80x128xi32, #tpu.memory_space<vmem>>, vector<1x16xi32>,
      %get3A_51 = vector.shape_cast %get3A_50 : vector<1x16xi32> to vector<16xi32>
      %shift_right_logical3A_52 = arith.constant 1 : i32
      %shift_right_logical3A_53 = vector.broadcast %shift_right_logical3A_52 : i32 to vector<16xi32>
      %shift_right_logical3A_54 = arith.shrui %get3A_51, %shift_right_logical3A_53 : vector<16xi32>
      %swap3A_55 = arith.index_cast %add3A_38 : i32 to index
      %swap3A_56 = arith.constant 0 : index
      %swap3A_57 = tpu.vector_load %arg7[%swap3A_55, %swap3A_56] {strides = array<i32>} : memref<80x128xi32, #tpu.memory_space<vmem>>, vector<1x16xi32>,
      %swap3A_58 = vector.shape_cast %swap3A_57 : vector<1x16xi32> to vector<16xi32>
      %swap3A_59 = vector.shape_cast %shift_right_logical3A_54 : vector<16xi32> to vector<1x16xi32>
      tpu.vector_store %arg7[%swap3A_55, %swap3A_56], %swap3A_59 {strides = array<i32>} : memref<80x128xi32, #tpu.memory_space<vmem>>, vector<1x16xi32>,
      %get3A_60 = arith.index_cast %add3A_38 : i32 to index
      %get3A_61 = arith.constant 16 : index
      %get3A_62 = tpu.vector_load %arg6[%get3A_60, %get3A_61] {strides = array<i32>} : memref<80x128xi32, #tpu.memory_space<vmem>>, vector<1x16xi32>,
      %get3A_63 = vector.shape_cast %get3A_62 : vector<1x16xi32> to vector<16xi32>
      %shift_right_logical3A_64 = arith.constant 1 : i32
      %shift_right_logical3A_65 = vector.broadcast %shift_right_logical3A_64 : i32 to vector<16xi32>
      %shift_right_logical3A_66 = arith.shrui %get3A_63, %shift_right_logical3A_65 : vector<16xi32>
      %swap3A_67 = arith.index_cast %add3A_38 : i32 to index
      %swap3A_68 = arith.constant 16 : index
      %swap3A_69 = tpu.vector_load %arg6[%swap3A_67, %swap3A_68] {strides = array<i32>} : memref<80x128xi32, #tpu.memory_space<vmem>>, vector<1x16xi32>,
      %swap3A_70 = vector.shape_cast %swap3A_69 : vector<1x16xi32> to vector<16xi32>
      %swap3A_71 = vector.shape_cast %shift_right_logical3A_66 : vector<16xi32> to vector<1x16xi32>
      tpu.vector_store %arg6[%swap3A_67, %swap3A_68], %swap3A_71 {strides = array<i32>} : memref<80x128xi32, #tpu.memory_space<vmem>>, vector<1x16xi32>,
      %get3A_72 = arith.index_cast %add3A_38 : i32 to index
      %get3A_73 = arith.constant 16 : index
      %get3A_74 = tpu.vector_load %arg7[%get3A_72, %get3A_73] {strides = array<i32>} : memref<80x128xi32, #tpu.memory_space<vmem>>, vector<1x16xi32>,
      %get3A_75 = vector.shape_cast %get3A_74 : vector<1x16xi32> to vector<16xi32>
      %shift_right_logical3A_76 = arith.constant 1 : i32
      %shift_right_logical3A_77 = vector.broadcast %shift_right_logical3A_76 : i32 to vector<16xi32>
      %shift_right_logical3A_78 = arith.shrui %get3A_75, %shift_right_logical3A_77 : vector<16xi32>
      %swap3A_79 = arith.index_cast %add3A_38 : i32 to index
      %swap3A_80 = arith.constant 16 : index
      %swap3A_81 = tpu.vector_load %arg7[%swap3A_79, %swap3A_80] {strides = array<i32>} : memref<80x128xi32, #tpu.memory_space<vmem>>, vector<1x16xi32>,
      %swap3A_82 = vector.shape_cast %swap3A_81 : vector<1x16xi32> to vector<16xi32>
      %swap3A_83 = vector.shape_cast %shift_right_logical3A_78 : vector<16xi32> to vector<1x16xi32>
      tpu.vector_store %arg7[%swap3A_79, %swap3A_80], %swap3A_83 {strides = array<i32>} : memref<80x128xi32, #tpu.memory_space<vmem>>, vector<1x16xi32>,
      %get3A_84 = arith.index_cast %add3A_38 : i32 to index
      %get3A_85 = arith.constant 32 : index
      %get3A_86 = tpu.vector_load %arg6[%get3A_84, %get3A_85] {strides = array<i32>} : memref<80x128xi32, #tpu.memory_space<vmem>>, vector<1x16xi32>,
      %get3A_87 = vector.shape_cast %get3A_86 : vector<1x16xi32> to vector<16xi32>
      %shift_right_logical3A_88 = arith.constant 1 : i32
      %shift_right_logical3A_89 = vector.broadcast %shift_right_logical3A_88 : i32 to vector<16xi32>
      %shift_right_logical3A_90 = arith.shrui %get3A_87, %shift_right_logical3A_89 : vector<16xi32>
      %swap3A_91 = arith.index_cast %add3A_38 : i32 to index
      %swap3A_92 = arith.constant 32 : index
      %swap3A_93 = tpu.vector_load %arg6[%swap3A_91, %swap3A_92] {strides = array<i32>} : memref<80x128xi32, #tpu.memory_space<vmem>>, vector<1x16xi32>,
      %swap3A_94 = vector.shape_cast %swap3A_93 : vector<1x16xi32> to vector<16xi32>
      %swap3A_95 = vector.shape_cast %shift_right_logical3A_90 : vector<16xi32> to vector<1x16xi32>
      tpu.vector_store %arg6[%swap3A_91, %swap3A_92], %swap3A_95 {strides = array<i32>} : memref<80x128xi32, #tpu.memory_space<vmem>>, vector<1x16xi32>,
      %get3A_96 = arith.index_cast %add3A_38 : i32 to index
      %get3A_97 = arith.constant 32 : index
      %get3A_98 = tpu.vector_load %arg7[%get3A_96, %get3A_97] {strides = array<i32>} : memref<80x128xi32, #tpu.memory_space<vmem>>, vector<1x16xi32>,
      %get3A_99 = vector.shape_cast %get3A_98 : vector<1x16xi32> to vector<16xi32>
      %shift_right_logical3A_100 = arith.constant 1 : i32
      %shift_right_logical3A_101 = vector.broadcast %shift_right_logical3A_100 : i32 to vector<16xi32>
      %shift_right_logical3A_102 = arith.shrui %get3A_99, %shift_right_logical3A_101 : vector<16xi32>
      %swap3A_103 = arith.index_cast %add3A_38 : i32 to index
      %swap3A_104 = arith.constant 32 : index
      %swap3A_105 = tpu.vector_load %arg7[%swap3A_103, %swap3A_104] {strides = array<i32>} : memref<80x128xi32, #tpu.memory_space<vmem>>, vector<1x16xi32>,
      %swap3A_106 = vector.shape_cast %swap3A_105 : vector<1x16xi32> to vector<16xi32>
      %swap3A_107 = vector.shape_cast %shift_right_logical3A_102 : vector<16xi32> to vector<1x16xi32>
      tpu.vector_store %arg7[%swap3A_103, %swap3A_104], %swap3A_107 {strides = array<i32>} : memref<80x128xi32, #tpu.memory_space<vmem>>, vector<1x16xi32>,
      %get3A_108 = arith.index_cast %add3A_38 : i32 to index
      %get3A_109 = arith.constant 48 : index
      %get3A_110 = tpu.vector_load %arg6[%get3A_108, %get3A_109] {strides = array<i32>} : memref<80x128xi32, #tpu.memory_space<vmem>>, vector<1x16xi32>,
      %get3A_111 = vector.shape_cast %get3A_110 : vector<1x16xi32> to vector<16xi32>
      %shift_right_logical3A_112 = arith.constant 1 : i32
      %shift_right_logical3A_113 = vector.broadcast %shift_right_logical3A_112 : i32 to vector<16xi32>
      %shift_right_logical3A_114 = arith.shrui %get3A_111, %shift_right_logical3A_113 : vector<16xi32>
      %swap3A_115 = arith.index_cast %add3A_38 : i32 to index
      %swap3A_116 = arith.constant 48 : index
      %swap3A_117 = tpu.vector_load %arg6[%swap3A_115, %swap3A_116] {strides = array<i32>} : memref<80x128xi32, #tpu.memory_space<vmem>>, vector<1x16xi32>,
      %swap3A_118 = vector.shape_cast %swap3A_117 : vector<1x16xi32> to vector<16xi32>
      %swap3A_119 = vector.shape_cast %shift_right_logical3A_114 : vector<16xi32> to vector<1x16xi32>
      tpu.vector_store %arg6[%swap3A_115, %swap3A_116], %swap3A_119 {strides = array<i32>} : memref<80x128xi32, #tpu.memory_space<vmem>>, vector<1x16xi32>,
      %get3A_120 = arith.index_cast %add3A_38 : i32 to index
      %get3A_121 = arith.constant 48 : index
      %get3A_122 = tpu.vector_load %arg7[%get3A_120, %get3A_121] {strides = array<i32>} : memref<80x128xi32, #tpu.memory_space<vmem>>, vector<1x16xi32>,
      %get3A_123 = vector.shape_cast %get3A_122 : vector<1x16xi32> to vector<16xi32>
      %shift_right_logical3A_124 = arith.constant 1 : i32
      %shift_right_logical3A_125 = vector.broadcast %shift_right_logical3A_124 : i32 to vector<16xi32>
      %shift_right_logical3A_126 = arith.shrui %get3A_123, %shift_right_logical3A_125 : vector<16xi32>
      %swap3A_127 = arith.index_cast %add3A_38 : i32 to index
      %swap3A_128 = arith.constant 48 : index
      %swap3A_129 = tpu.vector_load %arg7[%swap3A_127, %swap3A_128] {strides = array<i32>} : memref<80x128xi32, #tpu.memory_space<vmem>>, vector<1x16xi32>,
      %swap3A_130 = vector.shape_cast %swap3A_129 : vector<1x16xi32> to vector<16xi32>
      %swap3A_131 = vector.shape_cast %shift_right_logical3A_126 : vector<16xi32> to vector<1x16xi32>
      tpu.vector_store %arg7[%swap3A_127, %swap3A_128], %swap3A_131 {strides = array<i32>} : memref<80x128xi32, #tpu.memory_space<vmem>>, vector<1x16xi32>,
      %get3A_132 = arith.index_cast %add3A_38 : i32 to index
      %get3A_133 = arith.constant 64 : index
      %get3A_134 = tpu.vector_load %arg6[%get3A_132, %get3A_133] {strides = array<i32>} : memref<80x128xi32, #tpu.memory_space<vmem>>, vector<1x16xi32>,
      %get3A_135 = vector.shape_cast %get3A_134 : vector<1x16xi32> to vector<16xi32>
      %shift_right_logical3A_136 = arith.constant 1 : i32
      %shift_right_logical3A_137 = vector.broadcast %shift_right_logical3A_136 : i32 to vector<16xi32>
      %shift_right_logical3A_138 = arith.shrui %get3A_135, %shift_right_logical3A_137 : vector<16xi32>
      %swap3A_139 = arith.index_cast %add3A_38 : i32 to index
      %swap3A_140 = arith.constant 64 : index
      %swap3A_141 = tpu.vector_load %arg6[%swap3A_139, %swap3A_140] {strides = array<i32>} : memref<80x128xi32, #tpu.memory_space<vmem>>, vector<1x16xi32>,
      %swap3A_142 = vector.shape_cast %swap3A_141 : vector<1x16xi32> to vector<16xi32>
      %swap3A_143 = vector.shape_cast %shift_right_logical3A_138 : vector<16xi32> to vector<1x16xi32>
      tpu.vector_store %arg6[%swap3A_139, %swap3A_140], %swap3A_143 {strides = array<i32>} : memref<80x128xi32, #tpu.memory_space<vmem>>, vector<1x16xi32>,
      %get3A_144 = arith.index_cast %add3A_38 : i32 to index
      %get3A_145 = arith.constant 64 : index
      %get3A_146 = tpu.vector_load %arg7[%get3A_144, %get3A_145] {strides = array<i32>} : memref<80x128xi32, #tpu.memory_space<vmem>>, vector<1x16xi32>,
      %get3A_147 = vector.shape_cast %get3A_146 : vector<1x16xi32> to vector<16xi32>
      %shift_right_logical3A_148 = arith.constant 1 : i32
      %shift_right_logical3A_149 = vector.broadcast %shift_right_logical3A_148 : i32 to vector<16xi32>
      %shift_right_logical3A_150 = arith.shrui %get3A_147, %shift_right_logical3A_149 : vector<16xi32>
      %swap3A_151 = arith.index_cast %add3A_38 : i32 to index
      %swap3A_152 = arith.constant 64 : index
      %swap3A_153 = tpu.vector_load %arg7[%swap3A_151, %swap3A_152] {strides = array<i32>} : memref<80x128xi32, #tpu.memory_space<vmem>>, vector<1x16xi32>,
      %swap3A_154 = vector.shape_cast %swap3A_153 : vector<1x16xi32> to vector<16xi32>
      %swap3A_155 = vector.shape_cast %shift_right_logical3A_150 : vector<16xi32> to vector<1x16xi32>
      tpu.vector_store %arg7[%swap3A_151, %swap3A_152], %swap3A_155 {strides = array<i32>} : memref<80x128xi32, #tpu.memory_space<vmem>>, vector<1x16xi32>,
      %get3A_156 = arith.index_cast %add3A_38 : i32 to index
      %get3A_157 = arith.constant 80 : index
      %get3A_158 = tpu.vector_load %arg6[%get3A_156, %get3A_157] {strides = array<i32>} : memref<80x128xi32, #tpu.memory_space<vmem>>, vector<1x16xi32>,
      %get3A_159 = vector.shape_cast %get3A_158 : vector<1x16xi32> to vector<16xi32>
      %shift_right_logical3A_160 = arith.constant 1 : i32
      %shift_right_logical3A_161 = vector.broadcast %shift_right_logical3A_160 : i32 to vector<16xi32>
      %shift_right_logical3A_162 = arith.shrui %get3A_159, %shift_right_logical3A_161 : vector<16xi32>
      %swap3A_163 = arith.index_cast %add3A_38 : i32 to index
      %swap3A_164 = arith.constant 80 : index
      %swap3A_165 = tpu.vector_load %arg6[%swap3A_163, %swap3A_164] {strides = array<i32>} : memref<80x128xi32, #tpu.memory_space<vmem>>, vector<1x16xi32>,
      %swap3A_166 = vector.shape_cast %swap3A_165 : vector<1x16xi32> to vector<16xi32>
      %swap3A_167 = vector.shape_cast %shift_right_logical3A_162 : vector<16xi32> to vector<1x16xi32>
      tpu.vector_store %arg6[%swap3A_163, %swap3A_164], %swap3A_167 {strides = array<i32>} : memref<80x128xi32, #tpu.memory_space<vmem>>, vector<1x16xi32>,
      %get3A_168 = arith.index_cast %add3A_38 : i32 to index
      %get3A_169 = arith.constant 80 : index
      %get3A_170 = tpu.vector_load %arg7[%get3A_168, %get3A_169] {strides = array<i32>} : memref<80x128xi32, #tpu.memory_space<vmem>>, vector<1x16xi32>,
      %get3A_171 = vector.shape_cast %get3A_170 : vector<1x16xi32> to vector<16xi32>
      %shift_right_logical3A_172 = arith.constant 1 : i32
      %shift_right_logical3A_173 = vector.broadcast %shift_right_logical3A_172 : i32 to vector<16xi32>
      %shift_right_logical3A_174 = arith.shrui %get3A_171, %shift_right_logical3A_173 : vector<16xi32>
      %swap3A_175 = arith.index_cast %add3A_38 : i32 to index
      %swap3A_176 = arith.constant 80 : index
      %swap3A_177 = tpu.vector_load %arg7[%swap3A_175, %swap3A_176] {strides = array<i32>} : memref<80x128xi32, #tpu.memory_space<vmem>>, vector<1x16xi32>,
      %swap3A_178 = vector.shape_cast %swap3A_177 : vector<1x16xi32> to vector<16xi32>
      %swap3A_179 = vector.shape_cast %shift_right_logical3A_174 : vector<16xi32> to vector<1x16xi32>
      tpu.vector_store %arg7[%swap3A_175, %swap3A_176], %swap3A_179 {strides = array<i32>} : memref<80x128xi32, #tpu.memory_space<vmem>>, vector<1x16xi32>,
      %get3A_180 = arith.index_cast %add3A_38 : i32 to index
      %get3A_181 = arith.constant 96 : index
      %get3A_182 = tpu.vector_load %arg6[%get3A_180, %get3A_181] {strides = array<i32>} : memref<80x128xi32, #tpu.memory_space<vmem>>, vector<1x16xi32>,
      %get3A_183 = vector.shape_cast %get3A_182 : vector<1x16xi32> to vector<16xi32>
      %shift_right_logical3A_184 = arith.constant 1 : i32
      %shift_right_logical3A_185 = vector.broadcast %shift_right_logical3A_184 : i32 to vector<16xi32>
      %shift_right_logical3A_186 = arith.shrui %get3A_183, %shift_right_logical3A_185 : vector<16xi32>
      %swap3A_187 = arith.index_cast %add3A_38 : i32 to index
      %swap3A_188 = arith.constant 96 : index
      %swap3A_189 = tpu.vector_load %arg6[%swap3A_187, %swap3A_188] {strides = array<i32>} : memref<80x128xi32, #tpu.memory_space<vmem>>, vector<1x16xi32>,
      %swap3A_190 = vector.shape_cast %swap3A_189 : vector<1x16xi32> to vector<16xi32>
      %swap3A_191 = vector.shape_cast %shift_right_logical3A_186 : vector<16xi32> to vector<1x16xi32>
      tpu.vector_store %arg6[%swap3A_187, %swap3A_188], %swap3A_191 {strides = array<i32>} : memref<80x128xi32, #tpu.memory_space<vmem>>, vector<1x16xi32>,
      %get3A_192 = arith.index_cast %add3A_38 : i32 to index
      %get3A_193 = arith.constant 96 : index
      %get3A_194 = tpu.vector_load %arg7[%get3A_192, %get3A_193] {strides = array<i32>} : memref<80x128xi32, #tpu.memory_space<vmem>>, vector<1x16xi32>,
      %get3A_195 = vector.shape_cast %get3A_194 : vector<1x16xi32> to vector<16xi32>
      %shift_right_logical3A_196 = arith.constant 1 : i32
      %shift_right_logical3A_197 = vector.broadcast %shift_right_logical3A_196 : i32 to vector<16xi32>
      %shift_right_logical3A_198 = arith.shrui %get3A_195, %shift_right_logical3A_197 : vector<16xi32>
      %swap3A_199 = arith.index_cast %add3A_38 : i32 to index
      %swap3A_200 = arith.constant 96 : index
      %swap3A_201 = tpu.vector_load %arg7[%swap3A_199, %swap3A_200] {strides = array<i32>} : memref<80x128xi32, #tpu.memory_space<vmem>>, vector<1x16xi32>,
      %swap3A_202 = vector.shape_cast %swap3A_201 : vector<1x16xi32> to vector<16xi32>
      %swap3A_203 = vector.shape_cast %shift_right_logical3A_198 : vector<16xi32> to vector<1x16xi32>
      tpu.vector_store %arg7[%swap3A_199, %swap3A_200], %swap3A_203 {strides = array<i32>} : memref<80x128xi32, #tpu.memory_space<vmem>>, vector<1x16xi32>,
      %get3A_204 = arith.index_cast %add3A_38 : i32 to index
      %get3A_205 = arith.constant 112 : index
      %get3A_206 = tpu.vector_load %arg6[%get3A_204, %get3A_205] {strides = array<i32>} : memref<80x128xi32, #tpu.memory_space<vmem>>, vector<1x16xi32>,
      %get3A_207 = vector.shape_cast %get3A_206 : vector<1x16xi32> to vector<16xi32>
      %shift_right_logical3A_208 = arith.constant 1 : i32
      %shift_right_logical3A_209 = vector.broadcast %shift_right_logical3A_208 : i32 to vector<16xi32>
      %shift_right_logical3A_210 = arith.shrui %get3A_207, %shift_right_logical3A_209 : vector<16xi32>
      %swap3A_211 = arith.index_cast %add3A_38 : i32 to index
      %swap3A_212 = arith.constant 112 : index
      %swap3A_213 = tpu.vector_load %arg6[%swap3A_211, %swap3A_212] {strides = array<i32>} : memref<80x128xi32, #tpu.memory_space<vmem>>, vector<1x16xi32>,
      %swap3A_214 = vector.shape_cast %swap3A_213 : vector<1x16xi32> to vector<16xi32>
      %swap3A_215 = vector.shape_cast %shift_right_logical3A_210 : vector<16xi32> to vector<1x16xi32>
      tpu.vector_store %arg6[%swap3A_211, %swap3A_212], %swap3A_215 {strides = array<i32>} : memref<80x128xi32, #tpu.memory_space<vmem>>, vector<1x16xi32>,
      %get3A_216 = arith.index_cast %add3A_38 : i32 to index
      %get3A_217 = arith.constant 112 : index
      %get3A_218 = tpu.vector_load %arg7[%get3A_216, %get3A_217] {strides = array<i32>} : memref<80x128xi32, #tpu.memory_space<vmem>>, vector<1x16xi32>,
      %get3A_219 = vector.shape_cast %get3A_218 : vector<1x16xi32> to vector<16xi32>
      %shift_right_logical3A_220 = arith.constant 1 : i32
      %shift_right_logical3A_221 = vector.broadcast %shift_right_logical3A_220 : i32 to vector<16xi32>
      %shift_right_logical3A_222 = arith.shrui %get3A_219, %shift_right_logical3A_221 : vector<16xi32>
      %swap3A_223 = arith.index_cast %add3A_38 : i32 to index
      %swap3A_224 = arith.constant 112 : index
      %swap3A_225 = tpu.vector_load %arg7[%swap3A_223, %swap3A_224] {strides = array<i32>} : memref<80x128xi32, #tpu.memory_space<vmem>>, vector<1x16xi32>,
      %swap3A_226 = vector.shape_cast %swap3A_225 : vector<1x16xi32> to vector<16xi32>
      %swap3A_227 = vector.shape_cast %shift_right_logical3A_222 : vector<16xi32> to vector<1x16xi32>
      tpu.vector_store %arg7[%swap3A_223, %swap3A_224], %swap3A_227 {strides = array<i32>} : memref<80x128xi32, #tpu.memory_space<vmem>>, vector<1x16xi32>,
    }
    %scan3A_16 = arith.constant 80 : i32
    %barrier3A = arith.constant 0 : index
    tpu.barrier barrier_id(%barrier3A)
    %dma_start3A = arith.constant 0 : i32
    %dma_start3A_17 = arith.constant 0 : i32
    %dma_start3A_18 = tpu.memref_slice %arg6[%dma_start3A, %dma_start3A_17] : memref<80x128xi32, #tpu.memory_space<vmem>> -> memref<1x128xi32, #tpu.memory_space<vmem>>
    %dma_start3A_19 = tpu.memref_squeeze %dma_start3A_18 : memref<1x128xi32, #tpu.memory_space<vmem>> -> memref<128xi32, #tpu.memory_space<vmem>>
    %dma_start3A_20 = arith.constant 0 : i32
    %dma_start3A_21 = arith.constant 0 : i32
    %dma_start3A_22 = tpu.memref_slice %arg2[%dma_start3A_20, %dma_start3A_21] : memref<5120x128xf32, #tpu.memory_space<hbm>> -> memref<5120x128xf32, #tpu.memory_space<hbm>>
    tpu.enqueue_indirect_dma source(%dma_start3A_22 : memref<5120x128xf32, #tpu.memory_space<hbm>>) target(%arg8 : memref<128x128xf32, #tpu.memory_space<vmem>>) offsets(%dma_start3A_19 : memref<128xi32, #tpu.memory_space<vmem>>) semaphore(%arg12 : memref<!tpu.dma_semaphore, #tpu.memory_space<semaphore_mem>>)
    %scan3A_23 = arith.constant 0 : i32
    %scan3A_24 = arith.constant 40 : i32
    %scan3A_25 = arith.addi %scan3A_23, %scan3A_24 : i32
    %scan3A_26 = arith.constant 1 : i32
    scf.for %scan3A_34 = %scan3A_23 to %scan3A_25 step %scan3A_26  : i32 {
      %mul3A_35 = arith.constant 2 : i32
      %mul3A_36 = arith.muli %scan3A_34, %mul3A_35 : i32
      %add3A_37 = arith.constant 0 : i32
      %add3A_38 = arith.addi %add3A_37, %mul3A_36 : i32
      %add3A_39 = arith.constant 1 : i32
      %add3A_40 = arith.addi %add3A_38, %add3A_39 : i32
      %dma_start3A_41 = arith.constant 0 : i32
      %dma_start3A_42 = tpu.memref_slice %arg6[%add3A_40, %dma_start3A_41] : memref<80x128xi32, #tpu.memory_space<vmem>> -> memref<1x128xi32, #tpu.memory_space<vmem>>
      %dma_start3A_43 = tpu.memref_squeeze %dma_start3A_42 : memref<1x128xi32, #tpu.memory_space<vmem>> -> memref<128xi32, #tpu.memory_space<vmem>>
      %dma_start3A_44 = arith.constant 0 : i32
      %dma_start3A_45 = arith.constant 0 : i32
      %dma_start3A_46 = tpu.memref_slice %arg2[%dma_start3A_44, %dma_start3A_45] : memref<5120x128xf32, #tpu.memory_space<hbm>> -> memref<5120x128xf32, #tpu.memory_space<hbm>>
      tpu.enqueue_indirect_dma source(%dma_start3A_46 : memref<5120x128xf32, #tpu.memory_space<hbm>>) target(%arg9 : memref<128x128xf32, #tpu.memory_space<vmem>>) offsets(%dma_start3A_43 : memref<128xi32, #tpu.memory_space<vmem>>) semaphore(%arg13 : memref<!tpu.dma_semaphore, #tpu.memory_space<semaphore_mem>>)
      %dma_wait3A = arith.constant 0 : i32
      %dma_wait3A_47 = arith.constant 0 : i32
      %dma_wait3A_48 = tpu.memref_slice %arg2[%dma_wait3A, %dma_wait3A_47] : memref<5120x128xf32, #tpu.memory_space<hbm>> -> memref<128x128xf32, #tpu.memory_space<hbm>>
      %dma_wait3A_49 = arith.constant 0 : i32
      %dma_wait3A_50 = arith.constant 0 : i32
      %dma_wait3A_51 = tpu.memref_slice %arg2[%dma_wait3A_49, %dma_wait3A_50] : memref<5120x128xf32, #tpu.memory_space<hbm>> -> memref<128x128xf32, #tpu.memory_space<hbm>>
      tpu.wait_dma2 semaphore(%arg12 : memref<!tpu.dma_semaphore, #tpu.memory_space<semaphore_mem>>) src(%dma_wait3A_51 : memref<128x128xf32, #tpu.memory_space<hbm>>) dst(%arg8 : memref<128x128xf32, #tpu.memory_space<vmem>>)
      "tpu.region"() ({
        %run_scoped3A = tpu.sem_alloc : memref<!tpu.dma_semaphore, #tpu.memory_space<semaphore_mem>>
        %dma_start3A_64 = arith.constant 0 : i32
        %dma_start3A_65 = tpu.memref_slice %arg7[%add3A_38, %dma_start3A_64] : memref<80x128xi32, #tpu.memory_space<vmem>> -> memref<1x128xi32, #tpu.memory_space<vmem>>
        %dma_start3A_66 = tpu.memref_squeeze %dma_start3A_65 : memref<1x128xi32, #tpu.memory_space<vmem>> -> memref<128xi32, #tpu.memory_space<vmem>>
        %dma_start3A_67 = arith.constant 0 : i32
        %dma_start3A_68 = arith.constant 0 : i32
        %dma_start3A_69 = tpu.memref_slice %arg11[%dma_start3A_67, %dma_start3A_68] : memref<5120x128xf32, #tpu.memory_space<vmem_shared>> -> memref<5120x128xf32, #tpu.memory_space<vmem_shared>>
        tpu.enqueue_indirect_dma source(%arg8 : memref<128x128xf32, #tpu.memory_space<vmem>>) target(%dma_start3A_69 : memref<5120x128xf32, #tpu.memory_space<vmem_shared>>) offsets(%dma_start3A_66 : memref<128xi32, #tpu.memory_space<vmem>>) semaphore(%run_scoped3A : memref<!tpu.dma_semaphore, #tpu.memory_space<semaphore_mem>>) {add = true}
        %dma_wait3A_70 = arith.constant 0 : i32
        %dma_wait3A_71 = tpu.memref_slice %arg7[%add3A_38, %dma_wait3A_70] : memref<80x128xi32, #tpu.memory_space<vmem>> -> memref<1x128xi32, #tpu.memory_space<vmem>>
        %dma_wait3A_72 = tpu.memref_squeeze %dma_wait3A_71 : memref<1x128xi32, #tpu.memory_space<vmem>> -> memref<128xi32, #tpu.memory_space<vmem>>
        %dma_wait3A_73 = arith.constant 0 : i32
        %dma_wait3A_74 = arith.constant 0 : i32
        %dma_wait3A_75 = tpu.memref_slice %arg11[%dma_wait3A_73, %dma_wait3A_74] : memref<5120x128xf32, #tpu.memory_space<vmem_shared>> -> memref<5120x128xf32, #tpu.memory_space<vmem_shared>>
        tpu.wait_indirect_dma semaphore(%run_scoped3A : memref<!tpu.dma_semaphore, #tpu.memory_space<semaphore_mem>>) src(%arg8 : memref<128x128xf32, #tpu.memory_space<vmem>>) dst(%dma_wait3A_75 : memref<5120x128xf32, #tpu.memory_space<vmem_shared>>)
        tpu.yield
      }) : () -> ()
      %add3A_52 = arith.constant 2 : i32
      %add3A_53 = arith.addi %add3A_38, %add3A_52 : i32
      %lt3A = arith.constant 80 : i32
      %lt3A_54 = arith.cmpi slt, %add3A_53, %lt3A : i32
      %convert_element_type3A = arith.extui %lt3A_54 : i1 to i32
      %cond3A = arith.constant 0 : i32
      %cond3A_55 = arith.cmpi ne, %convert_element_type3A, %cond3A : i32
      scf.if %cond3A_55 {
        %add3A_64 = arith.constant 2 : i32
        %add3A_65 = arith.addi %add3A_38, %add3A_64 : i32
        %dma_start3A_66 = arith.constant 0 : i32
        %dma_start3A_67 = tpu.memref_slice %arg6[%add3A_65, %dma_start3A_66] : memref<80x128xi32, #tpu.memory_space<vmem>> -> memref<1x128xi32, #tpu.memory_space<vmem>>
        %dma_start3A_68 = tpu.memref_squeeze %dma_start3A_67 : memref<1x128xi32, #tpu.memory_space<vmem>> -> memref<128xi32, #tpu.memory_space<vmem>>
        %dma_start3A_69 = arith.constant 0 : i32
        %dma_start3A_70 = arith.constant 0 : i32
        %dma_start3A_71 = tpu.memref_slice %arg2[%dma_start3A_69, %dma_start3A_70] : memref<5120x128xf32, #tpu.memory_space<hbm>> -> memref<5120x128xf32, #tpu.memory_space<hbm>>
        tpu.enqueue_indirect_dma source(%dma_start3A_71 : memref<5120x128xf32, #tpu.memory_space<hbm>>) target(%arg8 : memref<128x128xf32, #tpu.memory_space<vmem>>) offsets(%dma_start3A_68 : memref<128xi32, #tpu.memory_space<vmem>>) semaphore(%arg12 : memref<!tpu.dma_semaphore, #tpu.memory_space<semaphore_mem>>)
      } else {
      }
      %dma_wait3A_56 = arith.constant 0 : i32
      %dma_wait3A_57 = arith.constant 0 : i32
      %dma_wait3A_58 = tpu.memref_slice %arg2[%dma_wait3A_56, %dma_wait3A_57] : memref<5120x128xf32, #tpu.memory_space<hbm>> -> memref<128x128xf32, #tpu.memory_space<hbm>>
      %dma_wait3A_59 = arith.constant 0 : i32
      %dma_wait3A_60 = arith.constant 0 : i32
      %dma_wait3A_61 = tpu.memref_slice %arg2[%dma_wait3A_59, %dma_wait3A_60] : memref<5120x128xf32, #tpu.memory_space<hbm>> -> memref<128x128xf32, #tpu.memory_space<hbm>>
      tpu.wait_dma2 semaphore(%arg13 : memref<!tpu.dma_semaphore, #tpu.memory_space<semaphore_mem>>) src(%dma_wait3A_61 : memref<128x128xf32, #tpu.memory_space<hbm>>) dst(%arg9 : memref<128x128xf32, #tpu.memory_space<vmem>>)
      %add3A_62 = arith.constant 1 : i32
      %add3A_63 = arith.addi %add3A_38, %add3A_62 : i32
      "tpu.region"() ({
        %run_scoped3A = tpu.sem_alloc : memref<!tpu.dma_semaphore, #tpu.memory_space<semaphore_mem>>
        %dma_start3A_64 = arith.constant 0 : i32
        %dma_start3A_65 = tpu.memref_slice %arg7[%add3A_63, %dma_start3A_64] : memref<80x128xi32, #tpu.memory_space<vmem>> -> memref<1x128xi32, #tpu.memory_space<vmem>>
        %dma_start3A_66 = tpu.memref_squeeze %dma_start3A_65 : memref<1x128xi32, #tpu.memory_space<vmem>> -> memref<128xi32, #tpu.memory_space<vmem>>
        %dma_start3A_67 = arith.constant 0 : i32
        %dma_start3A_68 = arith.constant 0 : i32
        %dma_start3A_69 = tpu.memref_slice %arg11[%dma_start3A_67, %dma_start3A_68] : memref<5120x128xf32, #tpu.memory_space<vmem_shared>> -> memref<5120x128xf32, #tpu.memory_space<vmem_shared>>
        tpu.enqueue_indirect_dma source(%arg9 : memref<128x128xf32, #tpu.memory_space<vmem>>) target(%dma_start3A_69 : memref<5120x128xf32, #tpu.memory_space<vmem_shared>>) offsets(%dma_start3A_66 : memref<128xi32, #tpu.memory_space<vmem>>) semaphore(%run_scoped3A : memref<!tpu.dma_semaphore, #tpu.memory_space<semaphore_mem>>) {add = true}
        %dma_wait3A_70 = arith.constant 0 : i32
        %dma_wait3A_71 = tpu.memref_slice %arg7[%add3A_63, %dma_wait3A_70] : memref<80x128xi32, #tpu.memory_space<vmem>> -> memref<1x128xi32, #tpu.memory_space<vmem>>
        %dma_wait3A_72 = tpu.memref_squeeze %dma_wait3A_71 : memref<1x128xi32, #tpu.memory_space<vmem>> -> memref<128xi32, #tpu.memory_space<vmem>>
        %dma_wait3A_73 = arith.constant 0 : i32
        %dma_wait3A_74 = arith.constant 0 : i32
        %dma_wait3A_75 = tpu.memref_slice %arg11[%dma_wait3A_73, %dma_wait3A_74] : memref<5120x128xf32, #tpu.memory_space<vmem_shared>> -> memref<5120x128xf32, #tpu.memory_space<vmem_shared>>
        tpu.wait_indirect_dma semaphore(%run_scoped3A : memref<!tpu.dma_semaphore, #tpu.memory_space<semaphore_mem>>) src(%arg9 : memref<128x128xf32, #tpu.memory_space<vmem>>) dst(%dma_wait3A_75 : memref<5120x128xf32, #tpu.memory_space<vmem_shared>>)
        tpu.yield
      }) : () -> ()
    }
    %scan3A_27 = arith.constant 40 : i32
    %barrier3A_28 = arith.constant 0 : index
    tpu.barrier barrier_id(%barrier3A_28)
    %scan3A_29 = arith.constant 0 : i32
    %scan3A_30 = arith.constant 10 : i32
    %scan3A_31 = arith.addi %scan3A_29, %scan3A_30 : i32
    %scan3A_32 = arith.constant 1 : i32
    scf.for %scan3A_34 = %scan3A_29 to %scan3A_31 step %scan3A_32  : i32 {
      %mul3A_35 = arith.constant 32 : i32
      %mul3A_36 = arith.muli %scan3A_34, %mul3A_35 : i32
      %add3A_37 = arith.constant 0 : i32
      %add3A_38 = arith.addi %add3A_37, %mul3A_36 : i32
      %add3A_39 = arith.addi %mul3A_6, %add3A_38 : i32
      "tpu.region"() ({
        %run_scoped3A = tpu.sem_alloc : memref<!tpu.dma_semaphore, #tpu.memory_space<semaphore_mem>>
        %dma_start3A_41 = arith.constant 0 : i32
        %dma_start3A_42 = tpu.memref_slice %arg11[%add3A_39, %dma_start3A_41] : memref<5120x128xf32, #tpu.memory_space<vmem_shared>> -> memref<32x128xf32, #tpu.memory_space<vmem_shared>>
        %dma_start3A_43 = arith.constant 0 : i32
        %dma_start3A_44 = tpu.memref_slice %arg11[%add3A_39, %dma_start3A_43] : memref<5120x128xf32, #tpu.memory_space<vmem_shared>> -> memref<32x128xf32, #tpu.memory_space<vmem_shared>>
        tpu.enqueue_dma source(%dma_start3A_44 : memref<32x128xf32, #tpu.memory_space<vmem_shared>>) target(%arg10 : memref<32x128xf32, #tpu.memory_space<vmem>>) target_semaphore(%run_scoped3A : memref<!tpu.dma_semaphore, #tpu.memory_space<semaphore_mem>>)
        %dma_wait3A = arith.constant 0 : i32
        %dma_wait3A_45 = tpu.memref_slice %arg11[%add3A_39, %dma_wait3A] : memref<5120x128xf32, #tpu.memory_space<vmem_shared>> -> memref<32x128xf32, #tpu.memory_space<vmem_shared>>
        %dma_wait3A_46 = arith.constant 0 : i32
        %dma_wait3A_47 = tpu.memref_slice %arg11[%add3A_39, %dma_wait3A_46] : memref<5120x128xf32, #tpu.memory_space<vmem_shared>> -> memref<32x128xf32, #tpu.memory_space<vmem_shared>>
        tpu.wait_dma2 semaphore(%run_scoped3A : memref<!tpu.dma_semaphore, #tpu.memory_space<semaphore_mem>>) src(%dma_wait3A_47 : memref<32x128xf32, #tpu.memory_space<vmem_shared>>) dst(%arg10 : memref<32x128xf32, #tpu.memory_space<vmem>>)
        tpu.yield
      }) : () -> ()
      %add3A_40 = arith.addi %mul3A_6, %add3A_38 : i32
      "tpu.region"() ({
        %run_scoped3A = tpu.sem_alloc : memref<!tpu.dma_semaphore, #tpu.memory_space<semaphore_mem>>
        %dma_start3A_41 = arith.constant 0 : i32
        %dma_start3A_42 = tpu.memref_slice %arg5[%arg0, %add3A_40, %dma_start3A_41] : memref<2x5120x128xf32, #tpu.memory_space<hbm>> -> memref<1x32x128xf32, #tpu.memory_space<hbm>>
        %dma_start3A_43 = tpu.memref_squeeze %dma_start3A_42 : memref<1x32x128xf32, #tpu.memory_space<hbm>> -> memref<32x128xf32, #tpu.memory_space<hbm>>
        %dma_start3A_44 = arith.constant 0 : i32
        %dma_start3A_45 = tpu.memref_slice %arg5[%arg0, %add3A_40, %dma_start3A_44] : memref<2x5120x128xf32, #tpu.memory_space<hbm>> -> memref<1x32x128xf32, #tpu.memory_space<hbm>>
        %dma_start3A_46 = tpu.memref_squeeze %dma_start3A_45 : memref<1x32x128xf32, #tpu.memory_space<hbm>> -> memref<32x128xf32, #tpu.memory_space<hbm>>
        tpu.enqueue_dma source(%arg10 : memref<32x128xf32, #tpu.memory_space<vmem>>) target(%dma_start3A_46 : memref<32x128xf32, #tpu.memory_space<hbm>>) target_semaphore(%run_scoped3A : memref<!tpu.dma_semaphore, #tpu.memory_space<semaphore_mem>>)
        %dma_wait3A = arith.constant 0 : i32
        %dma_wait3A_47 = tpu.memref_slice %arg5[%arg0, %add3A_40, %dma_wait3A] : memref<2x5120x128xf32, #tpu.memory_space<hbm>> -> memref<1x32x128xf32, #tpu.memory_space<hbm>>
        %dma_wait3A_48 = tpu.memref_squeeze %dma_wait3A_47 : memref<1x32x128xf32, #tpu.memory_space<hbm>> -> memref<32x128xf32, #tpu.memory_space<hbm>>
        %dma_wait3A_49 = arith.constant 0 : i32
        %dma_wait3A_50 = tpu.memref_slice %arg5[%arg0, %add3A_40, %dma_wait3A_49] : memref<2x5120x128xf32, #tpu.memory_space<hbm>> -> memref<1x32x128xf32, #tpu.memory_space<hbm>>
        %dma_wait3A_51 = tpu.memref_squeeze %dma_wait3A_50 : memref<1x32x128xf32, #tpu.memory_space<hbm>> -> memref<32x128xf32, #tpu.memory_space<hbm>>
        tpu.wait_dma2 semaphore(%run_scoped3A : memref<!tpu.dma_semaphore, #tpu.memory_space<semaphore_mem>>) src(%arg10 : memref<32x128xf32, #tpu.memory_space<vmem>>) dst(%dma_wait3A_51 : memref<32x128xf32, #tpu.memory_space<hbm>>)
        tpu.yield
      }) : () -> ()
    }
    %scan3A_33 = arith.constant 10 : i32
    return
  }
}

module attributes {stable_mosaic.version = 14 : i64} {
  func.func @_start_body(%arg0: i32, %arg1: memref<512x128xf32, #tpu.memory_space<vmem>>, %arg2: memref<128x128xf32, #tpu.memory_space<vmem>>, %arg3: memref<3x128xf32, #tpu.memory_space<vmem>>, %arg4: memref<512x128xf32, #tpu.memory_space<vmem>>) attributes {dimension_semantics = [#tpu.dimension_semantics<arbitrary>], iteration_bounds = array<i64: 20>, scalar_prefetch = 0 : i64, scratch_operands = 0 : i64, tpu.core_type = #tpu.core_type<tc>, window_params = [{transform_indices = @transform_0, window_bounds = array<i64: 512, 128>}, {pipeline_mode = #tpu.pipeline_mode<synchronous>, transform_indices = @transform_1, window_bounds = array<i64: 128, 128>}, {pipeline_mode = #tpu.pipeline_mode<synchronous>, transform_indices = @transform_2, window_bounds = array<i64: 3, 128>}, {transform_indices = @transform_3, window_bounds = array<i64: 512, 128>}]} {
    %get3A = arith.constant 0 : index
    %get3A_0 = arith.constant 0 : index
    %get3A_1 = vector.load %arg1[%get3A, %get3A_0] : memref<512x128xf32, #tpu.memory_space<vmem>>, vector<512x128xf32>
    %get3A_2 = arith.constant 0 : index
    %get3A_3 = arith.constant 0 : index
    %get3A_4 = vector.load %arg2[%get3A_2, %get3A_3] : memref<128x128xf32, #tpu.memory_space<vmem>>, vector<128x128xf32>
    %dot_general3A = arith.constant dense<0.000000e+00> : vector<512x128xf32>
    %dot_general3A_5 = tpu.matmul %get3A_1, %get3A_4, %dot_general3A {dimension_numbers = #tpu.dot_dimension_numbers<[1], [0], [0], [1], [0, 0, 1, 1], [], []>, transpose_lhs_hint = false} : vector<512x128xf32>, vector<128x128xf32>, vector<512x128xf32> -> vector<512x128xf32>
    %get3A_6 = arith.constant 1 : index
    %get3A_7 = arith.constant 0 : index
    %get3A_8 = vector.load %arg3[%get3A_6, %get3A_7] : memref<3x128xf32, #tpu.memory_space<vmem>>, vector<1x128xf32>
    %get3A_9 = arith.constant 0 : index
    %get3A_10 = arith.constant 0 : index
    %get3A_11 = vector.load %arg3[%get3A_9, %get3A_10] : memref<3x128xf32, #tpu.memory_space<vmem>>, vector<1x128xf32>
    %add3A = vector.broadcast %get3A_11 : vector<1x128xf32> to vector<512x128xf32>
    %add3A_12 = arith.addf %dot_general3A_5, %add3A : vector<512x128xf32>
    %mul3A = vector.broadcast %get3A_8 : vector<1x128xf32> to vector<512x128xf32>
    %mul3A_13 = arith.mulf %mul3A, %add3A_12 : vector<512x128xf32>
    %get3A_14 = arith.constant 2 : index
    %get3A_15 = arith.constant 0 : index
    %get3A_16 = vector.load %arg3[%get3A_14, %get3A_15] : memref<3x128xf32, #tpu.memory_space<vmem>>, vector<1x128xf32>
    %add3A_17 = vector.broadcast %get3A_16 : vector<1x128xf32> to vector<512x128xf32>
    %add3A_18 = arith.addf %mul3A_13, %add3A_17 : vector<512x128xf32>
    %max3A = arith.constant 0.000000e+00 : f32
    %max3A_19 = vector.broadcast %max3A : f32 to vector<512x128xf32>
    %max3A_20 = arith.maximumf %add3A_18, %max3A_19 : vector<512x128xf32>
    %mul3A_21 = arith.constant 512 : i32
    %mul3A_22 = arith.muli %arg0, %mul3A_21 : i32
    %iota3A = tpu.iota {dimensions = array<i32: 0>} : vector<512x1xi32>
    %add3A_23 = vector.broadcast %mul3A_22 : i32 to vector<512x1xi32>
    %add3A_24 = arith.addi %add3A_23, %iota3A : vector<512x1xi32>
    %lt3A = arith.constant 10000 : i32
    %lt3A_25 = vector.broadcast %lt3A : i32 to vector<512x1xi32>
    %lt3A_26 = arith.cmpi slt, %add3A_24, %lt3A_25 : vector<512x1xi32>
    %jit3A = arith.constant 0.000000e+00 : f32
    %broadcast_in_dim3A = vector.shape_cast %lt3A_26 : vector<512x1xi1> to vector<512x1xi1>
    %broadcast_in_dim3A_27 = vector.broadcast %broadcast_in_dim3A : vector<512x1xi1> to vector<512x128xi1>
    %broadcast_in_dim3A_28 = vector.broadcast %jit3A : f32 to vector<512x128xf32>
    %select_n3A = arith.select %broadcast_in_dim3A_27, %max3A_20, %broadcast_in_dim3A_28 : vector<512x128xi1>, vector<512x128xf32>
    %swap3A = arith.constant 0 : index
    %swap3A_29 = arith.constant 0 : index
    %swap3A_30 = vector.load %arg4[%swap3A, %swap3A_29] : memref<512x128xf32, #tpu.memory_space<vmem>>, vector<512x128xf32>
    tpu.vector_store %arg4[%swap3A, %swap3A_29], %select_n3A {strides = array<i32>} : memref<512x128xf32, #tpu.memory_space<vmem>>, vector<512x128xf32>,
    return
  }
  func.func @transform_0(%arg0: i32) -> (i32, i32) {
    %c0_i32 = arith.constant 0 : i32
    %c0_i32_0 = arith.constant 0 : i32
    return %arg0, %c0_i32 : i32, i32
  }
  func.func @transform_1(%arg0: i32) -> (i32, i32) {
    %c0_i32 = arith.constant 0 : i32
    %c0_i32_0 = arith.constant 0 : i32
    %c0_i32_1 = arith.constant 0 : i32
    return %c0_i32, %c0_i32_0 : i32, i32
  }
  func.func @transform_2(%arg0: i32) -> (i32, i32) {
    %c0_i32 = arith.constant 0 : i32
    %c0_i32_0 = arith.constant 0 : i32
    %c0_i32_1 = arith.constant 0 : i32
    return %c0_i32, %c0_i32_0 : i32, i32
  }
  func.func @transform_3(%arg0: i32) -> (i32, i32) {
    %c0_i32 = arith.constant 0 : i32
    %c0_i32_0 = arith.constant 0 : i32
    return %arg0, %c0_i32 : i32, i32
  }
}

module attributes {stable_mosaic.version = 14 : i64} {
  func.func @_mlp_body(%arg0: i32, %arg1: memref<512x128xf32, #tpu.memory_space<vmem>>, %arg2: memref<1x512x128xf32, #tpu.memory_space<vmem>>, %arg3: memref<1x512x128xf32, #tpu.memory_space<vmem>>, %arg4: memref<128x128xf32, #tpu.memory_space<vmem>>, %arg5: memref<128x128xf32, #tpu.memory_space<vmem>>, %arg6: memref<6x128xf32, #tpu.memory_space<vmem>>, %arg7: memref<256x512xf32, #tpu.memory_space<vmem>>, %arg8: memref<256x128xf32, #tpu.memory_space<vmem>>, %arg9: memref<1x128xf32, #tpu.memory_space<vmem>>) attributes {dimension_semantics = [#tpu.dimension_semantics<arbitrary>], iteration_bounds = array<i64: 10>, scalar_prefetch = 0 : i64, scratch_operands = 0 : i64, tpu.core_type = #tpu.core_type<tc>, window_params = [{transform_indices = @transform_0, window_bounds = array<i64: 512, 128>}, {transform_indices = @transform_1, window_bounds = array<i64: 1, 512, 128>}, {transform_indices = @transform_2, window_bounds = array<i64: 1, 512, 128>}, {pipeline_mode = #tpu.pipeline_mode<synchronous>, transform_indices = @transform_3, window_bounds = array<i64: 128, 128>}, {pipeline_mode = #tpu.pipeline_mode<synchronous>, transform_indices = @transform_4, window_bounds = array<i64: 128, 128>}, {pipeline_mode = #tpu.pipeline_mode<synchronous>, transform_indices = @transform_5, window_bounds = array<i64: 6, 128>}, {pipeline_mode = #tpu.pipeline_mode<synchronous>, transform_indices = @transform_6, window_bounds = array<i64: 256, 512>}, {transform_indices = @transform_7, window_bounds = array<i64: 256, 128>}, {pipeline_mode = #tpu.pipeline_mode<synchronous>, transform_indices = @transform_8, window_bounds = array<i64: 1, 128>}]} {
    %get3A = arith.constant 0 : index
    %get3A_0 = arith.constant 0 : index
    %get3A_1 = arith.constant 0 : index
    %get3A_2 = vector.load %arg2[%get3A, %get3A_0, %get3A_1] : memref<1x512x128xf32, #tpu.memory_space<vmem>>, vector<1x512x128xf32>
    %get3A_3 = vector.shape_cast %get3A_2 : vector<1x512x128xf32> to vector<512x128xf32>
    %get3A_4 = arith.constant 0 : index
    %get3A_5 = arith.constant 0 : index
    %get3A_6 = arith.constant 0 : index
    %get3A_7 = vector.load %arg3[%get3A_4, %get3A_5, %get3A_6] : memref<1x512x128xf32, #tpu.memory_space<vmem>>, vector<1x512x128xf32>
    %get3A_8 = vector.shape_cast %get3A_7 : vector<1x512x128xf32> to vector<512x128xf32>
    %add3A = arith.addf %get3A_3, %get3A_8 : vector<512x128xf32>
    %get3A_9 = arith.constant 0 : index
    %get3A_10 = arith.constant 0 : index
    %get3A_11 = vector.load %arg1[%get3A_9, %get3A_10] : memref<512x128xf32, #tpu.memory_space<vmem>>, vector<512x128xf32>
    %add3A_12 = arith.addf %get3A_11, %add3A : vector<512x128xf32>
    %get3A_13 = arith.constant 0 : index
    %get3A_14 = arith.constant 0 : index
    %get3A_15 = vector.load %arg4[%get3A_13, %get3A_14] : memref<128x128xf32, #tpu.memory_space<vmem>>, vector<128x128xf32>
    %dot_general3A = arith.constant dense<0.000000e+00> : vector<512x128xf32>
    %dot_general3A_16 = tpu.matmul %add3A_12, %get3A_15, %dot_general3A {dimension_numbers = #tpu.dot_dimension_numbers<[1], [0], [0], [1], [0, 0, 1, 1], [], []>, transpose_lhs_hint = false} : vector<512x128xf32>, vector<128x128xf32>, vector<512x128xf32> -> vector<512x128xf32>
    %get3A_17 = arith.constant 1 : index
    %get3A_18 = arith.constant 0 : index
    %get3A_19 = vector.load %arg6[%get3A_17, %get3A_18] : memref<6x128xf32, #tpu.memory_space<vmem>>, vector<1x128xf32>
    %get3A_20 = arith.constant 0 : index
    %get3A_21 = arith.constant 0 : index
    %get3A_22 = vector.load %arg6[%get3A_20, %get3A_21] : memref<6x128xf32, #tpu.memory_space<vmem>>, vector<1x128xf32>
    %add3A_23 = vector.broadcast %get3A_22 : vector<1x128xf32> to vector<512x128xf32>
    %add3A_24 = arith.addf %dot_general3A_16, %add3A_23 : vector<512x128xf32>
    %mul3A = vector.broadcast %get3A_19 : vector<1x128xf32> to vector<512x128xf32>
    %mul3A_25 = arith.mulf %mul3A, %add3A_24 : vector<512x128xf32>
    %get3A_26 = arith.constant 2 : index
    %get3A_27 = arith.constant 0 : index
    %get3A_28 = vector.load %arg6[%get3A_26, %get3A_27] : memref<6x128xf32, #tpu.memory_space<vmem>>, vector<1x128xf32>
    %add3A_29 = vector.broadcast %get3A_28 : vector<1x128xf32> to vector<512x128xf32>
    %add3A_30 = arith.addf %mul3A_25, %add3A_29 : vector<512x128xf32>
    %max3A = arith.constant 0.000000e+00 : f32
    %max3A_31 = vector.broadcast %max3A : f32 to vector<512x128xf32>
    %max3A_32 = arith.maximumf %add3A_30, %max3A_31 : vector<512x128xf32>
    %get3A_33 = arith.constant 0 : index
    %get3A_34 = arith.constant 0 : index
    %get3A_35 = vector.load %arg5[%get3A_33, %get3A_34] : memref<128x128xf32, #tpu.memory_space<vmem>>, vector<128x128xf32>
    %dot_general3A_36 = arith.constant dense<0.000000e+00> : vector<512x128xf32>
    %dot_general3A_37 = tpu.matmul %max3A_32, %get3A_35, %dot_general3A_36 {dimension_numbers = #tpu.dot_dimension_numbers<[1], [0], [0], [1], [0, 0, 1, 1], [], []>, transpose_lhs_hint = false} : vector<512x128xf32>, vector<128x128xf32>, vector<512x128xf32> -> vector<512x128xf32>
    %get3A_38 = arith.constant 4 : index
    %get3A_39 = arith.constant 0 : index
    %get3A_40 = vector.load %arg6[%get3A_38, %get3A_39] : memref<6x128xf32, #tpu.memory_space<vmem>>, vector<1x128xf32>
    %get3A_41 = arith.constant 3 : index
    %get3A_42 = arith.constant 0 : index
    %get3A_43 = vector.load %arg6[%get3A_41, %get3A_42] : memref<6x128xf32, #tpu.memory_space<vmem>>, vector<1x128xf32>
    %add3A_44 = vector.broadcast %get3A_43 : vector<1x128xf32> to vector<512x128xf32>
    %add3A_45 = arith.addf %dot_general3A_37, %add3A_44 : vector<512x128xf32>
    %mul3A_46 = vector.broadcast %get3A_40 : vector<1x128xf32> to vector<512x128xf32>
    %mul3A_47 = arith.mulf %mul3A_46, %add3A_45 : vector<512x128xf32>
    %get3A_48 = arith.constant 5 : index
    %get3A_49 = arith.constant 0 : index
    %get3A_50 = vector.load %arg6[%get3A_48, %get3A_49] : memref<6x128xf32, #tpu.memory_space<vmem>>, vector<1x128xf32>
    %add3A_51 = vector.broadcast %get3A_50 : vector<1x128xf32> to vector<512x128xf32>
    %add3A_52 = arith.addf %mul3A_47, %add3A_51 : vector<512x128xf32>
    %max3A_53 = arith.constant 0.000000e+00 : f32
    %max3A_54 = vector.broadcast %max3A_53 : f32 to vector<512x128xf32>
    %max3A_55 = arith.maximumf %add3A_52, %max3A_54 : vector<512x128xf32>
    %mul3A_56 = arith.constant 512 : i32
    %mul3A_57 = arith.muli %arg0, %mul3A_56 : i32
    %iota3A = tpu.iota {dimensions = array<i32: 0>} : vector<512x1xi32>
    %add3A_58 = vector.broadcast %mul3A_57 : i32 to vector<512x1xi32>
    %add3A_59 = arith.addi %add3A_58, %iota3A : vector<512x1xi32>
    %lt3A = arith.constant 5000 : i32
    %lt3A_60 = vector.broadcast %lt3A : i32 to vector<512x1xi32>
    %lt3A_61 = arith.cmpi slt, %add3A_59, %lt3A_60 : vector<512x1xi32>
    %jit3A = arith.constant 0.000000e+00 : f32
    %broadcast_in_dim3A = vector.shape_cast %lt3A_61 : vector<512x1xi1> to vector<512x1xi1>
    %broadcast_in_dim3A_62 = vector.broadcast %broadcast_in_dim3A : vector<512x1xi1> to vector<512x128xi1>
    %broadcast_in_dim3A_63 = vector.broadcast %jit3A : f32 to vector<512x128xf32>
    %select_n3A = arith.select %broadcast_in_dim3A_62, %max3A_55, %broadcast_in_dim3A_63 : vector<512x128xi1>, vector<512x128xf32>
    %get3A_64 = arith.constant 0 : index
    %get3A_65 = arith.constant 0 : index
    %get3A_66 = vector.load %arg7[%get3A_64, %get3A_65] : memref<256x512xf32, #tpu.memory_space<vmem>>, vector<256x512xf32>
    %dot_general3A_67 = arith.constant dense<0.000000e+00> : vector<256x128xf32>
    %dot_general3A_68 = tpu.matmul %get3A_66, %select_n3A, %dot_general3A_67 {dimension_numbers = #tpu.dot_dimension_numbers<[1], [0], [0], [1], [0, 0, 1, 1], [], []>, transpose_lhs_hint = false} : vector<256x512xf32>, vector<512x128xf32>, vector<256x128xf32> -> vector<256x128xf32>
    %swap3A = arith.constant 0 : index
    %swap3A_69 = arith.constant 0 : index
    %swap3A_70 = vector.load %arg8[%swap3A, %swap3A_69] : memref<256x128xf32, #tpu.memory_space<vmem>>, vector<256x128xf32>
    tpu.vector_store %arg8[%swap3A, %swap3A_69], %dot_general3A_68 {strides = array<i32>} : memref<256x128xf32, #tpu.memory_space<vmem>>, vector<256x128xf32>,
    %reduce_sum3A = arith.constant dense<0.000000e+00> : vector<128xf32>
    %reduce_sum3A_71 = vector.multi_reduction <add>, %select_n3A, %reduce_sum3A [0] : vector<512x128xf32> to vector<128xf32>
    %broadcast_in_dim3A_72 = vector.shape_cast %reduce_sum3A_71 : vector<128xf32> to vector<1x128xf32>
    %eq3A = arith.constant 0 : i32
    %eq3A_73 = arith.cmpi eq, %arg0, %eq3A : i32
    %convert_element_type3A = arith.extui %eq3A_73 : i1 to i32
    %cond3A = arith.constant 0 : i32
    %cond3A_74 = arith.cmpi ne, %convert_element_type3A, %cond3A : i32
    scf.if %cond3A_74 {
      %swap3A_79 = arith.constant 0 : index
      %swap3A_80 = arith.constant 0 : index
      %swap3A_81 = vector.load %arg9[%swap3A_79, %swap3A_80] : memref<1x128xf32, #tpu.memory_space<vmem>>, vector<1x128xf32>
      tpu.vector_store %arg9[%swap3A_79, %swap3A_80], %broadcast_in_dim3A_72 {strides = array<i32>} : memref<1x128xf32, #tpu.memory_space<vmem>>, vector<1x128xf32>,
    } else {
    }
    %gt3A = arith.constant 0 : i32
    %gt3A_75 = arith.cmpi sgt, %arg0, %gt3A : i32
    %convert_element_type3A_76 = arith.extui %gt3A_75 : i1 to i32
    %cond3A_77 = arith.constant 0 : i32
    %cond3A_78 = arith.cmpi ne, %convert_element_type3A_76, %cond3A_77 : i32
    scf.if %cond3A_78 {
      %get3A_79 = arith.constant 0 : index
      %get3A_80 = arith.constant 0 : index
      %get3A_81 = vector.load %arg9[%get3A_79, %get3A_80] : memref<1x128xf32, #tpu.memory_space<vmem>>, vector<1x128xf32>
      %add3A_82 = arith.addf %get3A_81, %broadcast_in_dim3A_72 : vector<1x128xf32>
      %swap3A_83 = arith.constant 0 : index
      %swap3A_84 = arith.constant 0 : index
      %swap3A_85 = vector.load %arg9[%swap3A_83, %swap3A_84] : memref<1x128xf32, #tpu.memory_space<vmem>>, vector<1x128xf32>
      tpu.vector_store %arg9[%swap3A_83, %swap3A_84], %add3A_82 {strides = array<i32>} : memref<1x128xf32, #tpu.memory_space<vmem>>, vector<1x128xf32>,
    } else {
    }
    return
  }
  func.func @transform_0(%arg0: i32) -> (i32, i32) {
    %c0_i32 = arith.constant 0 : i32
    %c0_i32_0 = arith.constant 0 : i32
    return %arg0, %c0_i32 : i32, i32
  }
  func.func @transform_1(%arg0: i32) -> (i32, i32, i32) {
    %c0_i32 = arith.constant 0 : i32
    %c0_i32_0 = arith.constant 0 : i32
    %c0_i32_1 = arith.constant 0 : i32
    return %c0_i32, %arg0, %c0_i32_0 : i32, i32, i32
  }
  func.func @transform_2(%arg0: i32) -> (i32, i32, i32) {
    %c1_i32 = arith.constant 1 : i32
    %c0_i32 = arith.constant 0 : i32
    %c0_i32_0 = arith.constant 0 : i32
    return %c1_i32, %arg0, %c0_i32 : i32, i32, i32
  }
  func.func @transform_3(%arg0: i32) -> (i32, i32) {
    %c0_i32 = arith.constant 0 : i32
    %c0_i32_0 = arith.constant 0 : i32
    %c0_i32_1 = arith.constant 0 : i32
    return %c0_i32, %c0_i32_0 : i32, i32
  }
  func.func @transform_4(%arg0: i32) -> (i32, i32) {
    %c0_i32 = arith.constant 0 : i32
    %c0_i32_0 = arith.constant 0 : i32
    %c0_i32_1 = arith.constant 0 : i32
    return %c0_i32, %c0_i32_0 : i32, i32
  }
  func.func @transform_5(%arg0: i32) -> (i32, i32) {
    %c0_i32 = arith.constant 0 : i32
    %c0_i32_0 = arith.constant 0 : i32
    %c0_i32_1 = arith.constant 0 : i32
    return %c0_i32, %c0_i32_0 : i32, i32
  }
  func.func @transform_6(%arg0: i32) -> (i32, i32) {
    %c0_i32 = arith.constant 0 : i32
    %c0_i32_0 = arith.constant 0 : i32
    %c0_i32_1 = arith.constant 0 : i32
    return %c0_i32, %c0_i32_0 : i32, i32
  }
  func.func @transform_7(%arg0: i32) -> (i32, i32) {
    %c0_i32 = arith.constant 0 : i32
    %c0_i32_0 = arith.constant 0 : i32
    return %arg0, %c0_i32 : i32, i32
  }
  func.func @transform_8(%arg0: i32) -> (i32, i32) {
    %c0_i32 = arith.constant 0 : i32
    %c0_i32_0 = arith.constant 0 : i32
    %c0_i32_1 = arith.constant 0 : i32
    return %c0_i32, %c0_i32_0 : i32, i32
  }
}

module attributes {stable_mosaic.version = 14 : i64} {
  func.func @_mlp_body(%arg0: i32, %arg1: memref<512x128xf32, #tpu.memory_space<vmem>>, %arg2: memref<1x512x64xf32, #tpu.memory_space<vmem>>, %arg3: memref<1x512x64xf32, #tpu.memory_space<vmem>>, %arg4: memref<128x128xf32, #tpu.memory_space<vmem>>, %arg5: memref<128x128xf32, #tpu.memory_space<vmem>>, %arg6: memref<6x128xf32, #tpu.memory_space<vmem>>, %arg7: memref<256x512xf32, #tpu.memory_space<vmem>>, %arg8: memref<256x128xf32, #tpu.memory_space<vmem>>, %arg9: memref<1x128xf32, #tpu.memory_space<vmem>>) attributes {dimension_semantics = [#tpu.dimension_semantics<arbitrary>], iteration_bounds = array<i64: 20>, scalar_prefetch = 0 : i64, scratch_operands = 0 : i64, tpu.core_type = #tpu.core_type<tc>, window_params = [{transform_indices = @transform_0, window_bounds = array<i64: 512, 128>}, {transform_indices = @transform_1, window_bounds = array<i64: 1, 512, 64>}, {transform_indices = @transform_2, window_bounds = array<i64: 1, 512, 64>}, {pipeline_mode = #tpu.pipeline_mode<synchronous>, transform_indices = @transform_3, window_bounds = array<i64: 128, 128>}, {pipeline_mode = #tpu.pipeline_mode<synchronous>, transform_indices = @transform_4, window_bounds = array<i64: 128, 128>}, {pipeline_mode = #tpu.pipeline_mode<synchronous>, transform_indices = @transform_5, window_bounds = array<i64: 6, 128>}, {pipeline_mode = #tpu.pipeline_mode<synchronous>, transform_indices = @transform_6, window_bounds = array<i64: 256, 512>}, {transform_indices = @transform_7, window_bounds = array<i64: 256, 128>}, {pipeline_mode = #tpu.pipeline_mode<synchronous>, transform_indices = @transform_8, window_bounds = array<i64: 1, 128>}]} {
    %get3A = arith.constant 0 : index
    %get3A_0 = arith.constant 0 : index
    %get3A_1 = arith.constant 0 : index
    %get3A_2 = vector.load %arg2[%get3A, %get3A_0, %get3A_1] : memref<1x512x64xf32, #tpu.memory_space<vmem>>, vector<1x512x64xf32>
    %get3A_3 = vector.shape_cast %get3A_2 : vector<1x512x64xf32> to vector<512x64xf32>
    %get3A_4 = arith.constant 0 : index
    %get3A_5 = arith.constant 0 : index
    %get3A_6 = arith.constant 0 : index
    %get3A_7 = vector.load %arg3[%get3A_4, %get3A_5, %get3A_6] : memref<1x512x64xf32, #tpu.memory_space<vmem>>, vector<1x512x64xf32>
    %get3A_8 = vector.shape_cast %get3A_7 : vector<1x512x64xf32> to vector<512x64xf32>
    %concatenate3A = tpu.concatenate %get3A_3, %get3A_8 in 1 : vector<512x64xf32>, vector<512x64xf32> -> vector<512x128xf32>
    %get3A_9 = arith.constant 0 : index
    %get3A_10 = arith.constant 0 : index
    %get3A_11 = vector.load %arg1[%get3A_9, %get3A_10] : memref<512x128xf32, #tpu.memory_space<vmem>>, vector<512x128xf32>
    %add3A = arith.addf %get3A_11, %concatenate3A : vector<512x128xf32>
    %get3A_12 = arith.constant 0 : index
    %get3A_13 = arith.constant 0 : index
    %get3A_14 = vector.load %arg4[%get3A_12, %get3A_13] : memref<128x128xf32, #tpu.memory_space<vmem>>, vector<128x128xf32>
    %dot_general3A = arith.constant dense<0.000000e+00> : vector<512x128xf32>
    %dot_general3A_15 = tpu.matmul %add3A, %get3A_14, %dot_general3A {dimension_numbers = #tpu.dot_dimension_numbers<[1], [0], [0], [1], [0, 0, 1, 1], [], []>, transpose_lhs_hint = false} : vector<512x128xf32>, vector<128x128xf32>, vector<512x128xf32> -> vector<512x128xf32>
    %get3A_16 = arith.constant 1 : index
    %get3A_17 = arith.constant 0 : index
    %get3A_18 = vector.load %arg6[%get3A_16, %get3A_17] : memref<6x128xf32, #tpu.memory_space<vmem>>, vector<1x128xf32>
    %get3A_19 = arith.constant 0 : index
    %get3A_20 = arith.constant 0 : index
    %get3A_21 = vector.load %arg6[%get3A_19, %get3A_20] : memref<6x128xf32, #tpu.memory_space<vmem>>, vector<1x128xf32>
    %add3A_22 = vector.broadcast %get3A_21 : vector<1x128xf32> to vector<512x128xf32>
    %add3A_23 = arith.addf %dot_general3A_15, %add3A_22 : vector<512x128xf32>
    %mul3A = vector.broadcast %get3A_18 : vector<1x128xf32> to vector<512x128xf32>
    %mul3A_24 = arith.mulf %mul3A, %add3A_23 : vector<512x128xf32>
    %get3A_25 = arith.constant 2 : index
    %get3A_26 = arith.constant 0 : index
    %get3A_27 = vector.load %arg6[%get3A_25, %get3A_26] : memref<6x128xf32, #tpu.memory_space<vmem>>, vector<1x128xf32>
    %add3A_28 = vector.broadcast %get3A_27 : vector<1x128xf32> to vector<512x128xf32>
    %add3A_29 = arith.addf %mul3A_24, %add3A_28 : vector<512x128xf32>
    %max3A = arith.constant 0.000000e+00 : f32
    %max3A_30 = vector.broadcast %max3A : f32 to vector<512x128xf32>
    %max3A_31 = arith.maximumf %add3A_29, %max3A_30 : vector<512x128xf32>
    %get3A_32 = arith.constant 0 : index
    %get3A_33 = arith.constant 0 : index
    %get3A_34 = vector.load %arg5[%get3A_32, %get3A_33] : memref<128x128xf32, #tpu.memory_space<vmem>>, vector<128x128xf32>
    %dot_general3A_35 = arith.constant dense<0.000000e+00> : vector<512x128xf32>
    %dot_general3A_36 = tpu.matmul %max3A_31, %get3A_34, %dot_general3A_35 {dimension_numbers = #tpu.dot_dimension_numbers<[1], [0], [0], [1], [0, 0, 1, 1], [], []>, transpose_lhs_hint = false} : vector<512x128xf32>, vector<128x128xf32>, vector<512x128xf32> -> vector<512x128xf32>
    %get3A_37 = arith.constant 4 : index
    %get3A_38 = arith.constant 0 : index
    %get3A_39 = vector.load %arg6[%get3A_37, %get3A_38] : memref<6x128xf32, #tpu.memory_space<vmem>>, vector<1x128xf32>
    %get3A_40 = arith.constant 3 : index
    %get3A_41 = arith.constant 0 : index
    %get3A_42 = vector.load %arg6[%get3A_40, %get3A_41] : memref<6x128xf32, #tpu.memory_space<vmem>>, vector<1x128xf32>
    %add3A_43 = vector.broadcast %get3A_42 : vector<1x128xf32> to vector<512x128xf32>
    %add3A_44 = arith.addf %dot_general3A_36, %add3A_43 : vector<512x128xf32>
    %mul3A_45 = vector.broadcast %get3A_39 : vector<1x128xf32> to vector<512x128xf32>
    %mul3A_46 = arith.mulf %mul3A_45, %add3A_44 : vector<512x128xf32>
    %get3A_47 = arith.constant 5 : index
    %get3A_48 = arith.constant 0 : index
    %get3A_49 = vector.load %arg6[%get3A_47, %get3A_48] : memref<6x128xf32, #tpu.memory_space<vmem>>, vector<1x128xf32>
    %add3A_50 = vector.broadcast %get3A_49 : vector<1x128xf32> to vector<512x128xf32>
    %add3A_51 = arith.addf %mul3A_46, %add3A_50 : vector<512x128xf32>
    %max3A_52 = arith.constant 0.000000e+00 : f32
    %max3A_53 = vector.broadcast %max3A_52 : f32 to vector<512x128xf32>
    %max3A_54 = arith.maximumf %add3A_51, %max3A_53 : vector<512x128xf32>
    %mul3A_55 = arith.constant 512 : i32
    %mul3A_56 = arith.muli %arg0, %mul3A_55 : i32
    %iota3A = tpu.iota {dimensions = array<i32: 0>} : vector<512x1xi32>
    %add3A_57 = vector.broadcast %mul3A_56 : i32 to vector<512x1xi32>
    %add3A_58 = arith.addi %add3A_57, %iota3A : vector<512x1xi32>
    %lt3A = arith.constant 10000 : i32
    %lt3A_59 = vector.broadcast %lt3A : i32 to vector<512x1xi32>
    %lt3A_60 = arith.cmpi slt, %add3A_58, %lt3A_59 : vector<512x1xi32>
    %jit3A = arith.constant 0.000000e+00 : f32
    %broadcast_in_dim3A = vector.shape_cast %lt3A_60 : vector<512x1xi1> to vector<512x1xi1>
    %broadcast_in_dim3A_61 = vector.broadcast %broadcast_in_dim3A : vector<512x1xi1> to vector<512x128xi1>
    %broadcast_in_dim3A_62 = vector.broadcast %jit3A : f32 to vector<512x128xf32>
    %select_n3A = arith.select %broadcast_in_dim3A_61, %max3A_54, %broadcast_in_dim3A_62 : vector<512x128xi1>, vector<512x128xf32>
    %get3A_63 = arith.constant 0 : index
    %get3A_64 = arith.constant 0 : index
    %get3A_65 = vector.load %arg7[%get3A_63, %get3A_64] : memref<256x512xf32, #tpu.memory_space<vmem>>, vector<256x512xf32>
    %dot_general3A_66 = arith.constant dense<0.000000e+00> : vector<256x128xf32>
    %dot_general3A_67 = tpu.matmul %get3A_65, %select_n3A, %dot_general3A_66 {dimension_numbers = #tpu.dot_dimension_numbers<[1], [0], [0], [1], [0, 0, 1, 1], [], []>, transpose_lhs_hint = false} : vector<256x512xf32>, vector<512x128xf32>, vector<256x128xf32> -> vector<256x128xf32>
    %swap3A = arith.constant 0 : index
    %swap3A_68 = arith.constant 0 : index
    %swap3A_69 = vector.load %arg8[%swap3A, %swap3A_68] : memref<256x128xf32, #tpu.memory_space<vmem>>, vector<256x128xf32>
    tpu.vector_store %arg8[%swap3A, %swap3A_68], %dot_general3A_67 {strides = array<i32>} : memref<256x128xf32, #tpu.memory_space<vmem>>, vector<256x128xf32>,
    %reduce_sum3A = arith.constant dense<0.000000e+00> : vector<128xf32>
    %reduce_sum3A_70 = vector.multi_reduction <add>, %select_n3A, %reduce_sum3A [0] : vector<512x128xf32> to vector<128xf32>
    %broadcast_in_dim3A_71 = vector.shape_cast %reduce_sum3A_70 : vector<128xf32> to vector<1x128xf32>
    %eq3A = arith.constant 0 : i32
    %eq3A_72 = arith.cmpi eq, %arg0, %eq3A : i32
    %convert_element_type3A = arith.extui %eq3A_72 : i1 to i32
    %cond3A = arith.constant 0 : i32
    %cond3A_73 = arith.cmpi ne, %convert_element_type3A, %cond3A : i32
    scf.if %cond3A_73 {
      %swap3A_78 = arith.constant 0 : index
      %swap3A_79 = arith.constant 0 : index
      %swap3A_80 = vector.load %arg9[%swap3A_78, %swap3A_79] : memref<1x128xf32, #tpu.memory_space<vmem>>, vector<1x128xf32>
      tpu.vector_store %arg9[%swap3A_78, %swap3A_79], %broadcast_in_dim3A_71 {strides = array<i32>} : memref<1x128xf32, #tpu.memory_space<vmem>>, vector<1x128xf32>,
    } else {
    }
    %gt3A = arith.constant 0 : i32
    %gt3A_74 = arith.cmpi sgt, %arg0, %gt3A : i32
    %convert_element_type3A_75 = arith.extui %gt3A_74 : i1 to i32
    %cond3A_76 = arith.constant 0 : i32
    %cond3A_77 = arith.cmpi ne, %convert_element_type3A_75, %cond3A_76 : i32
    scf.if %cond3A_77 {
      %get3A_78 = arith.constant 0 : index
      %get3A_79 = arith.constant 0 : index
      %get3A_80 = vector.load %arg9[%get3A_78, %get3A_79] : memref<1x128xf32, #tpu.memory_space<vmem>>, vector<1x128xf32>
      %add3A_81 = arith.addf %get3A_80, %broadcast_in_dim3A_71 : vector<1x128xf32>
      %swap3A_82 = arith.constant 0 : index
      %swap3A_83 = arith.constant 0 : index
      %swap3A_84 = vector.load %arg9[%swap3A_82, %swap3A_83] : memref<1x128xf32, #tpu.memory_space<vmem>>, vector<1x128xf32>
      tpu.vector_store %arg9[%swap3A_82, %swap3A_83], %add3A_81 {strides = array<i32>} : memref<1x128xf32, #tpu.memory_space<vmem>>, vector<1x128xf32>,
    } else {
    }
    return
  }
  func.func @transform_0(%arg0: i32) -> (i32, i32) {
    %c0_i32 = arith.constant 0 : i32
    %c0_i32_0 = arith.constant 0 : i32
    return %arg0, %c0_i32 : i32, i32
  }
  func.func @transform_1(%arg0: i32) -> (i32, i32, i32) {
    %c0_i32 = arith.constant 0 : i32
    %c0_i32_0 = arith.constant 0 : i32
    %c0_i32_1 = arith.constant 0 : i32
    return %c0_i32, %arg0, %c0_i32_0 : i32, i32, i32
  }
  func.func @transform_2(%arg0: i32) -> (i32, i32, i32) {
    %c1_i32 = arith.constant 1 : i32
    %c0_i32 = arith.constant 0 : i32
    %c0_i32_0 = arith.constant 0 : i32
    return %c1_i32, %arg0, %c0_i32 : i32, i32, i32
  }
  func.func @transform_3(%arg0: i32) -> (i32, i32) {
    %c0_i32 = arith.constant 0 : i32
    %c0_i32_0 = arith.constant 0 : i32
    %c0_i32_1 = arith.constant 0 : i32
    return %c0_i32, %c0_i32_0 : i32, i32
  }
  func.func @transform_4(%arg0: i32) -> (i32, i32) {
    %c0_i32 = arith.constant 0 : i32
    %c0_i32_0 = arith.constant 0 : i32
    %c0_i32_1 = arith.constant 0 : i32
    return %c0_i32, %c0_i32_0 : i32, i32
  }
  func.func @transform_5(%arg0: i32) -> (i32, i32) {
    %c0_i32 = arith.constant 0 : i32
    %c0_i32_0 = arith.constant 0 : i32
    %c0_i32_1 = arith.constant 0 : i32
    return %c0_i32, %c0_i32_0 : i32, i32
  }
  func.func @transform_6(%arg0: i32) -> (i32, i32) {
    %c0_i32 = arith.constant 0 : i32
    %c0_i32_0 = arith.constant 0 : i32
    %c0_i32_1 = arith.constant 0 : i32
    return %c0_i32, %c0_i32_0 : i32, i32
  }
  func.func @transform_7(%arg0: i32) -> (i32, i32) {
    %c0_i32 = arith.constant 0 : i32
    %c0_i32_0 = arith.constant 0 : i32
    return %arg0, %c0_i32 : i32, i32
  }
  func.func @transform_8(%arg0: i32) -> (i32, i32) {
    %c0_i32 = arith.constant 0 : i32
    %c0_i32_0 = arith.constant 0 : i32
    %c0_i32_1 = arith.constant 0 : i32
    return %c0_i32, %c0_i32_0 : i32, i32
  }
}

module attributes {stable_mosaic.version = 14 : i64} {
  func.func @_mlp_body(%arg0: i32, %arg1: memref<512x128xf32, #tpu.memory_space<vmem>>, %arg2: memref<1x512x128xf32, #tpu.memory_space<vmem>>, %arg3: memref<1x512x128xf32, #tpu.memory_space<vmem>>, %arg4: memref<128x128xf32, #tpu.memory_space<vmem>>, %arg5: memref<128x128xf32, #tpu.memory_space<vmem>>, %arg6: memref<6x128xf32, #tpu.memory_space<vmem>>, %arg7: memref<256x512xf32, #tpu.memory_space<vmem>>, %arg8: memref<2x128xf32, #tpu.memory_space<vmem>>, %arg9: memref<3x128xf32, #tpu.memory_space<vmem>>, %arg10: memref<3x128xf32, #tpu.memory_space<vmem>>, %arg11: memref<3x128x128xf32, #tpu.memory_space<vmem>>, %arg12: memref<1x128xf32, #tpu.memory_space<vmem>>, %arg13: memref<256x128xf32, #tpu.memory_space<vmem>>, %arg14: memref<1x128xf32, #tpu.memory_space<vmem>>, %arg15: memref<1x128xf32, #tpu.memory_space<vmem>>) attributes {dimension_semantics = [#tpu.dimension_semantics<arbitrary>], iteration_bounds = array<i64: 5>, scalar_prefetch = 0 : i64, scratch_operands = 0 : i64, tpu.core_type = #tpu.core_type<tc>, window_params = [{transform_indices = @transform_0, window_bounds = array<i64: 512, 128>}, {transform_indices = @transform_1, window_bounds = array<i64: 1, 512, 128>}, {transform_indices = @transform_2, window_bounds = array<i64: 1, 512, 128>}, {pipeline_mode = #tpu.pipeline_mode<synchronous>, transform_indices = @transform_3, window_bounds = array<i64: 128, 128>}, {pipeline_mode = #tpu.pipeline_mode<synchronous>, transform_indices = @transform_4, window_bounds = array<i64: 128, 128>}, {pipeline_mode = #tpu.pipeline_mode<synchronous>, transform_indices = @transform_5, window_bounds = array<i64: 6, 128>}, {pipeline_mode = #tpu.pipeline_mode<synchronous>, transform_indices = @transform_6, window_bounds = array<i64: 256, 512>}, {pipeline_mode = #tpu.pipeline_mode<synchronous>, transform_indices = @transform_7, window_bounds = array<i64: 2, 128>}, {pipeline_mode = #tpu.pipeline_mode<synchronous>, transform_indices = @transform_8, window_bounds = array<i64: 3, 128>}, {pipeline_mode = #tpu.pipeline_mode<synchronous>, transform_indices = @transform_9, window_bounds = array<i64: 3, 128>}, {pipeline_mode = #tpu.pipeline_mode<synchronous>, transform_indices = @transform_10, window_bounds = array<i64: 3, 128, 128>}, {pipeline_mode = #tpu.pipeline_mode<synchronous>, transform_indices = @transform_11, window_bounds = array<i64: 1, 128>}, {transform_indices = @transform_12, window_bounds = array<i64: 256, 128>}, {pipeline_mode = #tpu.pipeline_mode<synchronous>, transform_indices = @transform_13, window_bounds = array<i64: 1, 128>}, {pipeline_mode = #tpu.pipeline_mode<synchronous>, transform_indices = @transform_14, window_bounds = array<i64: 1, 128>}]} {
    %get3A = arith.constant 0 : index
    %get3A_0 = arith.constant 0 : index
    %get3A_1 = arith.constant 0 : index
    %get3A_2 = vector.load %arg2[%get3A, %get3A_0, %get3A_1] : memref<1x512x128xf32, #tpu.memory_space<vmem>>, vector<1x512x128xf32>
    %get3A_3 = vector.shape_cast %get3A_2 : vector<1x512x128xf32> to vector<512x128xf32>
    %get3A_4 = arith.constant 0 : index
    %get3A_5 = arith.constant 0 : index
    %get3A_6 = arith.constant 0 : index
    %get3A_7 = vector.load %arg3[%get3A_4, %get3A_5, %get3A_6] : memref<1x512x128xf32, #tpu.memory_space<vmem>>, vector<1x512x128xf32>
    %get3A_8 = vector.shape_cast %get3A_7 : vector<1x512x128xf32> to vector<512x128xf32>
    %add3A = arith.addf %get3A_3, %get3A_8 : vector<512x128xf32>
    %get3A_9 = arith.constant 0 : index
    %get3A_10 = arith.constant 0 : index
    %get3A_11 = vector.load %arg1[%get3A_9, %get3A_10] : memref<512x128xf32, #tpu.memory_space<vmem>>, vector<512x128xf32>
    %add3A_12 = arith.addf %get3A_11, %add3A : vector<512x128xf32>
    %get3A_13 = arith.constant 0 : index
    %get3A_14 = arith.constant 0 : index
    %get3A_15 = vector.load %arg4[%get3A_13, %get3A_14] : memref<128x128xf32, #tpu.memory_space<vmem>>, vector<128x128xf32>
    %dot_general3A = arith.constant dense<0.000000e+00> : vector<512x128xf32>
    %dot_general3A_16 = tpu.matmul %add3A_12, %get3A_15, %dot_general3A {dimension_numbers = #tpu.dot_dimension_numbers<[1], [0], [0], [1], [0, 0, 1, 1], [], []>, transpose_lhs_hint = false} : vector<512x128xf32>, vector<128x128xf32>, vector<512x128xf32> -> vector<512x128xf32>
    %get3A_17 = arith.constant 1 : index
    %get3A_18 = arith.constant 0 : index
    %get3A_19 = vector.load %arg6[%get3A_17, %get3A_18] : memref<6x128xf32, #tpu.memory_space<vmem>>, vector<1x128xf32>
    %get3A_20 = arith.constant 0 : index
    %get3A_21 = arith.constant 0 : index
    %get3A_22 = vector.load %arg6[%get3A_20, %get3A_21] : memref<6x128xf32, #tpu.memory_space<vmem>>, vector<1x128xf32>
    %add3A_23 = vector.broadcast %get3A_22 : vector<1x128xf32> to vector<512x128xf32>
    %add3A_24 = arith.addf %dot_general3A_16, %add3A_23 : vector<512x128xf32>
    %mul3A = vector.broadcast %get3A_19 : vector<1x128xf32> to vector<512x128xf32>
    %mul3A_25 = arith.mulf %mul3A, %add3A_24 : vector<512x128xf32>
    %get3A_26 = arith.constant 2 : index
    %get3A_27 = arith.constant 0 : index
    %get3A_28 = vector.load %arg6[%get3A_26, %get3A_27] : memref<6x128xf32, #tpu.memory_space<vmem>>, vector<1x128xf32>
    %add3A_29 = vector.broadcast %get3A_28 : vector<1x128xf32> to vector<512x128xf32>
    %add3A_30 = arith.addf %mul3A_25, %add3A_29 : vector<512x128xf32>
    %max3A = arith.constant 0.000000e+00 : f32
    %max3A_31 = vector.broadcast %max3A : f32 to vector<512x128xf32>
    %max3A_32 = arith.maximumf %add3A_30, %max3A_31 : vector<512x128xf32>
    %get3A_33 = arith.constant 0 : index
    %get3A_34 = arith.constant 0 : index
    %get3A_35 = vector.load %arg5[%get3A_33, %get3A_34] : memref<128x128xf32, #tpu.memory_space<vmem>>, vector<128x128xf32>
    %dot_general3A_36 = arith.constant dense<0.000000e+00> : vector<512x128xf32>
    %dot_general3A_37 = tpu.matmul %max3A_32, %get3A_35, %dot_general3A_36 {dimension_numbers = #tpu.dot_dimension_numbers<[1], [0], [0], [1], [0, 0, 1, 1], [], []>, transpose_lhs_hint = false} : vector<512x128xf32>, vector<128x128xf32>, vector<512x128xf32> -> vector<512x128xf32>
    %get3A_38 = arith.constant 4 : index
    %get3A_39 = arith.constant 0 : index
    %get3A_40 = vector.load %arg6[%get3A_38, %get3A_39] : memref<6x128xf32, #tpu.memory_space<vmem>>, vector<1x128xf32>
    %get3A_41 = arith.constant 3 : index
    %get3A_42 = arith.constant 0 : index
    %get3A_43 = vector.load %arg6[%get3A_41, %get3A_42] : memref<6x128xf32, #tpu.memory_space<vmem>>, vector<1x128xf32>
    %add3A_44 = vector.broadcast %get3A_43 : vector<1x128xf32> to vector<512x128xf32>
    %add3A_45 = arith.addf %dot_general3A_37, %add3A_44 : vector<512x128xf32>
    %mul3A_46 = vector.broadcast %get3A_40 : vector<1x128xf32> to vector<512x128xf32>
    %mul3A_47 = arith.mulf %mul3A_46, %add3A_45 : vector<512x128xf32>
    %get3A_48 = arith.constant 5 : index
    %get3A_49 = arith.constant 0 : index
    %get3A_50 = vector.load %arg6[%get3A_48, %get3A_49] : memref<6x128xf32, #tpu.memory_space<vmem>>, vector<1x128xf32>
    %add3A_51 = vector.broadcast %get3A_50 : vector<1x128xf32> to vector<512x128xf32>
    %add3A_52 = arith.addf %mul3A_47, %add3A_51 : vector<512x128xf32>
    %max3A_53 = arith.constant 0.000000e+00 : f32
    %max3A_54 = vector.broadcast %max3A_53 : f32 to vector<512x128xf32>
    %max3A_55 = arith.maximumf %add3A_52, %max3A_54 : vector<512x128xf32>
    %mul3A_56 = arith.constant 512 : i32
    %mul3A_57 = arith.muli %arg0, %mul3A_56 : i32
    %iota3A = tpu.iota {dimensions = array<i32: 0>} : vector<512x1xi32>
    %add3A_58 = vector.broadcast %mul3A_57 : i32 to vector<512x1xi32>
    %add3A_59 = arith.addi %add3A_58, %iota3A : vector<512x1xi32>
    %lt3A = arith.constant 2500 : i32
    %lt3A_60 = vector.broadcast %lt3A : i32 to vector<512x1xi32>
    %lt3A_61 = arith.cmpi slt, %add3A_59, %lt3A_60 : vector<512x1xi32>
    %jit3A = arith.constant 0.000000e+00 : f32
    %broadcast_in_dim3A = vector.shape_cast %lt3A_61 : vector<512x1xi1> to vector<512x1xi1>
    %broadcast_in_dim3A_62 = vector.broadcast %broadcast_in_dim3A : vector<512x1xi1> to vector<512x128xi1>
    %broadcast_in_dim3A_63 = vector.broadcast %jit3A : f32 to vector<512x128xf32>
    %select_n3A = arith.select %broadcast_in_dim3A_62, %max3A_55, %broadcast_in_dim3A_63 : vector<512x128xi1>, vector<512x128xf32>
    %get3A_64 = arith.constant 0 : index
    %get3A_65 = arith.constant 0 : index
    %get3A_66 = vector.load %arg7[%get3A_64, %get3A_65] : memref<256x512xf32, #tpu.memory_space<vmem>>, vector<256x512xf32>
    %dot_general3A_67 = arith.constant dense<0.000000e+00> : vector<256x128xf32>
    %dot_general3A_68 = tpu.matmul %get3A_66, %select_n3A, %dot_general3A_67 {dimension_numbers = #tpu.dot_dimension_numbers<[1], [0], [0], [1], [0, 0, 1, 1], [], []>, transpose_lhs_hint = false} : vector<256x512xf32>, vector<512x128xf32>, vector<256x128xf32> -> vector<256x128xf32>
    %swap3A = arith.constant 0 : index
    %swap3A_69 = arith.constant 0 : index
    %swap3A_70 = vector.load %arg13[%swap3A, %swap3A_69] : memref<256x128xf32, #tpu.memory_space<vmem>>, vector<256x128xf32>
    tpu.vector_store %arg13[%swap3A, %swap3A_69], %dot_general3A_68 {strides = array<i32>} : memref<256x128xf32, #tpu.memory_space<vmem>>, vector<256x128xf32>,
    %reduce_sum3A = arith.constant dense<0.000000e+00> : vector<128xf32>
    %reduce_sum3A_71 = vector.multi_reduction <add>, %select_n3A, %reduce_sum3A [0] : vector<512x128xf32> to vector<128xf32>
    %broadcast_in_dim3A_72 = vector.shape_cast %reduce_sum3A_71 : vector<128xf32> to vector<1x128xf32>
    %eq3A = arith.constant 0 : i32
    %eq3A_73 = arith.cmpi eq, %arg0, %eq3A : i32
    %convert_element_type3A = arith.extui %eq3A_73 : i1 to i32
    %cond3A = arith.constant 0 : i32
    %cond3A_74 = arith.cmpi ne, %convert_element_type3A, %cond3A : i32
    scf.if %cond3A_74 {
      %swap3A_84 = arith.constant 0 : index
      %swap3A_85 = arith.constant 0 : index
      %swap3A_86 = vector.load %arg14[%swap3A_84, %swap3A_85] : memref<1x128xf32, #tpu.memory_space<vmem>>, vector<1x128xf32>
      tpu.vector_store %arg14[%swap3A_84, %swap3A_85], %broadcast_in_dim3A_72 {strides = array<i32>} : memref<1x128xf32, #tpu.memory_space<vmem>>, vector<1x128xf32>,
    } else {
    }
    %gt3A = arith.constant 0 : i32
    %gt3A_75 = arith.cmpi sgt, %arg0, %gt3A : i32
    %convert_element_type3A_76 = arith.extui %gt3A_75 : i1 to i32
    %cond3A_77 = arith.constant 0 : i32
    %cond3A_78 = arith.cmpi ne, %convert_element_type3A_76, %cond3A_77 : i32
    scf.if %cond3A_78 {
      %get3A_84 = arith.constant 0 : index
      %get3A_85 = arith.constant 0 : index
      %get3A_86 = vector.load %arg14[%get3A_84, %get3A_85] : memref<1x128xf32, #tpu.memory_space<vmem>>, vector<1x128xf32>
      %add3A_87 = arith.addf %get3A_86, %broadcast_in_dim3A_72 : vector<1x128xf32>
      %swap3A_88 = arith.constant 0 : index
      %swap3A_89 = arith.constant 0 : index
      %swap3A_90 = vector.load %arg14[%swap3A_88, %swap3A_89] : memref<1x128xf32, #tpu.memory_space<vmem>>, vector<1x128xf32>
      tpu.vector_store %arg14[%swap3A_88, %swap3A_89], %add3A_87 {strides = array<i32>} : memref<1x128xf32, #tpu.memory_space<vmem>>, vector<1x128xf32>,
    } else {
    }
    %eq3A_79 = arith.constant 4 : i32
    %eq3A_80 = arith.cmpi eq, %arg0, %eq3A_79 : i32
    %convert_element_type3A_81 = arith.extui %eq3A_80 : i1 to i32
    %cond3A_82 = arith.constant 0 : i32
    %cond3A_83 = arith.cmpi ne, %convert_element_type3A_81, %cond3A_82 : i32
    scf.if %cond3A_83 {
      %get3A_84 = arith.constant 0 : index
      %get3A_85 = arith.constant 0 : index
      %get3A_86 = vector.load %arg9[%get3A_84, %get3A_85] : memref<3x128xf32, #tpu.memory_space<vmem>>, vector<1x128xf32>
      %get3A_87 = arith.constant 0 : index
      %get3A_88 = arith.constant 0 : index
      %get3A_89 = vector.load %arg8[%get3A_87, %get3A_88] : memref<2x128xf32, #tpu.memory_space<vmem>>, vector<1x128xf32>
      %mul3A_90 = arith.constant 0.707106769 : f32
      %mul3A_91 = vector.broadcast %mul3A_90 : f32 to vector<1x128xf32>
      %mul3A_92 = arith.mulf %get3A_89, %mul3A_91 : vector<1x128xf32>
      %mul3A_93 = arith.mulf %get3A_86, %mul3A_92 : vector<1x128xf32>
      %get3A_94 = arith.constant 0 : index
      %get3A_95 = arith.constant 0 : index
      %get3A_96 = vector.load %arg10[%get3A_94, %get3A_95] : memref<3x128xf32, #tpu.memory_space<vmem>>, vector<1x128xf32>
      %add3A_97 = arith.addf %mul3A_93, %get3A_96 : vector<1x128xf32>
      %max3A_98 = arith.constant 0.000000e+00 : f32
      %max3A_99 = vector.broadcast %max3A_98 : f32 to vector<1x128xf32>
      %max3A_100 = arith.maximumf %add3A_97, %max3A_99 : vector<1x128xf32>
      %get3A_101 = arith.constant 1 : index
      %get3A_102 = arith.constant 0 : index
      %get3A_103 = vector.load %arg9[%get3A_101, %get3A_102] : memref<3x128xf32, #tpu.memory_space<vmem>>, vector<1x128xf32>
      %get3A_104 = arith.constant 1 : index
      %get3A_105 = arith.constant 0 : index
      %get3A_106 = vector.load %arg8[%get3A_104, %get3A_105] : memref<2x128xf32, #tpu.memory_space<vmem>>, vector<1x128xf32>
      %mul3A_107 = arith.constant 0.707106769 : f32
      %mul3A_108 = vector.broadcast %mul3A_107 : f32 to vector<1x128xf32>
      %mul3A_109 = arith.mulf %get3A_106, %mul3A_108 : vector<1x128xf32>
      %mul3A_110 = arith.mulf %get3A_103, %mul3A_109 : vector<1x128xf32>
      %get3A_111 = arith.constant 1 : index
      %get3A_112 = arith.constant 0 : index
      %get3A_113 = vector.load %arg10[%get3A_111, %get3A_112] : memref<3x128xf32, #tpu.memory_space<vmem>>, vector<1x128xf32>
      %add3A_114 = arith.addf %mul3A_110, %get3A_113 : vector<1x128xf32>
      %max3A_115 = arith.constant 0.000000e+00 : f32
      %max3A_116 = vector.broadcast %max3A_115 : f32 to vector<1x128xf32>
      %max3A_117 = arith.maximumf %add3A_114, %max3A_116 : vector<1x128xf32>
      %get3A_118 = arith.constant 2 : index
      %get3A_119 = arith.constant 0 : index
      %get3A_120 = vector.load %arg9[%get3A_118, %get3A_119] : memref<3x128xf32, #tpu.memory_space<vmem>>, vector<1x128xf32>
      %get3A_121 = arith.constant 0 : index
      %get3A_122 = arith.constant 0 : index
      %get3A_123 = vector.load %arg14[%get3A_121, %get3A_122] : memref<1x128xf32, #tpu.memory_space<vmem>>, vector<1x128xf32>
      %mul3A_124 = arith.constant 0.707106769 : f32
      %mul3A_125 = vector.broadcast %mul3A_124 : f32 to vector<1x128xf32>
      %mul3A_126 = arith.mulf %get3A_123, %mul3A_125 : vector<1x128xf32>
      %mul3A_127 = arith.mulf %get3A_120, %mul3A_126 : vector<1x128xf32>
      %get3A_128 = arith.constant 2 : index
      %get3A_129 = arith.constant 0 : index
      %get3A_130 = vector.load %arg10[%get3A_128, %get3A_129] : memref<3x128xf32, #tpu.memory_space<vmem>>, vector<1x128xf32>
      %add3A_131 = arith.addf %mul3A_127, %get3A_130 : vector<1x128xf32>
      %max3A_132 = arith.constant 0.000000e+00 : f32
      %max3A_133 = vector.broadcast %max3A_132 : f32 to vector<1x128xf32>
      %max3A_134 = arith.maximumf %add3A_131, %max3A_133 : vector<1x128xf32>
      %get3A_135 = arith.constant 0 : index
      %get3A_136 = arith.constant 0 : index
      %get3A_137 = vector.load %arg12[%get3A_135, %get3A_136] : memref<1x128xf32, #tpu.memory_space<vmem>>, vector<1x128xf32>
      %get3A_138 = arith.constant 0 : index
      %get3A_139 = arith.constant 0 : index
      %get3A_140 = arith.constant 0 : index
      %get3A_141 = vector.load %arg11[%get3A_138, %get3A_139, %get3A_140] : memref<3x128x128xf32, #tpu.memory_space<vmem>>, vector<1x128x128xf32>
      %get3A_142 = vector.shape_cast %get3A_141 : vector<1x128x128xf32> to vector<128x128xf32>
      %dot_general3A_143 = arith.constant dense<0.000000e+00> : vector<1x128xf32>
      %dot_general3A_144 = tpu.matmul %max3A_100, %get3A_142, %dot_general3A_143 {dimension_numbers = #tpu.dot_dimension_numbers<[1], [0], [0], [1], [0, 0, 1, 1], [], []>, transpose_lhs_hint = false} : vector<1x128xf32>, vector<128x128xf32>, vector<1x128xf32> -> vector<1x128xf32>
      %add3A_145 = arith.addf %get3A_137, %dot_general3A_144 : vector<1x128xf32>
      %get3A_146 = arith.constant 1 : index
      %get3A_147 = arith.constant 0 : index
      %get3A_148 = arith.constant 0 : index
      %get3A_149 = vector.load %arg11[%get3A_146, %get3A_147, %get3A_148] : memref<3x128x128xf32, #tpu.memory_space<vmem>>, vector<1x128x128xf32>
      %get3A_150 = vector.shape_cast %get3A_149 : vector<1x128x128xf32> to vector<128x128xf32>
      %dot_general3A_151 = arith.constant dense<0.000000e+00> : vector<1x128xf32>
      %dot_general3A_152 = tpu.matmul %max3A_117, %get3A_150, %dot_general3A_151 {dimension_numbers = #tpu.dot_dimension_numbers<[1], [0], [0], [1], [0, 0, 1, 1], [], []>, transpose_lhs_hint = false} : vector<1x128xf32>, vector<128x128xf32>, vector<1x128xf32> -> vector<1x128xf32>
      %add3A_153 = arith.addf %add3A_145, %dot_general3A_152 : vector<1x128xf32>
      %get3A_154 = arith.constant 2 : index
      %get3A_155 = arith.constant 0 : index
      %get3A_156 = arith.constant 0 : index
      %get3A_157 = vector.load %arg11[%get3A_154, %get3A_155, %get3A_156] : memref<3x128x128xf32, #tpu.memory_space<vmem>>, vector<1x128x128xf32>
      %get3A_158 = vector.shape_cast %get3A_157 : vector<1x128x128xf32> to vector<128x128xf32>
      %dot_general3A_159 = arith.constant dense<0.000000e+00> : vector<1x128xf32>
      %dot_general3A_160 = tpu.matmul %max3A_134, %get3A_158, %dot_general3A_159 {dimension_numbers = #tpu.dot_dimension_numbers<[1], [0], [0], [1], [0, 0, 1, 1], [], []>, transpose_lhs_hint = false} : vector<1x128xf32>, vector<128x128xf32>, vector<1x128xf32> -> vector<1x128xf32>
      %add3A_161 = arith.addf %add3A_153, %dot_general3A_160 : vector<1x128xf32>
      %swap3A_162 = arith.constant 0 : index
      %swap3A_163 = arith.constant 0 : index
      %swap3A_164 = vector.load %arg15[%swap3A_162, %swap3A_163] : memref<1x128xf32, #tpu.memory_space<vmem>>, vector<1x128xf32>
      tpu.vector_store %arg15[%swap3A_162, %swap3A_163], %add3A_161 {strides = array<i32>} : memref<1x128xf32, #tpu.memory_space<vmem>>, vector<1x128xf32>,
    } else {
    }
    return
  }
  func.func @transform_0(%arg0: i32) -> (i32, i32) {
    %c0_i32 = arith.constant 0 : i32
    %c0_i32_0 = arith.constant 0 : i32
    return %arg0, %c0_i32 : i32, i32
  }
  func.func @transform_1(%arg0: i32) -> (i32, i32, i32) {
    %c0_i32 = arith.constant 0 : i32
    %c0_i32_0 = arith.constant 0 : i32
    %c0_i32_1 = arith.constant 0 : i32
    return %c0_i32, %arg0, %c0_i32_0 : i32, i32, i32
  }
  func.func @transform_2(%arg0: i32) -> (i32, i32, i32) {
    %c1_i32 = arith.constant 1 : i32
    %c0_i32 = arith.constant 0 : i32
    %c0_i32_0 = arith.constant 0 : i32
    return %c1_i32, %arg0, %c0_i32 : i32, i32, i32
  }
  func.func @transform_3(%arg0: i32) -> (i32, i32) {
    %c0_i32 = arith.constant 0 : i32
    %c0_i32_0 = arith.constant 0 : i32
    %c0_i32_1 = arith.constant 0 : i32
    return %c0_i32, %c0_i32_0 : i32, i32
  }
  func.func @transform_4(%arg0: i32) -> (i32, i32) {
    %c0_i32 = arith.constant 0 : i32
    %c0_i32_0 = arith.constant 0 : i32
    %c0_i32_1 = arith.constant 0 : i32
    return %c0_i32, %c0_i32_0 : i32, i32
  }
  func.func @transform_5(%arg0: i32) -> (i32, i32) {
    %c0_i32 = arith.constant 0 : i32
    %c0_i32_0 = arith.constant 0 : i32
    %c0_i32_1 = arith.constant 0 : i32
    return %c0_i32, %c0_i32_0 : i32, i32
  }
  func.func @transform_6(%arg0: i32) -> (i32, i32) {
    %c0_i32 = arith.constant 0 : i32
    %c0_i32_0 = arith.constant 0 : i32
    %c0_i32_1 = arith.constant 0 : i32
    return %c0_i32, %c0_i32_0 : i32, i32
  }
  func.func @transform_7(%arg0: i32) -> (i32, i32) {
    %c0_i32 = arith.constant 0 : i32
    %c0_i32_0 = arith.constant 0 : i32
    %c0_i32_1 = arith.constant 0 : i32
    return %c0_i32, %c0_i32_0 : i32, i32
  }
  func.func @transform_8(%arg0: i32) -> (i32, i32) {
    %c0_i32 = arith.constant 0 : i32
    %c0_i32_0 = arith.constant 0 : i32
    %c0_i32_1 = arith.constant 0 : i32
    return %c0_i32, %c0_i32_0 : i32, i32
  }
  func.func @transform_9(%arg0: i32) -> (i32, i32) {
    %c0_i32 = arith.constant 0 : i32
    %c0_i32_0 = arith.constant 0 : i32
    %c0_i32_1 = arith.constant 0 : i32
    return %c0_i32, %c0_i32_0 : i32, i32
  }
  func.func @transform_10(%arg0: i32) -> (i32, i32, i32) {
    %c0_i32 = arith.constant 0 : i32
    %c0_i32_0 = arith.constant 0 : i32
    %c0_i32_1 = arith.constant 0 : i32
    %c0_i32_2 = arith.constant 0 : i32
    return %c0_i32, %c0_i32_0, %c0_i32_1 : i32, i32, i32
  }
  func.func @transform_11(%arg0: i32) -> (i32, i32) {
    %c0_i32 = arith.constant 0 : i32
    %c0_i32_0 = arith.constant 0 : i32
    %c0_i32_1 = arith.constant 0 : i32
    return %c0_i32, %c0_i32_0 : i32, i32
  }
  func.func @transform_12(%arg0: i32) -> (i32, i32) {
    %c0_i32 = arith.constant 0 : i32
    %c0_i32_0 = arith.constant 0 : i32
    return %arg0, %c0_i32 : i32, i32
  }
  func.func @transform_13(%arg0: i32) -> (i32, i32) {
    %c0_i32 = arith.constant 0 : i32
    %c0_i32_0 = arith.constant 0 : i32
    %c0_i32_1 = arith.constant 0 : i32
    return %c0_i32, %c0_i32_0 : i32, i32
  }
  func.func @transform_14(%arg0: i32) -> (i32, i32) {
    %c0_i32 = arith.constant 0 : i32
    %c0_i32_0 = arith.constant 0 : i32
    %c0_i32_1 = arith.constant 0 : i32
    return %c0_i32, %c0_i32_0 : i32, i32
  }
}

</mosaic_0001>

<sc_bundles>
// kernel: kernel.12.cloned.1.call-start
scs
__scs_entry_jumppad:
0x0: {  	(pc) =	sbr.rel $0x88, $3  }
0x1: {  	(tag) =	ssettag $0x0;
	lr =	simm.s32 $0x1  }
0x2: {  	[smem:$0x3F8F] =	sst lr;
	_ =	strace $0xD0000000  }
0x3: {  	_ = 	snop  }
0x4: {  	_ = 	snop  }
0x5: {  	_ = 	snop  }
0x6: {  	_ = 	snop  }
0x7: {  	_ = 	snop  }
__scs_overlays_trampoline_lowered:
0x8: {  	[smem:$0x3F9E] =	sst s0  }
0x9: {  	[smem:$0x3F9F] =	sst s1  }
0xa: {  	[smem:$0x3FA0] =	sst s2  }
0xb: {  	[smem:$0x3FA1] =	sst s3  }
0xc: {  	[smem:$0x3FA2] =	sst s4  }
0xd: {  	[smem:$0x3FA3] =	sst s5  }
0xe: {  	[smem:$0x3FA4] =	sst s6  }
0xf: {  	[smem:$0x3FA5] =	sst s7  }
0x10: {  	[smem:$0x3FA6] =	sst s8  }
0x11: {  	[smem:$0x3FA7] =	sst s9;
	s0 =	simm.s32 @!p0 $0x0  }
0x12: {  	s1 =	sld [smem:$0x3F8D];
	s0 =	simm.s32 @p0 $0x1  }
0x13: {  	[smem:$0x3FA8] =	sst s0;
	s0 =	simm.s32 @!p1 $0x0  }
0x14: {  	s2 =	sld [smem:$0x3F8C];
	s0 =	simm.s32 @p1 $0x1  }
0x15: {  	[smem:$0x3FA9] =	sst s0;
	s0 =	simm.s32 @!p2 $0x0  }
0x16: {  	s3 =	sld [smem:$0x3FDB];
	s0 =	simm.s32 @p2 $0x1  }
0x17: {  	s4 =	simm.s32 $0x1BF5;
	[smem:$0x3FAB] =	sst s0  }
0x18: {  	s0 =	sld [smem:$0x3F8E];
	_ =	swait.ge [sflag:s4], $0x0  }
0x19: {  	s7 =	sld [smem:$0x3F8F]  }
0x1a: {  	s8 =	sadd.s32 $0xFFFFE003, lr  }
0x1b: {  	s9 =	sadd.s32 $0xFFFFFEF7, lr;
	s5 =	simm.s32 $0xFFFFFFFF;
	p2 =	slt.u32 s8, $0xFFFFF086  }
0x1c: {  	p1 =	slt.u32 s9, $0xF7A;
	s5 =	simm.s32 @!p2 $0x0  }
0x1d: {  	s5 =	simm.s32 @p1 $0x1;
	p0 =	seq.s32 s7, s2  }
0x1e: {  	s7 =	smul.u32 @!p0 $0xF7A, s2;
	p2 =	seq.s32 @!p0 s5, $0x0  }
0x1f: {  	s9 =	smul.u32 $0xF7A, s1;
	s8 =	simm.s32 @!p0 $0x1BF5;
	p2 =	por !p2, p0  }
0x20: {  	[sflag:s8] =	ssyncset.s32 @!p0 $0xFFFFF086;
	s6 =	sadd.s32 @!p0 s3, s7;
	s7 =	simm.s32 @!p0 $0x108  }
0x21: {  	s3 =	sadd.s32 s3, s9;
	s6 =	sadd.s32 @!p0 $0x88, s6;
	s7 =	simm.s32 @p2 $0x1082  }
0x22: {  	[simem:s7], [sflag:s8] =	dma.local @!p0 [hbm:s6], $0xF7A  }
0x23: {  	s9 =	sor.u32 $0xD0000000, s2;
	s6 =	simm.s32 $0x108;
	_ =	swait.ge @!p0 [sflag:s8], $0x0  }
0x24: {  	s3 =	sadd.s32 $0x88, s3;
	s6 =	simm.s32 @!p1 $0x1082;
	[sflag:s4] =	ssyncset.s32 $0xFFFFF086  }
0x25: {  	[simem:s6], [sflag:s4] =	dma.local [hbm:s3], $0xF7A  }
0x26: {  	[smem:$0x3F8F] =	sst s1;
	(tag) =	ssettag s2;
	_ =	strace s9  }
0x27: {  	s1 =	sld [smem:$0x3F9F]  }
0x28: {  	s2 =	sld [smem:$0x3FA0]  }
0x29: {  	s4 =	sld [smem:$0x3FA2]  }
0x2a: {  	p0 =	seq.s32 s5, $0x0;
	s5 =	sld [smem:$0x3FA3]  }
0x2b: {  	s6 =	sld [smem:$0x3FA4]  }
0x2c: {  	s7 =	sld [smem:$0x3FA5]  }
0x2d: {  	s3 =	simm.s32 $0x108;
	s8 =	sld [smem:$0x3FA6]  }
0x2e: {  	s3 =	simm.s32 @!p0 $0x1082;
	s9 =	sld [smem:$0x3FA7]  }
0x2f: {  	lr =	sadd.s32 s0, s3;
	s0 =	sld [smem:$0x3F9E]  }
0x30: {  	s3 =	sld [smem:$0x3FA1]  }
0x31: {  	[smem:$0x3FAA] =	sst s10  }
0x32: {  	s10 =	sld [smem:$0x3FA8];
	_ =	sdelay $0x3  }
0x33: {  	p0 =	seq.s32 s10, $0x1;
	s10 =	sld [smem:$0x3FAA];
	_ =	sdelay $0x3  }
0x34: {  	[smem:$0x3FAA] =	sst s10  }
0x35: {  	s10 =	sld [smem:$0x3FA9];
	_ =	sdelay $0x3  }
0x36: {  	p1 =	seq.s32 s10, $0x1;
	s10 =	sld [smem:$0x3FAA];
	_ =	sdelay $0x3  }
0x37: {  	[smem:$0x3FAA] =	sst s10  }
0x38: {  	s10 =	sld [smem:$0x3FAB]  }
0x39: {  	_ = 	snop;
	(pc) =	sbr.ind lr, $3  }
0x3a: {  	_ = 	snop  }
0x3b: {  	_ = 	snop  }
0x3c: {  	p2 =	seq.s32 s10, $0x1;
	s10 =	sld [smem:$0x3FAA]  }
0x3d: {  	_ =	shalt  }
0x3e: {  	_ =	shalt  }
0x3f: {  	_ =	shalt  }
0x40: {  	_ =	shalt  }
0x41: {  	_ =	shalt  }
0x42: {  	_ =	shalt  }
0x43: {  	_ =	shalt  }
0x44: {  	_ =	shalt  }
0x45: {  	_ =	shalt  }
0x46: {  	_ =	shalt  }
0x47: {  	_ =	shalt  }
0x48: {  	_ =	shalt  }
0x49: {  	_ =	shalt  }
0x4a: {  	_ =	shalt  }
0x4b: {  	_ =	shalt  }
0x4c: {  	_ =	shalt  }
0x4d: {  	_ =	shalt  }
0x4e: {  	_ =	shalt  }
0x4f: {  	_ =	shalt  }
0x50: {  	_ =	shalt  }
0x51: {  	_ =	shalt  }
0x52: {  	_ =	shalt  }
0x53: {  	_ =	shalt  }
0x54: {  	_ =	shalt  }
0x55: {  	_ =	shalt  }
0x56: {  	_ =	shalt  }
0x57: {  	_ =	shalt  }
0x58: {  	_ =	shalt  }
0x59: {  	_ =	shalt  }
0x5a: {  	_ =	shalt  }
0x5b: {  	_ =	shalt  }
0x5c: {  	_ =	shalt  }
0x5d: {  	_ =	shalt  }
0x5e: {  	_ =	shalt  }
0x5f: {  	_ =	shalt  }
0x60: {  	_ =	shalt  }
0x61: {  	_ =	shalt  }
0x62: {  	_ =	shalt  }
0x63: {  	_ =	shalt  }
0x64: {  	_ =	shalt  }
0x65: {  	_ =	shalt  }
0x66: {  	_ =	shalt  }
0x67: {  	_ =	shalt  }
0x68: {  	_ =	shalt  }
0x69: {  	_ =	shalt  }
0x6a: {  	_ =	shalt  }
0x6b: {  	_ =	shalt  }
0x6c: {  	_ =	shalt  }
0x6d: {  	_ =	shalt  }
0x6e: {  	_ =	shalt  }
0x6f: {  	_ =	shalt  }
0x70: {  	_ =	shalt  }
0x71: {  	_ =	shalt  }
0x72: {  	_ =	shalt  }
0x73: {  	_ =	shalt  }
0x74: {  	_ =	shalt  }
0x75: {  	_ =	shalt  }
0x76: {  	_ =	shalt  }
0x77: {  	_ =	shalt  }
0x78: {  	_ =	shalt  }
0x79: {  	_ =	shalt  }
0x7a: {  	_ =	shalt  }
0x7b: {  	_ =	shalt  }
0x7c: {  	_ =	shalt  }
0x7d: {  	_ =	shalt  }
0x7e: {  	_ =	shalt  }
0x7f: {  	_ =	shalt  }
0x80: {  	_ =	shalt  }
0x81: {  	_ =	shalt  }
0x82: {  	_ =	shalt  }
0x83: {  	_ =	shalt  }
0x84: {  	_ =	shalt  }
0x85: {  	_ =	shalt  }
0x86: {  	_ =	shalt  }
0x87: {  	_ =	shalt  }
.Lfunc_end0:
.L_simem_size_0:
called_computation.1_lowered:
.L_overlay_start_0:
0x88: {  	s2 =	sld [smem:$0x3FD9]  }
0x89: {  	s3 =	sld [smem:$0x3FFE];
	_ =	sdelay $0x1  }
0x8a: {  	s1 =	srdreg.scid  }
0x8b: {  	s0 =	sand.u32 $0x1, s1  }
0x8c: {  	s16 =	sshll.u32 s0, $0xA;
	s2 =	sadd.s32 s3, s2  }
0x8d: {  	s2 =	sadd.s32 s2, s16  }
0x8e: {  	[smem:$0x3FB6] =	sst s2  }
0x8f: {  	_ = 	snop  }
0x90: {  	(tm) =	ssettm $0x1  }
0x91: {  	s17 =	sld [smem:$0x3FFB];
	_ =	sdelay $0x3  }
0x92: {  	_ =	strace s17  }
0x93: {  	s2 =	sld [smem:$0x3FFC];
	_ =	sdelay $0x3  }
0x94: {  	_ =	strace s2  }
0x95: {  	s2 =	sld [smem:$0x3FFD];
	_ =	sdelay $0x3  }
0x96: {  	_ =	strace s2  }
0x97: {  	_ =	strace $0x8FFFFFFF  }
0x98: {  	s18 =	sld [smem:$0x3FDB];
	_ =	sdelay $0x1  }
0x99: {  	s19 =	simm.s32 $_scs_section_size  }
0x9a: {  	s4 =	simm.s32 $_size__tile_overlayer_lowered;
	s5 =	simm.s32 $_tile_overlayer_lowered  }
0x9b: {  	s22 =	simm.s32 $0x1BFF;
	s21 =	sshll.u32 s5, $0x1;
	s2 =	sadd.s32 s19, s18  }
0x9c: {  	s6 =	simm.s32 $0x0;
	s20 =	sshll.u32 s4, $0x1;
	s4 =	sadd.s32 s21, s2  }
0x9d: {  	[timem:s6], [sflag:s22] =	dma.local [hbm:s4], s20  }
0x9e: {  	_ =	swait.ge [sflag:s22], s20  }
0x9f: {  	s3 =	ssub.s32 $0x0, s20;
	[sflag:s22] =	ssyncset.done $0x0  }
0xa0: {  	[sflag:s22] =	ssyncadd.s32 s3;
	_ =	sdelay $0x1  }
0xa1: {  	s23 =	simm.s32 $0x1B8B  }
0xa2: {  	_ =	swait.ge [sflag:s23], $0x1  }
0xa3: {  	[sflag:s23] =	ssyncset.done $0x0  }
0xa4: {  	s25 =	simm.s32 $0x1B8E;
	s24 =	sld [smem:$0x3FFE];
	[sflag:s23] =	ssyncadd.s32 $0xFFFFFFFF  }
0xa5: {  	s26 =	simm.s32 $execute0_lowered;
	[smem:$0x3FD2] =	sst s25  }
0xa6: {  	s4 =	sshll.u32 s26, $0x1;
	_ =	strace $0x80000049;
	[dreg:$0x1] =	wrdreg $0xFFFFFFFF  }
0xa7: {  	s28 =	simm.s32 $_size_execute0_lowered;
	s2 =	sadd.s32 s2, s4;
	[dreg:$0x0] =	wrdreg $0x0  }
0xa8: {  	s4 =	sshll.u32 s28, $0x1;
	[dreg:$0x2] =	wrdreg s2  }
0xa9: {  	[dreg:$0x3] =	wrdreg s4  }
0xaa: {  	[dreg:$0x4] =	wrdreg $0xC0  }
0xab: {  	_ =	task [dreg:s6], $0x5FFFF  }
0xac: {  	[dreg:$0x1] =	wrdreg $0xFFFFFFFF  }
0xad: {  	[dreg:$0x0] =	wrdreg $0x60  }
0xae: {  	[dreg:$0x2] =	wrdreg s24  }
0xaf: {  	[dreg:$0x3] =	wrdreg $0xE0000  }
0xb0: {  	[dreg:$0x4] =	wrdreg $0x9  }
0xb1: {  	_ =	task.clear_ibuf [dreg:s6], $0x5FFFF;
	_ =	strace $0x90000049  }
0xb2: {  	s29 =	simm.s32 $0x9;
	_ =	strace $0x8000004B  }
0xb3: {  	_ =	swait.ge [sflag:s29], $0x1  }
0xb4: {  	[sflag:s29] =	ssyncadd.s32 $0xFFFFFFFF  }
0xb5: {  	_ =	strace $0x9000004B  }
0xb6: {  	_ =	sfence  }
0xb7: {  	s30 =	sld [smem:$0x0];
	_ =	sdelay $0x2  }
0xb8: {  	s31 =	sshll.u32 s1, $0xD;
	s1 =	sshrl.u32 s1, $0x2  }
0xb9: {  	s3 =	sand.u32 $0x4000, s31;
	s1 =	sadd.s32 s1, s30  }
0xba: {  	s0 =	sor.u32 s3, s0;
	s1 =	sshll.u32 s1, $0x11  }
0xbb: {  	s0 =	sor.u32 s1, s0  }
0xbc: {  	s0 =	sadd.s32 $0x8F2B, s0  }
0xbd: {  	[sflag:s0] =	ssyncadd.remote.s32 $0x1  }
0xbe: {  	_ =	sfence.sel $0xFFFF  }
0xbf: {  	[dreg:$0x0] =	wrdreg $0xFFFFFFFF;
	(pc) =	sbr.abs _section_cstart, $3  }
0xc0: {  	[dreg:$0x1] =	wrdreg $0xFFFFFFFF  }
0xc1: {  	_ =	task.clear_ibuf [dreg:s6], $0x2FFFF;
	_ =	strace $0x9FFFFFFF  }
0xc2: {  	(tm) =	ssettm $0x7FFFFFFF  }
0xc3: {  	_ =	shalt  }
tec
execute0_lowered:
.L_overlay_start_1:
0x0: {  	(tag) =	ssettag $0x1  }
0x1: {  	s0 =	rddreg [dreg:$0x0]  }
0x2: {  	s2 =	srdreg.scid;
	s15 =	stileid.u32  }
0x3: {  	s1 =	rddreg [dreg:$0x1];
	s6 =	smul.u32 $0xA000, s15  }
0x4: {  	s3 =	sand.u32 $0x1, s2;
	s4 =	sshll.u32 s15, $0x1;
	s15 =	smul.u32 $0x28000, s15  }
0x5: {  	s2 =	simm.s32 $0x0;
	s7 =	sadd.s32 $0x40E00, s0;
	s5 =	smul.u32 $0xA0000, s3  }
0x6: {  	[smem:$0x7FF] =	sst s2;
	s4 =	sor.u32 s3, s4;
	s3 =	ssub.s32 $0x2, s3  }
0x7: {  	s4 =	smul.u32 $0x500, s4;
	s8 =	sshrl.u32 s3, $0x1;
	s10 =	sor.u32 $0x1000, s6  }
0x8: {  	s11 =	sadd.s32 $0x3000, s6;
	s13 =	sadd.s32 $0x4000, s6;
	s9 =	sadd.s32 s5, s6  }
0x9: {  	s3 =	ssub.s32 s3, s8;
	s17 =	sadd.s32 s5, s10;
	s12 =	sadd.s32 s5, s11  }
0xa: {  	s21 =	sadd.s32 s5, s13;
	s16 =	sshrl.u32 s9, $0x3;
	s18 =	sshrl.u32 s17, $0x3  }
0xb: {  	s9 =	sadd.s32 $0x2000, s6;
	s20 =	sshrl.u32 s12, $0x3;
	s22 =	sshrl.u32 s21, $0x3  }
0xc: {  	s12 =	sadd.s32 $0x5000, s6;
	s17 =	sadd.s32 $0x7000, s6;
	s4 =	sadd.s32 s4, s0  }
0xd: {  	s8 =	sadd.s32 s7, s16;
	s19 =	sadd.s32 s5, s9;
	s23 =	sadd.s32 s5, s12  }
0xe: {  	s16 =	sadd.s32 $0x6000, s6;
	s25 =	sadd.s32 s5, s17;
	s21 =	sadd.s32 $0x36E00, s4  }
0xf: {  	[dreg:$0x3] =	wrdreg s8;
	s8 =	sadd.s32 s7, s18;
	s14 =	sadd.s32 s5, s16  }
0x10: {  	s26 =	sshrl.u32 s25, $0x3;
	s18 =	sadd.s32 $0x8000, s6;
	s6 =	sadd.s32 $0x9000, s6  }
0x11: {  	s25 =	sadd.s32 s11, s1;
	[dreg:$0x4] =	wrdreg s8;
	s8 =	sshrl.u32 s19, $0x3  }
0x12: {  	s24 =	sshrl.u32 s14, $0x3;
	s14 =	sadd.s32 s5, s18;
	s5 =	sadd.s32 s5, s6  }
0x13: {  	s19 =	sshrl.u32 s15, $0x2;
	s28 =	sadd.s32 s6, s1;
	s8 =	sadd.s32 s7, s8  }
0x14: {  	s5 =	sshrl.u32 s5, $0x3;
	[dreg:$0x5] =	wrdreg s8;
	s8 =	sadd.s32 s7, s20  }
0x15: {  	s15 =	sadd.s32 s19, s1;
	[dreg:$0x6] =	wrdreg s8;
	s8 =	sadd.s32 s7, s22  }
0x16: {  	s5 =	sadd.s32 s7, s5;
	[dreg:$0x7] =	wrdreg s8;
	s8 =	sshrl.u32 s23, $0x3  }
0x17: {  	s20 =	sadd.s32 $0x2CE00, s4;
	s29 =	sadd.s32 $0x1000, s15;
	s8 =	sadd.s32 s7, s8  }
0x18: {  	s30 =	sadd.s32 $0x2000, s15;
	[dreg:$0x8] =	wrdreg s8;
	s8 =	sadd.s32 s7, s24  }
0x19: {  	s31 =	sadd.s32 $0x3000, s15;
	[dreg:$0x9] =	wrdreg s8;
	s8 =	sadd.s32 s7, s26  }
0x1a: {  	s11 =	sadd.s32 $0x4000, s15;
	[dreg:$0xa] =	wrdreg s8;
	s8 =	sshrl.u32 s14, $0x3  }
0x1b: {  	s4 =	sadd.s32 $0x7000, s15;
	[dreg:$0xc] =	wrdreg s5;
	s8 =	sadd.s32 s7, s8  }
0x1c: {  	s6 =	sadd.s32 $0x9000, s15;
	s22 =	smax.u32 s3, $0x1;
	[dreg:$0xb] =	wrdreg s8  }
0x1d: {  	s3 =	sadd.s32 $0x6000, s15;
	_ =	strace $0x8000004A;
	[dreg:$0xd] =	wrdreg s20  }
0x1e: {  	s5 =	sadd.s32 $0x8000, s15;
	s23 =	sadd.s32 s10, s1;
	[dreg:$0xe] =	wrdreg s21  }
0x1f: {  	s10 =	simm.s32 $0x5000;
	s24 =	sadd.s32 s9, s1;
	[dreg:$0xf] =	wrdreg s22  }
0x20: {  	s9 =	simm.s32 $0x80;
	s26 =	sadd.s32 s13, s1;
	[dreg:$0x10] =	wrdreg s23  }
0x21: {  	s13 =	simm.s32 $0x1;
	s14 =	sadd.s32 $0x4E00, s0;
	[dreg:$0x11] =	wrdreg s24  }
0x22: {  	s0 =	sadd.s32 $0x5000, s15;
	s7 =	simm.s32 $0xD000;
	[dreg:$0x12] =	wrdreg s25  }
0x23: {  	s8 =	simm.s32 $0x3;
	[dreg:$0x13] =	wrdreg s26;
	s23 =	sadd.s32 s12, s1  }
0x24: {  	s24 =	sadd.s32 s16, s1;
	s25 =	sadd.s32 s17, s1;
	s26 =	sadd.s32 s18, s1  }
0x25: {  	v0 =	vimm.f32 $0.0e+00;
	s12 =	simm.s32 $0x9000;
	s16 =	simm.s32 $0x2;
	s17 =	simm.s32 $0x0  }
.LBB2_1:
0x26: {  	s18 =	simm.s32 $0x0;
	s19 =	simm.s32 $0x200  }
.LBB2_2:
0x27: {  	p0 =	sne.s32 s19, $0x3E00;
	[tilespmem:s18+$0xD070] =	vst v0  }
0x28: {  	[tilespmem:s18+$0xD000] =	vst v0  }
0x29: {  	[tilespmem:s18+$0xD010] =	vst v0  }
.Ltmp0:
0x2a: {  	[tilespmem:s18+$0xD020] =	vst v0;
	(pc) =	sbr.rel @p0 .LBB2_2-.Ltmp0, $4  }
0x2b: {  	[tilespmem:s18+$0xD030] =	vst v0  }
0x2c: {  	[tilespmem:s18+$0xD040] =	vst v0  }
0x2d: {  	[tilespmem:s18+$0xD050] =	vst v0  }
0x2e: {  	[tilespmem:s18+$0xD060] =	vst v0;
	s18 =	sshra.s32 s19, $0x2;
	s19 =	sadd.s32 $0x200, s19  }
0x2f: {  	[tilespmem:s18+$0xD070] =	vst v0  }
0x30: {  	[tilespmem:s18+$0xD000] =	vst v0  }
0x31: {  	[tilespmem:s18+$0xD010] =	vst v0  }
0x32: {  	[tilespmem:s18+$0xD020] =	vst v0  }
0x33: {  	[tilespmem:s18+$0xD030] =	vst v0  }
0x34: {  	[tilespmem:s18+$0xD040] =	vst v0  }
0x35: {  	[tilespmem:s18+$0xD050] =	vst v0  }
0x36: {  	[tilespmem:s18+$0xD060] =	vst v0  }
0x37: {  	[spmem:s15] =	stream.linear.scatter [tilespmem:s7], [sflag:$0x3], $0x1000, $0x38;
	[tilespmem:$0x18000] =	vst v63  }
0x38: {  	_ =	swait.ge [sflag:s8], $0x1000  }
0x39: {  	[sflag:s8] =	ssyncset.done $0x0  }
0x3a: {  	[sflag:s8] =	ssyncadd.s32 $0xFFFFF000  }
0x3b: {  	[spmem:s29] =	stream.linear.scatter [tilespmem:s7], [sflag:$0x3], $0x1000, $0x38;
	[tilespmem:$0x18000] =	vst v63  }
0x3c: {  	_ =	swait.ge [sflag:s8], $0x1000  }
0x3d: {  	[sflag:s8] =	ssyncset.done $0x0  }
0x3e: {  	[sflag:s8] =	ssyncadd.s32 $0xFFFFF000  }
0x3f: {  	[spmem:s30] =	stream.linear.scatter [tilespmem:s7], [sflag:$0x3], $0x1000, $0x38;
	[tilespmem:$0x18000] =	vst v63  }
0x40: {  	_ =	swait.ge [sflag:s8], $0x1000  }
0x41: {  	[sflag:s8] =	ssyncset.done $0x0  }
0x42: {  	[sflag:s8] =	ssyncadd.s32 $0xFFFFF000  }
0x43: {  	[spmem:s31] =	stream.linear.scatter [tilespmem:s7], [sflag:$0x3], $0x1000, $0x38;
	[tilespmem:$0x18000] =	vst v63  }
0x44: {  	_ =	swait.ge [sflag:s8], $0x1000  }
0x45: {  	[sflag:s8] =	ssyncset.done $0x0  }
0x46: {  	[sflag:s8] =	ssyncadd.s32 $0xFFFFF000  }
0x47: {  	[spmem:s11] =	stream.linear.scatter [tilespmem:s7], [sflag:$0x3], $0x1000, $0x38;
	[tilespmem:$0x18000] =	vst v63  }
0x48: {  	_ =	swait.ge [sflag:s8], $0x1000  }
0x49: {  	[sflag:s8] =	ssyncset.done $0x0  }
0x4a: {  	[sflag:s8] =	ssyncadd.s32 $0xFFFFF000  }
0x4b: {  	[spmem:s0] =	stream.linear.scatter [tilespmem:s7], [sflag:$0x3], $0x1000, $0x38;
	[tilespmem:$0x18000] =	vst v63  }
0x4c: {  	_ =	swait.ge [sflag:s8], $0x1000  }
0x4d: {  	[sflag:s8] =	ssyncset.done $0x0  }
0x4e: {  	[sflag:s8] =	ssyncadd.s32 $0xFFFFF000  }
0x4f: {  	[spmem:s3] =	stream.linear.scatter [tilespmem:s7], [sflag:$0x3], $0x1000, $0x38;
	[tilespmem:$0x18000] =	vst v63  }
0x50: {  	_ =	swait.ge [sflag:s8], $0x1000  }
0x51: {  	[sflag:s8] =	ssyncset.done $0x0  }
0x52: {  	[sflag:s8] =	ssyncadd.s32 $0xFFFFF000  }
0x53: {  	[spmem:s4] =	stream.linear.scatter [tilespmem:s7], [sflag:$0x3], $0x1000, $0x38;
	[tilespmem:$0x18000] =	vst v63  }
0x54: {  	_ =	swait.ge [sflag:s8], $0x1000  }
0x55: {  	[sflag:s8] =	ssyncset.done $0x0  }
0x56: {  	[sflag:s8] =	ssyncadd.s32 $0xFFFFF000  }
0x57: {  	[spmem:s5] =	stream.linear.scatter [tilespmem:s7], [sflag:$0x3], $0x1000, $0x38;
	[tilespmem:$0x18000] =	vst v63  }
0x58: {  	_ =	swait.ge [sflag:s8], $0x1000  }
0x59: {  	[sflag:s8] =	ssyncset.done $0x0  }
0x5a: {  	[sflag:s8] =	ssyncadd.s32 $0xFFFFF000  }
0x5b: {  	[spmem:s6] =	stream.linear.scatter [tilespmem:s7], [sflag:$0x3], $0x1000, $0x38;
	[tilespmem:$0x18000] =	vst v63  }
0x5c: {  	_ =	swait.ge [sflag:s8], $0x1000  }
0x5d: {  	[sflag:s8] =	ssyncset.done $0x0  }
0x5e: {  	s21 =	simm.s32 $0x0;
	s19 =	rddreg [dreg:$0xd];
	[sflag:s8] =	ssyncadd.s32 $0xFFFFF000  }
0x5f: {  	[tilespmem:s21], [sflag:$0x3] =	stream.linear.gather [hbm4b:s19+s21], $0x2800, $0x38;
	[tilespmem:$0x18000] =	vst v63  }
0x60: {  	_ =	swait.ge [sflag:s8], $0x2800  }
0x61: {  	[sflag:s8] =	ssyncset.done $0x0  }
0x62: {  	s20 =	simm.s32 $0x2800;
	s22 =	rddreg [dreg:$0xe];
	[sflag:s8] =	ssyncadd.s32 $0xFFFFD800  }
0x63: {  	[tilespmem:s20], [sflag:$0x3] =	stream.linear.gather [hbm4b:s22+s21], $0x2800, $0x38;
	[tilespmem:$0x18000] =	vst v63  }
0x64: {  	_ =	swait.ge [sflag:s8], $0x2800  }
0x65: {  	[sflag:s8] =	ssyncset.done $0x0  }
0x66: {  	s18 =	simm.s32 $0x0;
	[sflag:s8] =	ssyncadd.s32 $0xFFFFD800  }
0x67: {  	v1 =	vld [tilespmem:s18+$0x0]  }
0x68: {  	v2 =	vld [tilespmem:s18+$0x2800]  }
0x69: {  	v3 =	vld [tilespmem:s18+$0x10]  }
0x6a: {  	v4 =	vld [tilespmem:s18+$0x2810]  }
0x6b: {  	v5 =	vld [tilespmem:s18+$0x20]  }
0x6c: {  	v6 =	vld [tilespmem:s18+$0x2820];
	v1 =	vshrl.u32 v1, $0x1  }
0x6d: {  	v7 =	vld [tilespmem:s18+$0x30];
	[tilespmem:s18+$0x0] =	vst v1;
	v1 =	vshrl.u32 v2, $0x1  }
0x6e: {  	[tilespmem:s18+$0x2800] =	vst v1;
	v1 =	vshrl.u32 v3, $0x1;
	v3 =	vld [tilespmem:s18+$0x2830]  }
0x6f: {  	[tilespmem:s18+$0x10] =	vst v1;
	v1 =	vshrl.u32 v4, $0x1;
	v4 =	vld [tilespmem:s18+$0x40]  }
0x70: {  	[tilespmem:s18+$0x2810] =	vst v1;
	v1 =	vshrl.u32 v5, $0x1;
	v5 =	vld [tilespmem:s18+$0x2840]  }
0x71: {  	v2 =	vld [tilespmem:s18+$0x50];
	[tilespmem:s18+$0x20] =	vst v1;
	v1 =	vshrl.u32 v6, $0x1  }
0x72: {  	v6 =	vshrl.u32 v7, $0x1;
	[tilespmem:s18+$0x2820] =	vst v1;
	v1 =	vld [tilespmem:s18+$0x2850]  }
0x73: {  	[tilespmem:s18+$0x30] =	vst v6;
	v6 =	vshrl.u32 v3, $0x1;
	v3 =	vld [tilespmem:s18+$0x60]  }
0x74: {  	[tilespmem:s18+$0x2830] =	vst v6;
	v6 =	vshrl.u32 v4, $0x1;
	v4 =	vld [tilespmem:s18+$0x2860]  }
0x75: {  	s19 =	simm.s32 $0x200;
	[tilespmem:s18+$0x40] =	vst v6;
	v6 =	vshrl.u32 v5, $0x1;
	v5 =	vld [tilespmem:s18+$0x70]  }
.LBB2_4:
0x76: {  	s20 =	sshra.s32 s19, $0x2;
	p0 =	sne.s32 s19, $0x9E00;
	[tilespmem:s18+$0x2840] =	vst v6;
	v2 =	vshrl.u32 v2, $0x1;
	v6 =	vld [tilespmem:s18+$0x2870]  }
0x77: {  	v7 =	vld [tilespmem:s20+$0x0];
	[tilespmem:s18+$0x50] =	vst v2;
	v1 =	vshrl.u32 v1, $0x1  }
0x78: {  	v2 =	vld [tilespmem:s20+$0x2800];
	[tilespmem:s18+$0x2850] =	vst v1;
	v1 =	vshrl.u32 v3, $0x1  }
0x79: {  	v3 =	vld [tilespmem:s20+$0x10];
	[tilespmem:s18+$0x60] =	vst v1;
	v1 =	vshrl.u32 v4, $0x1  }
0x7a: {  	v4 =	vld [tilespmem:s20+$0x2810];
	[tilespmem:s18+$0x2860] =	vst v1;
	v1 =	vshrl.u32 v5, $0x1  }
0x7b: {  	v5 =	vld [tilespmem:s20+$0x20];
	[tilespmem:s18+$0x70] =	vst v1;
	v1 =	vshrl.u32 v6, $0x1  }
0x7c: {  	v6 =	vshrl.u32 v7, $0x1;
	v7 =	vld [tilespmem:s20+$0x2820];
	[tilespmem:s18+$0x2870] =	vst v1;
	s18 =	smov.u32 s20  }
0x7d: {  	[tilespmem:s18+$0x0] =	vst v6;
	v1 =	vshrl.u32 v2, $0x1;
	v6 =	vld [tilespmem:s18+$0x30]  }
0x7e: {  	[tilespmem:s18+$0x2800] =	vst v1;
	v1 =	vshrl.u32 v3, $0x1;
	v3 =	vld [tilespmem:s18+$0x2830]  }
0x7f: {  	[tilespmem:s18+$0x10] =	vst v1;
	v1 =	vshrl.u32 v4, $0x1;
	v4 =	vld [tilespmem:s18+$0x40]  }
0x80: {  	[tilespmem:s18+$0x2810] =	vst v1;
	v1 =	vshrl.u32 v5, $0x1;
	v5 =	vld [tilespmem:s18+$0x2840]  }
.Ltmp1:
0x81: {  	[tilespmem:s18+$0x20] =	vst v1;
	v1 =	vshrl.u32 v7, $0x1;
	v2 =	vld [tilespmem:s18+$0x50];
	(pc) =	sbr.rel @p0 .LBB2_4-.Ltmp1, $4  }
0x82: {  	[tilespmem:s18+$0x2820] =	vst v1;
	v6 =	vshrl.u32 v6, $0x1;
	v1 =	vld [tilespmem:s18+$0x2850]  }
0x83: {  	[tilespmem:s18+$0x30] =	vst v6;
	v6 =	vshrl.u32 v3, $0x1;
	v3 =	vld [tilespmem:s18+$0x60]  }
0x84: {  	[tilespmem:s18+$0x2830] =	vst v6;
	v6 =	vshrl.u32 v4, $0x1;
	v4 =	vld [tilespmem:s18+$0x2860]  }
0x85: {  	s19 =	sadd.s32 $0x200, s19;
	[tilespmem:s18+$0x40] =	vst v6;
	v6 =	vshrl.u32 v5, $0x1;
	v5 =	vld [tilespmem:s18+$0x70]  }
0x86: {  	[tilespmem:s18+$0x2840] =	vst v6;
	v2 =	vshrl.u32 v2, $0x1;
	v63 =	vld [tilespmem:s18+$0x2870]  }
0x87: {  	[tilespmem:s18+$0x50] =	vst v2;
	v1 =	vshrl.u32 v1, $0x1  }
0x88: {  	[tilespmem:s18+$0x2850] =	vst v1;
	v1 =	vshrl.u32 v3, $0x1  }
0x89: {  	[tilespmem:s18+$0x60] =	vst v1;
	v1 =	vshrl.u32 v4, $0x1  }
0x8a: {  	[tilespmem:s18+$0x2860] =	vst v1;
	v1 =	vshrl.u32 v5, $0x1  }
0x8b: {  	[tilespmem:s18+$0x70] =	vst v1;
	v1 =	vshrl.u32 v63, $0x1  }
0x8c: {  	[tilespmem:s18+$0x2870] =	vst v1  }
0x8d: {  	s22 =	simm.s32 $0x0;
	[bflag:$0x0] =	sbarrier.arrive $0xFFFF  }
0x8e: {  	[tilespmem:s10], [sflag:$0x1] =	stream.indirect.gather [hbm4b:s14+s9], $0x80, s22, s9, $0xb8;
	[tilespmem:$0x18000] =	vst v63  }
0x8f: {  	s19 =	simm.s32 $0x80  }
0x90: {  	[tilespmem:s12], [sflag:$0x2] =	stream.indirect.gather [hbm4b:s14+s9], $0x80, s19, s9, $0xb8;
	[tilespmem:$0x18000] =	vst v63  }
0x91: {  	_ =	swait.ge [sflag:s13], $0x4000  }
0x92: {  	[sflag:s13] =	ssyncset.done $0x0  }
0x93: {  	s20 =	simm.s32 $0x2800;
	[sflag:s13] =	ssyncadd.s32 $0xFFFFC000  }
0x94: {  	[spmem:s1] =	stream.indirect.scatter.add.f32 [tilespmem:s10], [sflag:$0x3], $0x80, s20, s9, $0xb8;
	[tilespmem:$0x18000] =	vst v63  }
0x95: {  	_ =	swait.ge [sflag:s8], $0x4000  }
0x96: {  	[sflag:s8] =	ssyncset.done $0x0  }
0x97: {  	s21 =	simm.s32 $0x100;
	[sflag:s8] =	ssyncadd.s32 $0xFFFFC000  }
0x98: {  	[tilespmem:s10], [sflag:$0x1] =	stream.indirect.gather [hbm4b:s14+s9], $0x80, s21, s9, $0xb8;
	[tilespmem:$0x18000] =	vst v63  }
0x99: {  	_ =	swait.ge [sflag:s16], $0x4000  }
0x9a: {  	[sflag:s16] =	ssyncset.done $0x0  }
0x9b: {  	s22 =	simm.s32 $0x2880;
	[sflag:s16] =	ssyncadd.s32 $0xFFFFC000  }
0x9c: {  	[spmem:s1] =	stream.indirect.scatter.add.f32 [tilespmem:s12], [sflag:$0x3], $0x80, s22, s9, $0xb8;
	[tilespmem:$0x18000] =	vst v63  }
0x9d: {  	_ =	swait.ge [sflag:s8], $0x4000  }
0x9e: {  	s18 =	simm.s32 $0x100;
	s19 =	simm.s32 $0x800;
	[sflag:s8] =	ssyncset.done $0x0  }
.LBB2_6:
0x9f: {  	s20 =	sadd.s32 $0x80, s18  }
0xa0: {  	[sflag:s8] =	ssyncadd.s32 $0xFFFFC000;
	s21 =	smov.u32 s19;
	s22 =	sadd.s32 $0x400, s19  }
0xa1: {  	[tilespmem:s12], [sflag:$0x2] =	stream.indirect.gather [hbm4b:s14+s9], $0x80, s20, s9, $0xb8;
	[tilespmem:$0x18000] =	vst v63  }
0xa2: {  	p0 =	sne.s32 s19, $0x9800;
	_ =	swait.ge [sflag:s13], $0x4000  }
0xa3: {  	[sflag:s13] =	ssyncset.done $0x0  }
0xa4: {  	s19 =	sadd.s32 $0x2800, s18;
	[sflag:s13] =	ssyncadd.s32 $0xFFFFC000  }
0xa5: {  	[spmem:s1] =	stream.indirect.scatter.add.f32 [tilespmem:s10], [sflag:$0x3], $0x80, s19, s9, $0xb8;
	[tilespmem:$0x18000] =	vst v63  }
0xa6: {  	_ =	swait.ge [sflag:s8], $0x4000  }
0xa7: {  	[sflag:s8] =	ssyncset.done $0x0  }
0xa8: {  	s19 =	sadd.s32 $0x100, s18;
	[sflag:s8] =	ssyncadd.s32 $0xFFFFC000  }
0xa9: {  	[tilespmem:s10], [sflag:$0x1] =	stream.indirect.gather [hbm4b:s14+s9], $0x80, s19, s9, $0xb8;
	[tilespmem:$0x18000] =	vst v63  }
0xaa: {  	_ =	swait.ge [sflag:s16], $0x4000  }
.Ltmp2:
0xab: {  	[sflag:s16] =	ssyncset.done $0x0;
	(pc) =	sbr.rel @p0 .LBB2_6-.Ltmp2, $4  }
0xac: {  	s18 =	sadd.s32 $0x2880, s18;
	[sflag:s16] =	ssyncadd.s32 $0xFFFFC000  }
0xad: {  	[spmem:s1] =	stream.indirect.scatter.add.f32 [tilespmem:s12], [sflag:$0x3], $0x80, s18, s9, $0xb8;
	[tilespmem:$0x18000] =	vst v63  }
0xae: {  	_ =	swait.ge [sflag:s8], $0x4000  }
0xaf: {  	s19 =	smov.u32 s22;
	s18 =	sshra.s32 s21, $0x2;
	[sflag:s8] =	ssyncset.done $0x0  }
0xb0: {  	s19 =	sadd.s32 $0x80, s18;
	[sflag:s8] =	ssyncadd.s32 $0xFFFFC000  }
0xb1: {  	[tilespmem:s12], [sflag:$0x2] =	stream.indirect.gather [hbm4b:s14+s9], $0x80, s19, s9, $0xb8;
	[tilespmem:$0x18000] =	vst v63  }
0xb2: {  	_ =	swait.ge [sflag:s13], $0x4000  }
0xb3: {  	[sflag:s13] =	ssyncset.done $0x0  }
0xb4: {  	s21 =	sadd.s32 $0x2800, s18;
	[sflag:s13] =	ssyncadd.s32 $0xFFFFC000  }
0xb5: {  	[spmem:s1] =	stream.indirect.scatter.add.f32 [tilespmem:s10], [sflag:$0x3], $0x80, s21, s9, $0xb8;
	[tilespmem:$0x18000] =	vst v63  }
0xb6: {  	_ =	swait.ge [sflag:s8], $0x4000  }
0xb7: {  	[sflag:s8] =	ssyncset.done $0x0  }
0xb8: {  	s22 =	sadd.s32 $0x100, s18;
	[sflag:s8] =	ssyncadd.s32 $0xFFFFC000  }
0xb9: {  	[tilespmem:s10], [sflag:$0x1] =	stream.indirect.gather [hbm4b:s14+s9], $0x80, s22, s9, $0xb8;
	[tilespmem:$0x18000] =	vst v63  }
0xba: {  	_ =	swait.ge [sflag:s16], $0x4000  }
0xbb: {  	[sflag:s16] =	ssyncset.done $0x0  }
0xbc: {  	s20 =	sadd.s32 $0x2880, s18;
	[sflag:s16] =	ssyncadd.s32 $0xFFFFC000  }
0xbd: {  	[spmem:s1] =	stream.indirect.scatter.add.f32 [tilespmem:s12], [sflag:$0x3], $0x80, s20, s9, $0xb8;
	[tilespmem:$0x18000] =	vst v63  }
0xbe: {  	_ =	swait.ge [sflag:s8], $0x4000  }
0xbf: {  	[sflag:s8] =	ssyncset.done $0x0  }
0xc0: {  	s21 =	simm.s32 $0x2780;
	[sflag:s8] =	ssyncadd.s32 $0xFFFFC000  }
0xc1: {  	[tilespmem:s12], [sflag:$0x2] =	stream.indirect.gather [hbm4b:s14+s9], $0x80, s21, s9, $0xb8;
	[tilespmem:$0x18000] =	vst v63  }
0xc2: {  	_ =	swait.ge [sflag:s13], $0x4000  }
0xc3: {  	[sflag:s13] =	ssyncset.done $0x0  }
0xc4: {  	s22 =	simm.s32 $0x4F00;
	[sflag:s13] =	ssyncadd.s32 $0xFFFFC000  }
0xc5: {  	[spmem:s1] =	stream.indirect.scatter.add.f32 [tilespmem:s10], [sflag:$0x3], $0x80, s22, s9, $0xb8;
	[tilespmem:$0x18000] =	vst v63  }
0xc6: {  	_ =	swait.ge [sflag:s8], $0x4000  }
0xc7: {  	[sflag:s8] =	ssyncset.done $0x0  }
0xc8: {  	[sflag:s8] =	ssyncadd.s32 $0xFFFFC000  }
0xc9: {  	_ =	swait.ge [sflag:s16], $0x4000  }
0xca: {  	[sflag:s16] =	ssyncset.done $0x0  }
0xcb: {  	s19 =	simm.s32 $0x4F80;
	[sflag:s16] =	ssyncadd.s32 $0xFFFFC000  }
0xcc: {  	[spmem:s1] =	stream.indirect.scatter.add.f32 [tilespmem:s12], [sflag:$0x3], $0x80, s19, s9, $0xb8;
	[tilespmem:$0x18000] =	vst v63  }
0xcd: {  	_ =	swait.ge [sflag:s8], $0x4000  }
0xce: {  	[sflag:s8] =	ssyncset.done $0x0  }
0xcf: {  	[sflag:s8] =	ssyncadd.s32 $0xFFFFC000  }
0xd0: {  	[bflag:$0x0] =	sbarrier.arrive $0xFFFF  }
0xd1: {  	[tilespmem:s7], [sflag:$0x3] =	stream.linear.gather [spmem:s15], $0x1000, $0x38;
	[tilespmem:$0x18000] =	vst v63  }
0xd2: {  	_ =	swait.ge [sflag:s8], $0x1000  }
0xd3: {  	[sflag:s8] =	ssyncset.done $0x0  }
0xd4: {  	s20 =	rddreg [dreg:$0x3];
	[sflag:s8] =	ssyncadd.s32 $0xFFFFF000  }
0xd5: {  	[hbm4b:s20+s2] =	stream.linear.scatter [tilespmem:s7], [sflag:$0x3], $0x1000, $0x38;
	[tilespmem:$0x18000] =	vst v63  }
0xd6: {  	_ =	swait.ge [sflag:s8], $0x1000  }
0xd7: {  	[sflag:s8] =	ssyncset.done $0x0  }
0xd8: {  	s21 =	rddreg [dreg:$0x10];
	[sflag:s8] =	ssyncadd.s32 $0xFFFFF000  }
0xd9: {  	[tilespmem:s7], [sflag:$0x3] =	stream.linear.gather [spmem:s21], $0x1000, $0x38;
	[tilespmem:$0x18000] =	vst v63  }
0xda: {  	_ =	swait.ge [sflag:s8], $0x1000  }
0xdb: {  	[sflag:s8] =	ssyncset.done $0x0  }
0xdc: {  	s22 =	rddreg [dreg:$0x4];
	[sflag:s8] =	ssyncadd.s32 $0xFFFFF000  }
0xdd: {  	[hbm4b:s22+s2] =	stream.linear.scatter [tilespmem:s7], [sflag:$0x3], $0x1000, $0x38;
	[tilespmem:$0x18000] =	vst v63  }
0xde: {  	_ =	swait.ge [sflag:s8], $0x1000  }
0xdf: {  	[sflag:s8] =	ssyncset.done $0x0  }
0xe0: {  	s19 =	rddreg [dreg:$0x11];
	[sflag:s8] =	ssyncadd.s32 $0xFFFFF000  }
0xe1: {  	[tilespmem:s7], [sflag:$0x3] =	stream.linear.gather [spmem:s19], $0x1000, $0x38;
	[tilespmem:$0x18000] =	vst v63  }
0xe2: {  	_ =	swait.ge [sflag:s8], $0x1000  }
0xe3: {  	[sflag:s8] =	ssyncset.done $0x0  }
0xe4: {  	s20 =	rddreg [dreg:$0x5];
	[sflag:s8] =	ssyncadd.s32 $0xFFFFF000  }
0xe5: {  	[hbm4b:s20+s2] =	stream.linear.scatter [tilespmem:s7], [sflag:$0x3], $0x1000, $0x38;
	[tilespmem:$0x18000] =	vst v63  }
0xe6: {  	_ =	swait.ge [sflag:s8], $0x1000  }
0xe7: {  	[sflag:s8] =	ssyncset.done $0x0  }
0xe8: {  	s21 =	rddreg [dreg:$0x12];
	[sflag:s8] =	ssyncadd.s32 $0xFFFFF000  }
0xe9: {  	[tilespmem:s7], [sflag:$0x3] =	stream.linear.gather [spmem:s21], $0x1000, $0x38;
	[tilespmem:$0x18000] =	vst v63  }
0xea: {  	_ =	swait.ge [sflag:s8], $0x1000  }
0xeb: {  	[sflag:s8] =	ssyncset.done $0x0  }
0xec: {  	s22 =	rddreg [dreg:$0x6];
	[sflag:s8] =	ssyncadd.s32 $0xFFFFF000  }
0xed: {  	[hbm4b:s22+s2] =	stream.linear.scatter [tilespmem:s7], [sflag:$0x3], $0x1000, $0x38;
	[tilespmem:$0x18000] =	vst v63  }
0xee: {  	_ =	swait.ge [sflag:s8], $0x1000  }
0xef: {  	[sflag:s8] =	ssyncset.done $0x0  }
0xf0: {  	s19 =	rddreg [dreg:$0x13];
	[sflag:s8] =	ssyncadd.s32 $0xFFFFF000  }
0xf1: {  	[tilespmem:s7], [sflag:$0x3] =	stream.linear.gather [spmem:s19], $0x1000, $0x38;
	[tilespmem:$0x18000] =	vst v63  }
0xf2: {  	_ =	swait.ge [sflag:s8], $0x1000  }
0xf3: {  	[sflag:s8] =	ssyncset.done $0x0  }
0xf4: {  	s20 =	rddreg [dreg:$0x7];
	[sflag:s8] =	ssyncadd.s32 $0xFFFFF000  }
0xf5: {  	[hbm4b:s20+s2] =	stream.linear.scatter [tilespmem:s7], [sflag:$0x3], $0x1000, $0x38;
	[tilespmem:$0x18000] =	vst v63  }
0xf6: {  	_ =	swait.ge [sflag:s8], $0x1000  }
0xf7: {  	[sflag:s8] =	ssyncset.done $0x0  }
0xf8: {  	[sflag:s8] =	ssyncadd.s32 $0xFFFFF000  }
0xf9: {  	[tilespmem:s7], [sflag:$0x3] =	stream.linear.gather [spmem:s23], $0x1000, $0x38;
	[tilespmem:$0x18000] =	vst v63  }
0xfa: {  	_ =	swait.ge [sflag:s8], $0x1000  }
0xfb: {  	[sflag:s8] =	ssyncset.done $0x0  }
0xfc: {  	s21 =	rddreg [dreg:$0x8];
	[sflag:s8] =	ssyncadd.s32 $0xFFFFF000  }
0xfd: {  	[hbm4b:s21+s2] =	stream.linear.scatter [tilespmem:s7], [sflag:$0x3], $0x1000, $0x38;
	[tilespmem:$0x18000] =	vst v63  }
0xfe: {  	_ =	swait.ge [sflag:s8], $0x1000  }
0xff: {  	[sflag:s8] =	ssyncset.done $0x0  }
0x100: {  	[sflag:s8] =	ssyncadd.s32 $0xFFFFF000  }
0x101: {  	[tilespmem:s7], [sflag:$0x3] =	stream.linear.gather [spmem:s24], $0x1000, $0x38;
	[tilespmem:$0x18000] =	vst v63  }
0x102: {  	_ =	swait.ge [sflag:s8], $0x1000  }
0x103: {  	[sflag:s8] =	ssyncset.done $0x0  }
0x104: {  	s22 =	rddreg [dreg:$0x9];
	[sflag:s8] =	ssyncadd.s32 $0xFFFFF000  }
0x105: {  	[hbm4b:s22+s2] =	stream.linear.scatter [tilespmem:s7], [sflag:$0x3], $0x1000, $0x38;
	[tilespmem:$0x18000] =	vst v63  }
0x106: {  	_ =	swait.ge [sflag:s8], $0x1000  }
0x107: {  	[sflag:s8] =	ssyncset.done $0x0  }
0x108: {  	[sflag:s8] =	ssyncadd.s32 $0xFFFFF000  }
0x109: {  	[tilespmem:s7], [sflag:$0x3] =	stream.linear.gather [spmem:s25], $0x1000, $0x38;
	[tilespmem:$0x18000] =	vst v63  }
0x10a: {  	_ =	swait.ge [sflag:s8], $0x1000  }
0x10b: {  	[sflag:s8] =	ssyncset.done $0x0  }
0x10c: {  	s19 =	rddreg [dreg:$0xa];
	[sflag:s8] =	ssyncadd.s32 $0xFFFFF000  }
0x10d: {  	[hbm4b:s19+s2] =	stream.linear.scatter [tilespmem:s7], [sflag:$0x3], $0x1000, $0x38;
	[tilespmem:$0x18000] =	vst v63  }
0x10e: {  	_ =	swait.ge [sflag:s8], $0x1000  }
0x10f: {  	[sflag:s8] =	ssyncset.done $0x0  }
0x110: {  	[sflag:s8] =	ssyncadd.s32 $0xFFFFF000  }
0x111: {  	[tilespmem:s7], [sflag:$0x3] =	stream.linear.gather [spmem:s26], $0x1000, $0x38;
	[tilespmem:$0x18000] =	vst v63  }
0x112: {  	_ =	swait.ge [sflag:s8], $0x1000  }
0x113: {  	[sflag:s8] =	ssyncset.done $0x0  }
0x114: {  	s20 =	rddreg [dreg:$0xb];
	[sflag:s8] =	ssyncadd.s32 $0xFFFFF000  }
0x115: {  	[hbm4b:s20+s2] =	stream.linear.scatter [tilespmem:s7], [sflag:$0x3], $0x1000, $0x38;
	[tilespmem:$0x18000] =	vst v63  }
0x116: {  	_ =	swait.ge [sflag:s8], $0x1000  }
0x117: {  	[sflag:s8] =	ssyncset.done $0x0  }
0x118: {  	[sflag:s8] =	ssyncadd.s32 $0xFFFFF000  }
0x119: {  	[tilespmem:s7], [sflag:$0x3] =	stream.linear.gather [spmem:s28], $0x1000, $0x38;
	[tilespmem:$0x18000] =	vst v63  }
0x11a: {  	_ =	swait.ge [sflag:s8], $0x1000  }
0x11b: {  	[sflag:s8] =	ssyncset.done $0x0  }
0x11c: {  	s21 =	rddreg [dreg:$0xc];
	[sflag:s8] =	ssyncadd.s32 $0xFFFFF000  }
0x11d: {  	[hbm4b:s21+s2] =	stream.linear.scatter [tilespmem:s7], [sflag:$0x3], $0x1000, $0x38;
	[tilespmem:$0x18000] =	vst v63  }
0x11e: {  	_ =	swait.ge [sflag:s8], $0x1000  }
0x11f: {  	s17 =	sadd.s32 $0x1, s17;
	s22 =	rddreg [dreg:$0xf]  }
0x120: {  	p0 =	sne.s32 s17, s22  }
.Ltmp3:
0x121: {  	_ = 	snop;
	(pc) =	sbr.rel @p0 .LBB2_1-.Ltmp3, $3  }
0x122: {  	_ =	sdelay $0x1  }
0x123: {  	[sflag:s8] =	ssyncset.done $0x0  }
0x124: {  	[sflag:s8] =	ssyncadd.s32 $0xFFFFF000  }
0x125: {  	_ =	sfence.sel $0x180000  }
0x126: {  	[bflag:$0x0] =	sbarrier.arrive $0xFFFF  }
0x127: {  	_ =	strace $0x9000004A  }
0x128: {  	s0 =	stileid.u32;
	[bflag:$0x2] =	sbarrier.arrive $0xFFFF  }
0x129: {  	p0 =	sne.s32 s0, $0x0;
	s0 =	rddreg [dreg:$0x2]  }
0x12a: {  	s0 =	sadd.s32 @!p0 $0x100000, s0  }
0x12b: {  	[sflag:s0] =	ssyncadd.tile.s32 @!p0 $0x1;
	_ =	shalt  }
.Lfunc_end2:
_tile_overlayer_lowered:
.L_overlay_start_2:
0x12c: {  	(tag) =	ssettag $0x2  }
0x12d: {  	s0 =	rddreg [dreg:$0x0];
	s2 =	stileid.u32  }
0x12e: {  	s1 =	rddreg [dreg:$0x1];
	p0 =	sne.s32 s2, $0x0  }
0x12f: {  	s3 =	rddreg [dreg:$0x2];
	[bflag:$0x3] =	sbarrier.arrive $0xFFFF;
	s2 =	simm.s32 @!p0 $0x1C03  }
0x130: {  	[timem:s3], [sflag:s2] =	dma.local @!p0 [hbm:s0], s1  }
0x131: {  	s0 =	simm.s32 @!p0 $0x3  }
0x132: {  	_ =	swait.ge @!p0 [sflag:s0], s1  }
0x133: {  	s1 =	ssub.s32 @!p0 $0x0, s1;
	[sflag:s0] =	ssyncset.done @!p0 $0x0  }
0x134: {  	[sflag:s0] =	ssyncadd.s32 @!p0 s1  }
0x135: {  	[bflag:$0x3] =	sbarrier.arrive $0xFFFF  }
0x136: {  	_ =	shalt  }

// kernel: kernel.15.cloned.1.call-start
scs
__scs_entry_jumppad:
0x0: {  	(pc) =	sbr.rel $0x88, $3  }
0x1: {  	(tag) =	ssettag $0x0;
	lr =	simm.s32 $0x1  }
0x2: {  	[smem:$0x3F8F] =	sst lr;
	_ =	strace $0xD0000000  }
0x3: {  	_ = 	snop  }
0x4: {  	_ = 	snop  }
0x5: {  	_ = 	snop  }
0x6: {  	_ = 	snop  }
0x7: {  	_ = 	snop  }
__scs_overlays_trampoline_lowered:
0x8: {  	[smem:$0x3F9E] =	sst s0  }
0x9: {  	[smem:$0x3F9F] =	sst s1  }
0xa: {  	[smem:$0x3FA0] =	sst s2  }
0xb: {  	[smem:$0x3FA1] =	sst s3  }
0xc: {  	[smem:$0x3FA2] =	sst s4  }
0xd: {  	[smem:$0x3FA3] =	sst s5  }
0xe: {  	[smem:$0x3FA4] =	sst s6  }
0xf: {  	[smem:$0x3FA5] =	sst s7  }
0x10: {  	[smem:$0x3FA6] =	sst s8  }
0x11: {  	[smem:$0x3FA7] =	sst s9;
	s0 =	simm.s32 @!p0 $0x0  }
0x12: {  	s1 =	sld [smem:$0x3F8D];
	s0 =	simm.s32 @p0 $0x1  }
0x13: {  	[smem:$0x3FA8] =	sst s0;
	s0 =	simm.s32 @!p1 $0x0  }
0x14: {  	s2 =	sld [smem:$0x3F8C];
	s0 =	simm.s32 @p1 $0x1  }
0x15: {  	[smem:$0x3FA9] =	sst s0;
	s0 =	simm.s32 @!p2 $0x0  }
0x16: {  	s3 =	sld [smem:$0x3FDB];
	s0 =	simm.s32 @p2 $0x1  }
0x17: {  	s4 =	simm.s32 $0x1BF5;
	[smem:$0x3FAB] =	sst s0  }
0x18: {  	s0 =	sld [smem:$0x3F8E];
	_ =	swait.ge [sflag:s4], $0x0  }
0x19: {  	s7 =	sld [smem:$0x3F8F]  }
0x1a: {  	s8 =	sadd.s32 $0xFFFFE003, lr  }
0x1b: {  	s9 =	sadd.s32 $0xFFFFFEF7, lr;
	s5 =	simm.s32 $0xFFFFFFFF;
	p2 =	slt.u32 s8, $0xFFFFF086  }
0x1c: {  	p1 =	slt.u32 s9, $0xF7A;
	s5 =	simm.s32 @!p2 $0x0  }
0x1d: {  	s5 =	simm.s32 @p1 $0x1;
	p0 =	seq.s32 s7, s2  }
0x1e: {  	s7 =	smul.u32 @!p0 $0xF7A, s2;
	p2 =	seq.s32 @!p0 s5, $0x0  }
0x1f: {  	s9 =	smul.u32 $0xF7A, s1;
	s8 =	simm.s32 @!p0 $0x1BF5;
	p2 =	por !p2, p0  }
0x20: {  	[sflag:s8] =	ssyncset.s32 @!p0 $0xFFFFF086;
	s6 =	sadd.s32 @!p0 s3, s7;
	s7 =	simm.s32 @!p0 $0x108  }
0x21: {  	s3 =	sadd.s32 s3, s9;
	s6 =	sadd.s32 @!p0 $0x88, s6;
	s7 =	simm.s32 @p2 $0x1082  }
0x22: {  	[simem:s7], [sflag:s8] =	dma.local @!p0 [hbm:s6], $0xF7A  }
0x23: {  	s9 =	sor.u32 $0xD0000000, s2;
	s6 =	simm.s32 $0x108;
	_ =	swait.ge @!p0 [sflag:s8], $0x0  }
0x24: {  	s3 =	sadd.s32 $0x88, s3;
	s6 =	simm.s32 @!p1 $0x1082;
	[sflag:s4] =	ssyncset.s32 $0xFFFFF086  }
0x25: {  	[simem:s6], [sflag:s4] =	dma.local [hbm:s3], $0xF7A  }
0x26: {  	[smem:$0x3F8F] =	sst s1;
	(tag) =	ssettag s2;
	_ =	strace s9  }
0x27: {  	s1 =	sld [smem:$0x3F9F]  }
0x28: {  	s2 =	sld [smem:$0x3FA0]  }
0x29: {  	s4 =	sld [smem:$0x3FA2]  }
0x2a: {  	p0 =	seq.s32 s5, $0x0;
	s5 =	sld [smem:$0x3FA3]  }
0x2b: {  	s6 =	sld [smem:$0x3FA4]  }
0x2c: {  	s7 =	sld [smem:$0x3FA5]  }
0x2d: {  	s3 =	simm.s32 $0x108;
	s8 =	sld [smem:$0x3FA6]  }
0x2e: {  	s3 =	simm.s32 @!p0 $0x1082;
	s9 =	sld [smem:$0x3FA7]  }
0x2f: {  	lr =	sadd.s32 s0, s3;
	s0 =	sld [smem:$0x3F9E]  }
0x30: {  	s3 =	sld [smem:$0x3FA1]  }
0x31: {  	[smem:$0x3FAA] =	sst s10  }
0x32: {  	s10 =	sld [smem:$0x3FA8];
	_ =	sdelay $0x3  }
0x33: {  	p0 =	seq.s32 s10, $0x1;
	s10 =	sld [smem:$0x3FAA];
	_ =	sdelay $0x3  }
0x34: {  	[smem:$0x3FAA] =	sst s10  }
0x35: {  	s10 =	sld [smem:$0x3FA9];
	_ =	sdelay $0x3  }
0x36: {  	p1 =	seq.s32 s10, $0x1;
	s10 =	sld [smem:$0x3FAA];
	_ =	sdelay $0x3  }
0x37: {  	[smem:$0x3FAA] =	sst s10  }
0x38: {  	s10 =	sld [smem:$0x3FAB]  }
0x39: {  	_ = 	snop;
	(pc) =	sbr.ind lr, $3  }
0x3a: {  	_ = 	snop  }
0x3b: {  	_ = 	snop  }
0x3c: {  	p2 =	seq.s32 s10, $0x1;
	s10 =	sld [smem:$0x3FAA]  }
0x3d: {  	_ =	shalt  }
0x3e: {  	_ =	shalt  }
0x3f: {  	_ =	shalt  }
0x40: {  	_ =	shalt  }
0x41: {  	_ =	shalt  }
0x42: {  	_ =	shalt  }
0x43: {  	_ =	shalt  }
0x44: {  	_ =	shalt  }
0x45: {  	_ =	shalt  }
0x46: {  	_ =	shalt  }
0x47: {  	_ =	shalt  }
0x48: {  	_ =	shalt  }
0x49: {  	_ =	shalt  }
0x4a: {  	_ =	shalt  }
0x4b: {  	_ =	shalt  }
0x4c: {  	_ =	shalt  }
0x4d: {  	_ =	shalt  }
0x4e: {  	_ =	shalt  }
0x4f: {  	_ =	shalt  }
0x50: {  	_ =	shalt  }
0x51: {  	_ =	shalt  }
0x52: {  	_ =	shalt  }
0x53: {  	_ =	shalt  }
0x54: {  	_ =	shalt  }
0x55: {  	_ =	shalt  }
0x56: {  	_ =	shalt  }
0x57: {  	_ =	shalt  }
0x58: {  	_ =	shalt  }
0x59: {  	_ =	shalt  }
0x5a: {  	_ =	shalt  }
0x5b: {  	_ =	shalt  }
0x5c: {  	_ =	shalt  }
0x5d: {  	_ =	shalt  }
0x5e: {  	_ =	shalt  }
0x5f: {  	_ =	shalt  }
0x60: {  	_ =	shalt  }
0x61: {  	_ =	shalt  }
0x62: {  	_ =	shalt  }
0x63: {  	_ =	shalt  }
0x64: {  	_ =	shalt  }
0x65: {  	_ =	shalt  }
0x66: {  	_ =	shalt  }
0x67: {  	_ =	shalt  }
0x68: {  	_ =	shalt  }
0x69: {  	_ =	shalt  }
0x6a: {  	_ =	shalt  }
0x6b: {  	_ =	shalt  }
0x6c: {  	_ =	shalt  }
0x6d: {  	_ =	shalt  }
0x6e: {  	_ =	shalt  }
0x6f: {  	_ =	shalt  }
0x70: {  	_ =	shalt  }
0x71: {  	_ =	shalt  }
0x72: {  	_ =	shalt  }
0x73: {  	_ =	shalt  }
0x74: {  	_ =	shalt  }
0x75: {  	_ =	shalt  }
0x76: {  	_ =	shalt  }
0x77: {  	_ =	shalt  }
0x78: {  	_ =	shalt  }
0x79: {  	_ =	shalt  }
0x7a: {  	_ =	shalt  }
0x7b: {  	_ =	shalt  }
0x7c: {  	_ =	shalt  }
0x7d: {  	_ =	shalt  }
0x7e: {  	_ =	shalt  }
0x7f: {  	_ =	shalt  }
0x80: {  	_ =	shalt  }
0x81: {  	_ =	shalt  }
0x82: {  	_ =	shalt  }
0x83: {  	_ =	shalt  }
0x84: {  	_ =	shalt  }
0x85: {  	_ =	shalt  }
0x86: {  	_ =	shalt  }
0x87: {  	_ =	shalt  }
.Lfunc_end0:
.L_simem_size_0:
called_computation.2_lowered:
.L_overlay_start_0:
0x88: {  	s2 =	sld [smem:$0x3FD9]  }
0x89: {  	s3 =	sld [smem:$0x3FFE];
	_ =	sdelay $0x1  }
0x8a: {  	s1 =	srdreg.scid  }
0x8b: {  	s0 =	sand.u32 $0x1, s1  }
0x8c: {  	s16 =	sshll.u32 s0, $0xA;
	s2 =	sadd.s32 s3, s2  }
0x8d: {  	s2 =	sadd.s32 s2, s16  }
0x8e: {  	[smem:$0x3FB6] =	sst s2  }
0x8f: {  	_ = 	snop  }
0x90: {  	(tm) =	ssettm $0x1  }
0x91: {  	s17 =	sld [smem:$0x3FFB];
	_ =	sdelay $0x3  }
0x92: {  	_ =	strace s17  }
0x93: {  	s2 =	sld [smem:$0x3FFC];
	_ =	sdelay $0x3  }
0x94: {  	_ =	strace s2  }
0x95: {  	s2 =	sld [smem:$0x3FFD];
	_ =	sdelay $0x3  }
0x96: {  	_ =	strace s2  }
0x97: {  	_ =	strace $0x8FFFFFFF  }
0x98: {  	s18 =	sld [smem:$0x3FDB];
	_ =	sdelay $0x1  }
0x99: {  	s19 =	simm.s32 $_scs_section_size  }
0x9a: {  	s4 =	simm.s32 $_size__tile_overlayer_lowered;
	s5 =	simm.s32 $_tile_overlayer_lowered  }
0x9b: {  	s22 =	simm.s32 $0x1BFF;
	s21 =	sshll.u32 s5, $0x1;
	s2 =	sadd.s32 s19, s18  }
0x9c: {  	s6 =	simm.s32 $0x0;
	s20 =	sshll.u32 s4, $0x1;
	s4 =	sadd.s32 s21, s2  }
0x9d: {  	[timem:s6], [sflag:s22] =	dma.local [hbm:s4], s20  }
0x9e: {  	_ =	swait.ge [sflag:s22], s20  }
0x9f: {  	s3 =	ssub.s32 $0x0, s20;
	[sflag:s22] =	ssyncset.done $0x0  }
0xa0: {  	[sflag:s22] =	ssyncadd.s32 s3;
	_ =	sdelay $0x1  }
0xa1: {  	s23 =	simm.s32 $0x1B8B  }
0xa2: {  	_ =	swait.ge [sflag:s23], $0x1  }
0xa3: {  	[sflag:s23] =	ssyncset.done $0x0  }
0xa4: {  	s25 =	simm.s32 $0x1B8E;
	s24 =	sld [smem:$0x3FFE];
	[sflag:s23] =	ssyncadd.s32 $0xFFFFFFFF  }
0xa5: {  	s26 =	simm.s32 $execute0_lowered;
	[smem:$0x3FD2] =	sst s25  }
0xa6: {  	s4 =	sshll.u32 s26, $0x1;
	_ =	strace $0x8000004C;
	[dreg:$0x1] =	wrdreg $0xFFFFFFFF  }
0xa7: {  	s28 =	simm.s32 $_size_execute0_lowered;
	s2 =	sadd.s32 s2, s4;
	[dreg:$0x0] =	wrdreg $0x0  }
0xa8: {  	s4 =	sshll.u32 s28, $0x1;
	[dreg:$0x2] =	wrdreg s2  }
0xa9: {  	[dreg:$0x3] =	wrdreg s4  }
0xaa: {  	[dreg:$0x4] =	wrdreg $0xC0  }
0xab: {  	_ =	task [dreg:s6], $0x5FFFF  }
0xac: {  	[dreg:$0x1] =	wrdreg $0xFFFFFFFF  }
0xad: {  	[dreg:$0x0] =	wrdreg $0x60  }
0xae: {  	[dreg:$0x2] =	wrdreg s24  }
0xaf: {  	[dreg:$0x3] =	wrdreg $0xE0000  }
0xb0: {  	[dreg:$0x4] =	wrdreg $0x9  }
0xb1: {  	_ =	task.clear_ibuf [dreg:s6], $0x5FFFF;
	_ =	strace $0x9000004C  }
0xb2: {  	s29 =	simm.s32 $0x9;
	_ =	strace $0x8000004E  }
0xb3: {  	_ =	swait.ge [sflag:s29], $0x1  }
0xb4: {  	[sflag:s29] =	ssyncadd.s32 $0xFFFFFFFF  }
0xb5: {  	_ =	strace $0x9000004E  }
0xb6: {  	_ =	sfence  }
0xb7: {  	s30 =	sld [smem:$0x0];
	_ =	sdelay $0x2  }
0xb8: {  	s31 =	sshll.u32 s1, $0xD;
	s1 =	sshrl.u32 s1, $0x2  }
0xb9: {  	s3 =	sand.u32 $0x4000, s31;
	s1 =	sadd.s32 s1, s30  }
0xba: {  	s0 =	sor.u32 s3, s0;
	s1 =	sshll.u32 s1, $0x11  }
0xbb: {  	s0 =	sor.u32 s1, s0  }
0xbc: {  	s0 =	sadd.s32 $0x8F2B, s0  }
0xbd: {  	[sflag:s0] =	ssyncadd.remote.s32 $0x1  }
0xbe: {  	_ =	sfence.sel $0xFFFF  }
0xbf: {  	[dreg:$0x0] =	wrdreg $0xFFFFFFFF;
	(pc) =	sbr.abs _section_cstart, $3  }
0xc0: {  	[dreg:$0x1] =	wrdreg $0xFFFFFFFF  }
0xc1: {  	_ =	task.clear_ibuf [dreg:s6], $0x2FFFF;
	_ =	strace $0x9FFFFFFF  }
0xc2: {  	(tm) =	ssettm $0x7FFFFFFF  }
0xc3: {  	_ =	shalt  }
tec
execute0_lowered:
.L_overlay_start_1:
0x0: {  	(tag) =	ssettag $0x1  }
0x1: {  	s0 =	rddreg [dreg:$0x0];
	s1 =	srdreg.scid  }
0x2: {  	s9 =	stileid.u32;
	s2 =	rddreg [dreg:$0x1];
	s3 =	simm.s32 $0x0  }
0x3: {  	s22 =	simm.s32 $0xD000;
	s23 =	simm.s32 $0x3;
	s28 =	simm.s32 $0x9000  }
0x4: {  	s29 =	simm.s32 $0x1;
	s1 =	sand.u32 $0x1, s1;
	s6 =	smul.u32 $0x14000, s9  }
0x5: {  	s4 =	sshll.u32 s9, $0x1;
	[smem:$0x7FF] =	sst s3;
	s17 =	smul.u32 $0x5000, s9  }
0x6: {  	s4 =	sor.u32 s1, s4;
	s24 =	ssub.s32 $0x2, s1;
	s1 =	smul.u32 $0x50000, s1  }
0x7: {  	s30 =	simm.s32 $0x2;
	_ =	strace $0x8000004D;
	s5 =	smul.u32 $0x500, s4  }
0x8: {  	s4 =	sadd.s32 $0x4E00, s0;
	s8 =	sshrl.u32 s24, $0x1;
	s6 =	sshrl.u32 s6, $0x2  }
0x9: {  	s14 =	sadd.s32 $0x1000, s17;
	s18 =	sadd.s32 $0x2000, s17;
	s19 =	sadd.s32 $0x3000, s17  }
0xa: {  	s20 =	sadd.s32 $0x4000, s17;
	s8 =	ssub.s32 s24, s8;
	s12 =	sadd.s32 s1, s17  }
0xb: {  	s15 =	sadd.s32 s1, s14;
	s14 =	sadd.s32 s14, s2;
	s16 =	sadd.s32 s18, s2  }
0xc: {  	s18 =	sadd.s32 s1, s18;
	s21 =	sadd.s32 s1, s19;
	s1 =	sadd.s32 s1, s20  }
0xd: {  	s20 =	sadd.s32 s20, s2;
	s24 =	simm.s32 $0x0;
	s7 =	sadd.s32 s5, s0  }
0xe: {  	s0 =	sadd.s32 $0xEE00, s0;
	s5 =	sadd.s32 s6, s2;
	s8 =	smax.u32 s8, $0x1  }
0xf: {  	s13 =	sshrl.u32 s12, $0x3;
	s15 =	sshrl.u32 s15, $0x3;
	s18 =	sshrl.u32 s18, $0x3  }
0x10: {  	s31 =	sshrl.u32 s21, $0x3;
	s1 =	sshrl.u32 s1, $0x3;
	s25 =	sadd.s32 $0x2CE00, s7  }
0x11: {  	s26 =	sadd.s32 $0x36E00, s7;
	s9 =	sadd.s32 $0x1000, s5;
	s10 =	sadd.s32 $0x2000, s5  }
0x12: {  	s11 =	sadd.s32 $0x3000, s5;
	s12 =	sadd.s32 $0x4000, s5;
	s13 =	sadd.s32 s0, s13  }
0x13: {  	s15 =	sadd.s32 s0, s15;
	s17 =	sadd.s32 s0, s18;
	s18 =	sadd.s32 s19, s2  }
0x14: {  	s19 =	sadd.s32 s0, s31;
	s21 =	sadd.s32 s0, s1;
	[dreg:$0x3] =	wrdreg s25  }
0x15: {  	v0 =	vimm.f32 $0.0e+00;
	[dreg:$0x4] =	wrdreg s26;
	s25 =	simm.s32 $0x80;
	s26 =	simm.s32 $0x5000  }
.LBB2_1:
0x16: {  	s1 =	simm.s32 $0x0;
	s31 =	simm.s32 $0x200  }
.LBB2_2:
0x17: {  	p0 =	sne.s32 s31, $0x3E00;
	[tilespmem:s1+$0xD070] =	vst v0  }
0x18: {  	[tilespmem:s1+$0xD000] =	vst v0  }
0x19: {  	[tilespmem:s1+$0xD010] =	vst v0  }
.Ltmp0:
0x1a: {  	[tilespmem:s1+$0xD020] =	vst v0;
	(pc) =	sbr.rel @p0 .LBB2_2-.Ltmp0, $4  }
0x1b: {  	[tilespmem:s1+$0xD030] =	vst v0  }
0x1c: {  	[tilespmem:s1+$0xD040] =	vst v0  }
0x1d: {  	[tilespmem:s1+$0xD050] =	vst v0  }
0x1e: {  	[tilespmem:s1+$0xD060] =	vst v0;
	s1 =	sshra.s32 s31, $0x2;
	s31 =	sadd.s32 $0x200, s31  }
0x1f: {  	[tilespmem:s1+$0xD070] =	vst v0  }
0x20: {  	[tilespmem:s1+$0xD000] =	vst v0  }
0x21: {  	[tilespmem:s1+$0xD010] =	vst v0  }
0x22: {  	[tilespmem:s1+$0xD020] =	vst v0  }
0x23: {  	[tilespmem:s1+$0xD030] =	vst v0  }
0x24: {  	[tilespmem:s1+$0xD040] =	vst v0  }
0x25: {  	[tilespmem:s1+$0xD050] =	vst v0  }
0x26: {  	[tilespmem:s1+$0xD060] =	vst v0  }
0x27: {  	[spmem:s5] =	stream.linear.scatter [tilespmem:s22], [sflag:$0x3], $0x1000, $0x38;
	[tilespmem:$0x13000] =	vst v63  }
0x28: {  	_ =	swait.ge [sflag:s23], $0x1000  }
0x29: {  	[sflag:s23] =	ssyncset.done $0x0  }
0x2a: {  	[sflag:s23] =	ssyncadd.s32 $0xFFFFF000  }
0x2b: {  	[spmem:s9] =	stream.linear.scatter [tilespmem:s22], [sflag:$0x3], $0x1000, $0x38;
	[tilespmem:$0x13000] =	vst v63  }
0x2c: {  	_ =	swait.ge [sflag:s23], $0x1000  }
0x2d: {  	[sflag:s23] =	ssyncset.done $0x0  }
0x2e: {  	[sflag:s23] =	ssyncadd.s32 $0xFFFFF000  }
0x2f: {  	[spmem:s10] =	stream.linear.scatter [tilespmem:s22], [sflag:$0x3], $0x1000, $0x38;
	[tilespmem:$0x13000] =	vst v63  }
0x30: {  	_ =	swait.ge [sflag:s23], $0x1000  }
0x31: {  	[sflag:s23] =	ssyncset.done $0x0  }
0x32: {  	[sflag:s23] =	ssyncadd.s32 $0xFFFFF000  }
0x33: {  	[spmem:s11] =	stream.linear.scatter [tilespmem:s22], [sflag:$0x3], $0x1000, $0x38;
	[tilespmem:$0x13000] =	vst v63  }
0x34: {  	_ =	swait.ge [sflag:s23], $0x1000  }
0x35: {  	[sflag:s23] =	ssyncset.done $0x0  }
0x36: {  	[sflag:s23] =	ssyncadd.s32 $0xFFFFF000  }
0x37: {  	[spmem:s12] =	stream.linear.scatter [tilespmem:s22], [sflag:$0x3], $0x1000, $0x38;
	[tilespmem:$0x13000] =	vst v63  }
0x38: {  	_ =	swait.ge [sflag:s23], $0x1000  }
0x39: {  	[sflag:s23] =	ssyncset.done $0x0  }
0x3a: {  	s1 =	simm.s32 $0x0;
	s0 =	rddreg [dreg:$0x3];
	[sflag:s23] =	ssyncadd.s32 $0xFFFFF000  }
0x3b: {  	[tilespmem:s1], [sflag:$0x3] =	stream.linear.gather [hbm4b:s0+s1], $0x2800, $0x38;
	[tilespmem:$0x13000] =	vst v63  }
0x3c: {  	_ =	swait.ge [sflag:s23], $0x2800  }
0x3d: {  	[sflag:s23] =	ssyncset.done $0x0  }
0x3e: {  	s6 =	simm.s32 $0x2800;
	s7 =	rddreg [dreg:$0x4];
	[sflag:s23] =	ssyncadd.s32 $0xFFFFD800  }
0x3f: {  	[tilespmem:s6], [sflag:$0x3] =	stream.linear.gather [hbm4b:s7+s1], $0x2800, $0x38;
	[tilespmem:$0x13000] =	vst v63  }
0x40: {  	_ =	swait.ge [sflag:s23], $0x2800  }
0x41: {  	[sflag:s23] =	ssyncset.done $0x0  }
0x42: {  	s31 =	simm.s32 $0x0;
	[sflag:s23] =	ssyncadd.s32 $0xFFFFD800  }
0x43: {  	v1 =	vld [tilespmem:s31+$0x0]  }
0x44: {  	v2 =	vld [tilespmem:s31+$0x2800]  }
0x45: {  	v3 =	vld [tilespmem:s31+$0x10]  }
0x46: {  	v4 =	vld [tilespmem:s31+$0x2810]  }
0x47: {  	v5 =	vld [tilespmem:s31+$0x20]  }
0x48: {  	v6 =	vld [tilespmem:s31+$0x2820];
	v1 =	vshrl.u32 v1, $0x2  }
0x49: {  	v7 =	vld [tilespmem:s31+$0x30];
	[tilespmem:s31+$0x0] =	vst v1;
	v1 =	vshrl.u32 v2, $0x2  }
0x4a: {  	[tilespmem:s31+$0x2800] =	vst v1;
	v1 =	vshrl.u32 v3, $0x2;
	v3 =	vld [tilespmem:s31+$0x2830]  }
0x4b: {  	[tilespmem:s31+$0x10] =	vst v1;
	v1 =	vshrl.u32 v4, $0x2;
	v4 =	vld [tilespmem:s31+$0x40]  }
0x4c: {  	[tilespmem:s31+$0x2810] =	vst v1;
	v1 =	vshrl.u32 v5, $0x2;
	v5 =	vld [tilespmem:s31+$0x2840]  }
0x4d: {  	v2 =	vld [tilespmem:s31+$0x50];
	[tilespmem:s31+$0x20] =	vst v1;
	v1 =	vshrl.u32 v6, $0x2  }
0x4e: {  	v6 =	vshrl.u32 v7, $0x2;
	[tilespmem:s31+$0x2820] =	vst v1;
	v1 =	vld [tilespmem:s31+$0x2850]  }
0x4f: {  	[tilespmem:s31+$0x30] =	vst v6;
	v6 =	vshrl.u32 v3, $0x2;
	v3 =	vld [tilespmem:s31+$0x60]  }
0x50: {  	[tilespmem:s31+$0x2830] =	vst v6;
	v6 =	vshrl.u32 v4, $0x2;
	v4 =	vld [tilespmem:s31+$0x2860]  }
0x51: {  	s1 =	simm.s32 $0x200;
	[tilespmem:s31+$0x40] =	vst v6;
	v6 =	vshrl.u32 v5, $0x2;
	v5 =	vld [tilespmem:s31+$0x70]  }
.LBB2_4:
0x52: {  	s0 =	sshra.s32 s1, $0x2;
	p0 =	sne.s32 s1, $0x9E00;
	[tilespmem:s31+$0x2840] =	vst v6;
	v2 =	vshrl.u32 v2, $0x2;
	v6 =	vld [tilespmem:s31+$0x2870]  }
0x53: {  	v7 =	vld [tilespmem:s0+$0x0];
	[tilespmem:s31+$0x50] =	vst v2;
	v1 =	vshrl.u32 v1, $0x2  }
0x54: {  	v2 =	vld [tilespmem:s0+$0x2800];
	[tilespmem:s31+$0x2850] =	vst v1;
	v1 =	vshrl.u32 v3, $0x2  }
0x55: {  	v3 =	vld [tilespmem:s0+$0x10];
	[tilespmem:s31+$0x60] =	vst v1;
	v1 =	vshrl.u32 v4, $0x2  }
0x56: {  	v4 =	vld [tilespmem:s0+$0x2810];
	[tilespmem:s31+$0x2860] =	vst v1;
	v1 =	vshrl.u32 v5, $0x2  }
0x57: {  	v5 =	vld [tilespmem:s0+$0x20];
	[tilespmem:s31+$0x70] =	vst v1;
	v1 =	vshrl.u32 v6, $0x2  }
0x58: {  	v6 =	vshrl.u32 v7, $0x2;
	v7 =	vld [tilespmem:s0+$0x2820];
	[tilespmem:s31+$0x2870] =	vst v1;
	s31 =	smov.u32 s0  }
0x59: {  	[tilespmem:s31+$0x0] =	vst v6;
	v1 =	vshrl.u32 v2, $0x2;
	v6 =	vld [tilespmem:s31+$0x30]  }
0x5a: {  	[tilespmem:s31+$0x2800] =	vst v1;
	v1 =	vshrl.u32 v3, $0x2;
	v3 =	vld [tilespmem:s31+$0x2830]  }
0x5b: {  	[tilespmem:s31+$0x10] =	vst v1;
	v1 =	vshrl.u32 v4, $0x2;
	v4 =	vld [tilespmem:s31+$0x40]  }
0x5c: {  	[tilespmem:s31+$0x2810] =	vst v1;
	v1 =	vshrl.u32 v5, $0x2;
	v5 =	vld [tilespmem:s31+$0x2840]  }
.Ltmp1:
0x5d: {  	[tilespmem:s31+$0x20] =	vst v1;
	v1 =	vshrl.u32 v7, $0x2;
	v2 =	vld [tilespmem:s31+$0x50];
	(pc) =	sbr.rel @p0 .LBB2_4-.Ltmp1, $4  }
0x5e: {  	[tilespmem:s31+$0x2820] =	vst v1;
	v6 =	vshrl.u32 v6, $0x2;
	v1 =	vld [tilespmem:s31+$0x2850]  }
0x5f: {  	[tilespmem:s31+$0x30] =	vst v6;
	v6 =	vshrl.u32 v3, $0x2;
	v3 =	vld [tilespmem:s31+$0x60]  }
0x60: {  	[tilespmem:s31+$0x2830] =	vst v6;
	v6 =	vshrl.u32 v4, $0x2;
	v4 =	vld [tilespmem:s31+$0x2860]  }
0x61: {  	s1 =	sadd.s32 $0x200, s1;
	[tilespmem:s31+$0x40] =	vst v6;
	v6 =	vshrl.u32 v5, $0x2;
	v5 =	vld [tilespmem:s31+$0x70]  }
0x62: {  	[tilespmem:s31+$0x2840] =	vst v6;
	v2 =	vshrl.u32 v2, $0x2;
	v63 =	vld [tilespmem:s31+$0x2870]  }
0x63: {  	[tilespmem:s31+$0x50] =	vst v2;
	v1 =	vshrl.u32 v1, $0x2  }
0x64: {  	[tilespmem:s31+$0x2850] =	vst v1;
	v1 =	vshrl.u32 v3, $0x2  }
0x65: {  	[tilespmem:s31+$0x60] =	vst v1;
	v1 =	vshrl.u32 v4, $0x2  }
0x66: {  	[tilespmem:s31+$0x2860] =	vst v1;
	v1 =	vshrl.u32 v5, $0x2  }
0x67: {  	[tilespmem:s31+$0x70] =	vst v1;
	v1 =	vshrl.u32 v63, $0x2  }
0x68: {  	[tilespmem:s31+$0x2870] =	vst v1  }
0x69: {  	s0 =	simm.s32 $0x0;
	[bflag:$0x0] =	sbarrier.arrive $0xFFFF  }
0x6a: {  	[tilespmem:s26], [sflag:$0x1] =	stream.indirect.gather [hbm4b:s4+s25], $0x80, s0, s25, $0xb8;
	[tilespmem:$0x13000] =	vst v63  }
0x6b: {  	s7 =	simm.s32 $0x80  }
0x6c: {  	[tilespmem:s28], [sflag:$0x2] =	stream.indirect.gather [hbm4b:s4+s25], $0x80, s7, s25, $0xb8;
	[tilespmem:$0x13000] =	vst v63  }
0x6d: {  	_ =	swait.ge [sflag:s29], $0x4000  }
0x6e: {  	[sflag:s29] =	ssyncset.done $0x0  }
0x6f: {  	s1 =	simm.s32 $0x2800;
	[sflag:s29] =	ssyncadd.s32 $0xFFFFC000  }
0x70: {  	[spmem:s2] =	stream.indirect.scatter.add.f32 [tilespmem:s26], [sflag:$0x3], $0x80, s1, s25, $0xb8;
	[tilespmem:$0x13000] =	vst v63  }
0x71: {  	_ =	swait.ge [sflag:s23], $0x4000  }
0x72: {  	[sflag:s23] =	ssyncset.done $0x0  }
0x73: {  	s6 =	simm.s32 $0x100;
	[sflag:s23] =	ssyncadd.s32 $0xFFFFC000  }
0x74: {  	[tilespmem:s26], [sflag:$0x1] =	stream.indirect.gather [hbm4b:s4+s25], $0x80, s6, s25, $0xb8;
	[tilespmem:$0x13000] =	vst v63  }
0x75: {  	_ =	swait.ge [sflag:s30], $0x4000  }
0x76: {  	[sflag:s30] =	ssyncset.done $0x0  }
0x77: {  	s7 =	simm.s32 $0x2880;
	[sflag:s30] =	ssyncadd.s32 $0xFFFFC000  }
0x78: {  	[spmem:s2] =	stream.indirect.scatter.add.f32 [tilespmem:s28], [sflag:$0x3], $0x80, s7, s25, $0xb8;
	[tilespmem:$0x13000] =	vst v63  }
0x79: {  	_ =	swait.ge [sflag:s23], $0x4000  }
0x7a: {  	s31 =	simm.s32 $0x800;
	s1 =	simm.s32 $0x100;
	[sflag:s23] =	ssyncset.done $0x0  }
.LBB2_6:
0x7b: {  	s0 =	sadd.s32 $0x80, s1  }
0x7c: {  	[sflag:s23] =	ssyncadd.s32 $0xFFFFC000;
	s6 =	smov.u32 s31;
	s7 =	sadd.s32 $0x400, s31  }
0x7d: {  	[tilespmem:s28], [sflag:$0x2] =	stream.indirect.gather [hbm4b:s4+s25], $0x80, s0, s25, $0xb8;
	[tilespmem:$0x13000] =	vst v63  }
0x7e: {  	p0 =	sne.s32 s31, $0x9800;
	_ =	swait.ge [sflag:s29], $0x4000  }
0x7f: {  	[sflag:s29] =	ssyncset.done $0x0  }
0x80: {  	s0 =	sadd.s32 $0x2800, s1;
	[sflag:s29] =	ssyncadd.s32 $0xFFFFC000  }
0x81: {  	[spmem:s2] =	stream.indirect.scatter.add.f32 [tilespmem:s26], [sflag:$0x3], $0x80, s0, s25, $0xb8;
	[tilespmem:$0x13000] =	vst v63  }
0x82: {  	_ =	swait.ge [sflag:s23], $0x4000  }
0x83: {  	[sflag:s23] =	ssyncset.done $0x0  }
0x84: {  	s0 =	sadd.s32 $0x100, s1;
	[sflag:s23] =	ssyncadd.s32 $0xFFFFC000  }
0x85: {  	[tilespmem:s26], [sflag:$0x1] =	stream.indirect.gather [hbm4b:s4+s25], $0x80, s0, s25, $0xb8;
	[tilespmem:$0x13000] =	vst v63  }
0x86: {  	_ =	swait.ge [sflag:s30], $0x4000  }
.Ltmp2:
0x87: {  	[sflag:s30] =	ssyncset.done $0x0;
	(pc) =	sbr.rel @p0 .LBB2_6-.Ltmp2, $4  }
0x88: {  	s0 =	sadd.s32 $0x2880, s1;
	[sflag:s30] =	ssyncadd.s32 $0xFFFFC000  }
0x89: {  	[spmem:s2] =	stream.indirect.scatter.add.f32 [tilespmem:s28], [sflag:$0x3], $0x80, s0, s25, $0xb8;
	[tilespmem:$0x13000] =	vst v63  }
0x8a: {  	_ =	swait.ge [sflag:s23], $0x4000  }
0x8b: {  	s31 =	smov.u32 s7;
	s1 =	sshra.s32 s6, $0x2;
	[sflag:s23] =	ssyncset.done $0x0  }
0x8c: {  	s0 =	sadd.s32 $0x80, s1;
	[sflag:s23] =	ssyncadd.s32 $0xFFFFC000  }
0x8d: {  	[tilespmem:s28], [sflag:$0x2] =	stream.indirect.gather [hbm4b:s4+s25], $0x80, s0, s25, $0xb8;
	[tilespmem:$0x13000] =	vst v63  }
0x8e: {  	_ =	swait.ge [sflag:s29], $0x4000  }
0x8f: {  	[sflag:s29] =	ssyncset.done $0x0  }
0x90: {  	s7 =	sadd.s32 $0x2800, s1;
	[sflag:s29] =	ssyncadd.s32 $0xFFFFC000  }
0x91: {  	[spmem:s2] =	stream.indirect.scatter.add.f32 [tilespmem:s26], [sflag:$0x3], $0x80, s7, s25, $0xb8;
	[tilespmem:$0x13000] =	vst v63  }
0x92: {  	_ =	swait.ge [sflag:s23], $0x4000  }
0x93: {  	[sflag:s23] =	ssyncset.done $0x0  }
0x94: {  	s31 =	sadd.s32 $0x100, s1;
	[sflag:s23] =	ssyncadd.s32 $0xFFFFC000  }
0x95: {  	[tilespmem:s26], [sflag:$0x1] =	stream.indirect.gather [hbm4b:s4+s25], $0x80, s31, s25, $0xb8;
	[tilespmem:$0x13000] =	vst v63  }
0x96: {  	_ =	swait.ge [sflag:s30], $0x4000  }
0x97: {  	[sflag:s30] =	ssyncset.done $0x0  }
0x98: {  	s1 =	sadd.s32 $0x2880, s1;
	[sflag:s30] =	ssyncadd.s32 $0xFFFFC000  }
0x99: {  	[spmem:s2] =	stream.indirect.scatter.add.f32 [tilespmem:s28], [sflag:$0x3], $0x80, s1, s25, $0xb8;
	[tilespmem:$0x13000] =	vst v63  }
0x9a: {  	_ =	swait.ge [sflag:s23], $0x4000  }
0x9b: {  	[sflag:s23] =	ssyncset.done $0x0  }
0x9c: {  	s6 =	simm.s32 $0x2780;
	[sflag:s23] =	ssyncadd.s32 $0xFFFFC000  }
0x9d: {  	[tilespmem:s28], [sflag:$0x2] =	stream.indirect.gather [hbm4b:s4+s25], $0x80, s6, s25, $0xb8;
	[tilespmem:$0x13000] =	vst v63  }
0x9e: {  	_ =	swait.ge [sflag:s29], $0x4000  }
0x9f: {  	[sflag:s29] =	ssyncset.done $0x0  }
0xa0: {  	s7 =	simm.s32 $0x4F00;
	[sflag:s29] =	ssyncadd.s32 $0xFFFFC000  }
0xa1: {  	[spmem:s2] =	stream.indirect.scatter.add.f32 [tilespmem:s26], [sflag:$0x3], $0x80, s7, s25, $0xb8;
	[tilespmem:$0x13000] =	vst v63  }
0xa2: {  	_ =	swait.ge [sflag:s23], $0x4000  }
0xa3: {  	[sflag:s23] =	ssyncset.done $0x0  }
0xa4: {  	[sflag:s23] =	ssyncadd.s32 $0xFFFFC000  }
0xa5: {  	_ =	swait.ge [sflag:s30], $0x4000  }
0xa6: {  	[sflag:s30] =	ssyncset.done $0x0  }
0xa7: {  	s31 =	simm.s32 $0x4F80;
	[sflag:s30] =	ssyncadd.s32 $0xFFFFC000  }
0xa8: {  	[spmem:s2] =	stream.indirect.scatter.add.f32 [tilespmem:s28], [sflag:$0x3], $0x80, s31, s25, $0xb8;
	[tilespmem:$0x13000] =	vst v63  }
0xa9: {  	_ =	swait.ge [sflag:s23], $0x4000  }
0xaa: {  	[sflag:s23] =	ssyncset.done $0x0  }
0xab: {  	[sflag:s23] =	ssyncadd.s32 $0xFFFFC000  }
0xac: {  	[bflag:$0x0] =	sbarrier.arrive $0xFFFF  }
0xad: {  	[tilespmem:s22], [sflag:$0x3] =	stream.linear.gather [spmem:s5], $0x1000, $0x38;
	[tilespmem:$0x13000] =	vst v63  }
0xae: {  	_ =	swait.ge [sflag:s23], $0x1000  }
0xaf: {  	[sflag:s23] =	ssyncset.done $0x0  }
0xb0: {  	[sflag:s23] =	ssyncadd.s32 $0xFFFFF000  }
0xb1: {  	[hbm4b:s13+s3] =	stream.linear.scatter [tilespmem:s22], [sflag:$0x3], $0x1000, $0x38;
	[tilespmem:$0x13000] =	vst v63  }
0xb2: {  	_ =	swait.ge [sflag:s23], $0x1000  }
0xb3: {  	[sflag:s23] =	ssyncset.done $0x0  }
0xb4: {  	[sflag:s23] =	ssyncadd.s32 $0xFFFFF000  }
0xb5: {  	[tilespmem:s22], [sflag:$0x3] =	stream.linear.gather [spmem:s14], $0x1000, $0x38;
	[tilespmem:$0x13000] =	vst v63  }
0xb6: {  	_ =	swait.ge [sflag:s23], $0x1000  }
0xb7: {  	[sflag:s23] =	ssyncset.done $0x0  }
0xb8: {  	[sflag:s23] =	ssyncadd.s32 $0xFFFFF000  }
0xb9: {  	[hbm4b:s15+s3] =	stream.linear.scatter [tilespmem:s22], [sflag:$0x3], $0x1000, $0x38;
	[tilespmem:$0x13000] =	vst v63  }
0xba: {  	_ =	swait.ge [sflag:s23], $0x1000  }
0xbb: {  	[sflag:s23] =	ssyncset.done $0x0  }
0xbc: {  	[sflag:s23] =	ssyncadd.s32 $0xFFFFF000  }
0xbd: {  	[tilespmem:s22], [sflag:$0x3] =	stream.linear.gather [spmem:s16], $0x1000, $0x38;
	[tilespmem:$0x13000] =	vst v63  }
0xbe: {  	_ =	swait.ge [sflag:s23], $0x1000  }
0xbf: {  	[sflag:s23] =	ssyncset.done $0x0  }
0xc0: {  	[sflag:s23] =	ssyncadd.s32 $0xFFFFF000  }
0xc1: {  	[hbm4b:s17+s3] =	stream.linear.scatter [tilespmem:s22], [sflag:$0x3], $0x1000, $0x38;
	[tilespmem:$0x13000] =	vst v63  }
0xc2: {  	_ =	swait.ge [sflag:s23], $0x1000  }
0xc3: {  	[sflag:s23] =	ssyncset.done $0x0  }
0xc4: {  	[sflag:s23] =	ssyncadd.s32 $0xFFFFF000  }
0xc5: {  	[tilespmem:s22], [sflag:$0x3] =	stream.linear.gather [spmem:s18], $0x1000, $0x38;
	[tilespmem:$0x13000] =	vst v63  }
0xc6: {  	_ =	swait.ge [sflag:s23], $0x1000  }
0xc7: {  	[sflag:s23] =	ssyncset.done $0x0  }
0xc8: {  	[sflag:s23] =	ssyncadd.s32 $0xFFFFF000  }
0xc9: {  	[hbm4b:s19+s3] =	stream.linear.scatter [tilespmem:s22], [sflag:$0x3], $0x1000, $0x38;
	[tilespmem:$0x13000] =	vst v63  }
0xca: {  	_ =	swait.ge [sflag:s23], $0x1000  }
0xcb: {  	[sflag:s23] =	ssyncset.done $0x0  }
0xcc: {  	[sflag:s23] =	ssyncadd.s32 $0xFFFFF000  }
0xcd: {  	[tilespmem:s22], [sflag:$0x3] =	stream.linear.gather [spmem:s20], $0x1000, $0x38;
	[tilespmem:$0x13000] =	vst v63  }
0xce: {  	s24 =	sadd.s32 $0x1, s24;
	_ =	swait.ge [sflag:s23], $0x1000  }
0xcf: {  	p0 =	sne.s32 s24, s8;
	[sflag:s23] =	ssyncset.done $0x0  }
.Ltmp3:
0xd0: {  	[sflag:s23] =	ssyncadd.s32 $0xFFFFF000;
	(pc) =	sbr.rel @p0 .LBB2_1-.Ltmp3, $4  }
0xd1: {  	[hbm4b:s21+s3] =	stream.linear.scatter [tilespmem:s22], [sflag:$0x3], $0x1000, $0x38;
	[tilespmem:$0x13000] =	vst v63  }
0xd2: {  	_ =	swait.ge [sflag:s23], $0x1000  }
0xd3: {  	[sflag:s23] =	ssyncset.done $0x0  }
0xd4: {  	[sflag:s23] =	ssyncadd.s32 $0xFFFFF000  }
0xd5: {  	_ =	sfence.sel $0x180000  }
0xd6: {  	[bflag:$0x0] =	sbarrier.arrive $0xFFFF  }
0xd7: {  	_ =	strace $0x9000004D  }
0xd8: {  	s0 =	stileid.u32;
	[bflag:$0x2] =	sbarrier.arrive $0xFFFF  }
0xd9: {  	p0 =	sne.s32 s0, $0x0;
	s0 =	rddreg [dreg:$0x2]  }
0xda: {  	s0 =	sadd.s32 @!p0 $0x100000, s0  }
0xdb: {  	[sflag:s0] =	ssyncadd.tile.s32 @!p0 $0x1;
	_ =	shalt  }
.Lfunc_end2:
_tile_overlayer_lowered:
.L_overlay_start_2:
0xdc: {  	(tag) =	ssettag $0x2  }
0xdd: {  	s0 =	rddreg [dreg:$0x0];
	s2 =	stileid.u32  }
0xde: {  	s1 =	rddreg [dreg:$0x1];
	p0 =	sne.s32 s2, $0x0  }
0xdf: {  	s3 =	rddreg [dreg:$0x2];
	[bflag:$0x3] =	sbarrier.arrive $0xFFFF;
	s2 =	simm.s32 @!p0 $0x1C03  }
0xe0: {  	[timem:s3], [sflag:s2] =	dma.local @!p0 [hbm:s0], s1  }
0xe1: {  	s0 =	simm.s32 @!p0 $0x3  }
0xe2: {  	_ =	swait.ge @!p0 [sflag:s0], s1  }
0xe3: {  	s1 =	ssub.s32 @!p0 $0x0, s1;
	[sflag:s0] =	ssyncset.done @!p0 $0x0  }
0xe4: {  	[sflag:s0] =	ssyncadd.s32 @!p0 s1  }
0xe5: {  	[bflag:$0x3] =	sbarrier.arrive $0xFFFF  }
0xe6: {  	_ =	shalt  }

// kernel: kernel.9.cloned.1.call-start
scs
__scs_entry_jumppad:
0x0: {  	(pc) =	sbr.rel $0x88, $3  }
0x1: {  	(tag) =	ssettag $0x0;
	lr =	simm.s32 $0x1  }
0x2: {  	[smem:$0x3F8F] =	sst lr;
	_ =	strace $0xD0000000  }
0x3: {  	_ = 	snop  }
0x4: {  	_ = 	snop  }
0x5: {  	_ = 	snop  }
0x6: {  	_ = 	snop  }
0x7: {  	_ = 	snop  }
__scs_overlays_trampoline_lowered:
0x8: {  	[smem:$0x3F9E] =	sst s0  }
0x9: {  	[smem:$0x3F9F] =	sst s1  }
0xa: {  	[smem:$0x3FA0] =	sst s2  }
0xb: {  	[smem:$0x3FA1] =	sst s3  }
0xc: {  	[smem:$0x3FA2] =	sst s4  }
0xd: {  	[smem:$0x3FA3] =	sst s5  }
0xe: {  	[smem:$0x3FA4] =	sst s6  }
0xf: {  	[smem:$0x3FA5] =	sst s7  }
0x10: {  	[smem:$0x3FA6] =	sst s8  }
0x11: {  	[smem:$0x3FA7] =	sst s9;
	s0 =	simm.s32 @!p0 $0x0  }
0x12: {  	s1 =	sld [smem:$0x3F8D];
	s0 =	simm.s32 @p0 $0x1  }
0x13: {  	[smem:$0x3FA8] =	sst s0;
	s0 =	simm.s32 @!p1 $0x0  }
0x14: {  	s2 =	sld [smem:$0x3F8C];
	s0 =	simm.s32 @p1 $0x1  }
0x15: {  	[smem:$0x3FA9] =	sst s0;
	s0 =	simm.s32 @!p2 $0x0  }
0x16: {  	s3 =	sld [smem:$0x3FDB];
	s0 =	simm.s32 @p2 $0x1  }
0x17: {  	s4 =	simm.s32 $0x1BF5;
	[smem:$0x3FAB] =	sst s0  }
0x18: {  	s0 =	sld [smem:$0x3F8E];
	_ =	swait.ge [sflag:s4], $0x0  }
0x19: {  	s7 =	sld [smem:$0x3F8F]  }
0x1a: {  	s8 =	sadd.s32 $0xFFFFE003, lr  }
0x1b: {  	s9 =	sadd.s32 $0xFFFFFEF7, lr;
	s5 =	simm.s32 $0xFFFFFFFF;
	p2 =	slt.u32 s8, $0xFFFFF086  }
0x1c: {  	p1 =	slt.u32 s9, $0xF7A;
	s5 =	simm.s32 @!p2 $0x0  }
0x1d: {  	s5 =	simm.s32 @p1 $0x1;
	p0 =	seq.s32 s7, s2  }
0x1e: {  	s7 =	smul.u32 @!p0 $0xF7A, s2;
	p2 =	seq.s32 @!p0 s5, $0x0  }
0x1f: {  	s9 =	smul.u32 $0xF7A, s1;
	s8 =	simm.s32 @!p0 $0x1BF5;
	p2 =	por !p2, p0  }
0x20: {  	[sflag:s8] =	ssyncset.s32 @!p0 $0xFFFFF086;
	s6 =	sadd.s32 @!p0 s3, s7;
	s7 =	simm.s32 @!p0 $0x108  }
0x21: {  	s3 =	sadd.s32 s3, s9;
	s6 =	sadd.s32 @!p0 $0x88, s6;
	s7 =	simm.s32 @p2 $0x1082  }
0x22: {  	[simem:s7], [sflag:s8] =	dma.local @!p0 [hbm:s6], $0xF7A  }
0x23: {  	s9 =	sor.u32 $0xD0000000, s2;
	s6 =	simm.s32 $0x108;
	_ =	swait.ge @!p0 [sflag:s8], $0x0  }
0x24: {  	s3 =	sadd.s32 $0x88, s3;
	s6 =	simm.s32 @!p1 $0x1082;
	[sflag:s4] =	ssyncset.s32 $0xFFFFF086  }
0x25: {  	[simem:s6], [sflag:s4] =	dma.local [hbm:s3], $0xF7A  }
0x26: {  	[smem:$0x3F8F] =	sst s1;
	(tag) =	ssettag s2;
	_ =	strace s9  }
0x27: {  	s1 =	sld [smem:$0x3F9F]  }
0x28: {  	s2 =	sld [smem:$0x3FA0]  }
0x29: {  	s4 =	sld [smem:$0x3FA2]  }
0x2a: {  	p0 =	seq.s32 s5, $0x0;
	s5 =	sld [smem:$0x3FA3]  }
0x2b: {  	s6 =	sld [smem:$0x3FA4]  }
0x2c: {  	s7 =	sld [smem:$0x3FA5]  }
0x2d: {  	s3 =	simm.s32 $0x108;
	s8 =	sld [smem:$0x3FA6]  }
0x2e: {  	s3 =	simm.s32 @!p0 $0x1082;
	s9 =	sld [smem:$0x3FA7]  }
0x2f: {  	lr =	sadd.s32 s0, s3;
	s0 =	sld [smem:$0x3F9E]  }
0x30: {  	s3 =	sld [smem:$0x3FA1]  }
0x31: {  	[smem:$0x3FAA] =	sst s10  }
0x32: {  	s10 =	sld [smem:$0x3FA8];
	_ =	sdelay $0x3  }
0x33: {  	p0 =	seq.s32 s10, $0x1;
	s10 =	sld [smem:$0x3FAA];
	_ =	sdelay $0x3  }
0x34: {  	[smem:$0x3FAA] =	sst s10  }
0x35: {  	s10 =	sld [smem:$0x3FA9];
	_ =	sdelay $0x3  }
0x36: {  	p1 =	seq.s32 s10, $0x1;
	s10 =	sld [smem:$0x3FAA];
	_ =	sdelay $0x3  }
0x37: {  	[smem:$0x3FAA] =	sst s10  }
0x38: {  	s10 =	sld [smem:$0x3FAB]  }
0x39: {  	_ = 	snop;
	(pc) =	sbr.ind lr, $3  }
0x3a: {  	_ = 	snop  }
0x3b: {  	_ = 	snop  }
0x3c: {  	p2 =	seq.s32 s10, $0x1;
	s10 =	sld [smem:$0x3FAA]  }
0x3d: {  	_ =	shalt  }
0x3e: {  	_ =	shalt  }
0x3f: {  	_ =	shalt  }
0x40: {  	_ =	shalt  }
0x41: {  	_ =	shalt  }
0x42: {  	_ =	shalt  }
0x43: {  	_ =	shalt  }
0x44: {  	_ =	shalt  }
0x45: {  	_ =	shalt  }
0x46: {  	_ =	shalt  }
0x47: {  	_ =	shalt  }
0x48: {  	_ =	shalt  }
0x49: {  	_ =	shalt  }
0x4a: {  	_ =	shalt  }
0x4b: {  	_ =	shalt  }
0x4c: {  	_ =	shalt  }
0x4d: {  	_ =	shalt  }
0x4e: {  	_ =	shalt  }
0x4f: {  	_ =	shalt  }
0x50: {  	_ =	shalt  }
0x51: {  	_ =	shalt  }
0x52: {  	_ =	shalt  }
0x53: {  	_ =	shalt  }
0x54: {  	_ =	shalt  }
0x55: {  	_ =	shalt  }
0x56: {  	_ =	shalt  }
0x57: {  	_ =	shalt  }
0x58: {  	_ =	shalt  }
0x59: {  	_ =	shalt  }
0x5a: {  	_ =	shalt  }
0x5b: {  	_ =	shalt  }
0x5c: {  	_ =	shalt  }
0x5d: {  	_ =	shalt  }
0x5e: {  	_ =	shalt  }
0x5f: {  	_ =	shalt  }
0x60: {  	_ =	shalt  }
0x61: {  	_ =	shalt  }
0x62: {  	_ =	shalt  }
0x63: {  	_ =	shalt  }
0x64: {  	_ =	shalt  }
0x65: {  	_ =	shalt  }
0x66: {  	_ =	shalt  }
0x67: {  	_ =	shalt  }
0x68: {  	_ =	shalt  }
0x69: {  	_ =	shalt  }
0x6a: {  	_ =	shalt  }
0x6b: {  	_ =	shalt  }
0x6c: {  	_ =	shalt  }
0x6d: {  	_ =	shalt  }
0x6e: {  	_ =	shalt  }
0x6f: {  	_ =	shalt  }
0x70: {  	_ =	shalt  }
0x71: {  	_ =	shalt  }
0x72: {  	_ =	shalt  }
0x73: {  	_ =	shalt  }
0x74: {  	_ =	shalt  }
0x75: {  	_ =	shalt  }
0x76: {  	_ =	shalt  }
0x77: {  	_ =	shalt  }
0x78: {  	_ =	shalt  }
0x79: {  	_ =	shalt  }
0x7a: {  	_ =	shalt  }
0x7b: {  	_ =	shalt  }
0x7c: {  	_ =	shalt  }
0x7d: {  	_ =	shalt  }
0x7e: {  	_ =	shalt  }
0x7f: {  	_ =	shalt  }
0x80: {  	_ =	shalt  }
0x81: {  	_ =	shalt  }
0x82: {  	_ =	shalt  }
0x83: {  	_ =	shalt  }
0x84: {  	_ =	shalt  }
0x85: {  	_ =	shalt  }
0x86: {  	_ =	shalt  }
0x87: {  	_ =	shalt  }
.Lfunc_end0:
.L_simem_size_0:
called_computation_lowered:
.L_overlay_start_0:
0x88: {  	s2 =	sld [smem:$0x3FD9]  }
0x89: {  	s3 =	sld [smem:$0x3FFE];
	_ =	sdelay $0x1  }
0x8a: {  	s1 =	srdreg.scid  }
0x8b: {  	s0 =	sand.u32 $0x1, s1  }
0x8c: {  	s16 =	sshll.u32 s0, $0xA;
	s2 =	sadd.s32 s3, s2  }
0x8d: {  	s2 =	sadd.s32 s2, s16  }
0x8e: {  	[smem:$0x3FB6] =	sst s2  }
0x8f: {  	_ = 	snop  }
0x90: {  	(tm) =	ssettm $0x1  }
0x91: {  	s17 =	sld [smem:$0x3FFB];
	_ =	sdelay $0x3  }
0x92: {  	_ =	strace s17  }
0x93: {  	s2 =	sld [smem:$0x3FFC];
	_ =	sdelay $0x3  }
0x94: {  	_ =	strace s2  }
0x95: {  	s2 =	sld [smem:$0x3FFD];
	_ =	sdelay $0x3  }
0x96: {  	_ =	strace s2  }
0x97: {  	_ =	strace $0x8FFFFFFF  }
0x98: {  	s18 =	sld [smem:$0x3FDB];
	_ =	sdelay $0x1  }
0x99: {  	s19 =	simm.s32 $_scs_section_size  }
0x9a: {  	s4 =	simm.s32 $_size__tile_overlayer_lowered;
	s5 =	simm.s32 $_tile_overlayer_lowered  }
0x9b: {  	s22 =	simm.s32 $0x1BFF;
	s21 =	sshll.u32 s5, $0x1;
	s2 =	sadd.s32 s19, s18  }
0x9c: {  	s6 =	simm.s32 $0x0;
	s20 =	sshll.u32 s4, $0x1;
	s4 =	sadd.s32 s21, s2  }
0x9d: {  	[timem:s6], [sflag:s22] =	dma.local [hbm:s4], s20  }
0x9e: {  	_ =	swait.ge [sflag:s22], s20  }
0x9f: {  	s3 =	ssub.s32 $0x0, s20;
	[sflag:s22] =	ssyncset.done $0x0  }
0xa0: {  	[sflag:s22] =	ssyncadd.s32 s3;
	_ =	sdelay $0x1  }
0xa1: {  	s23 =	simm.s32 $0x1B8B  }
0xa2: {  	_ =	swait.ge [sflag:s23], $0x1  }
0xa3: {  	[sflag:s23] =	ssyncset.done $0x0  }
0xa4: {  	s25 =	simm.s32 $0x1B8E;
	s24 =	sld [smem:$0x3FFE];
	[sflag:s23] =	ssyncadd.s32 $0xFFFFFFFF  }
0xa5: {  	s26 =	simm.s32 $execute0_lowered;
	[smem:$0x3FD2] =	sst s25  }
0xa6: {  	s4 =	sshll.u32 s26, $0x1;
	_ =	strace $0x80000046;
	[dreg:$0x1] =	wrdreg $0xFFFFFFFF  }
0xa7: {  	s28 =	simm.s32 $_size_execute0_lowered;
	s2 =	sadd.s32 s2, s4;
	[dreg:$0x0] =	wrdreg $0x0  }
0xa8: {  	s4 =	sshll.u32 s28, $0x1;
	[dreg:$0x2] =	wrdreg s2  }
0xa9: {  	[dreg:$0x3] =	wrdreg s4  }
0xaa: {  	[dreg:$0x4] =	wrdreg $0xC0  }
0xab: {  	_ =	task [dreg:s6], $0x5FFFF  }
0xac: {  	[dreg:$0x1] =	wrdreg $0xFFFFFFFF  }
0xad: {  	[dreg:$0x0] =	wrdreg $0x60  }
0xae: {  	[dreg:$0x2] =	wrdreg s24  }
0xaf: {  	[dreg:$0x3] =	wrdreg $0xE8000  }
0xb0: {  	[dreg:$0x4] =	wrdreg $0x9  }
0xb1: {  	_ =	task.clear_ibuf [dreg:s6], $0x5FFFF;
	_ =	strace $0x90000046  }
0xb2: {  	s29 =	simm.s32 $0x9;
	_ =	strace $0x80000048  }
0xb3: {  	_ =	swait.ge [sflag:s29], $0x1  }
0xb4: {  	[sflag:s29] =	ssyncadd.s32 $0xFFFFFFFF  }
0xb5: {  	_ =	strace $0x90000048  }
0xb6: {  	_ =	sfence  }
0xb7: {  	s30 =	sld [smem:$0x0];
	_ =	sdelay $0x2  }
0xb8: {  	s31 =	sshll.u32 s1, $0xD;
	s1 =	sshrl.u32 s1, $0x2  }
0xb9: {  	s3 =	sand.u32 $0x4000, s31;
	s1 =	sadd.s32 s1, s30  }
0xba: {  	s0 =	sor.u32 s3, s0;
	s1 =	sshll.u32 s1, $0x11  }
0xbb: {  	s0 =	sor.u32 s1, s0  }
0xbc: {  	s0 =	sadd.s32 $0x8F2B, s0  }
0xbd: {  	[sflag:s0] =	ssyncadd.remote.s32 $0x1  }
0xbe: {  	_ =	sfence.sel $0xFFFF  }
0xbf: {  	[dreg:$0x0] =	wrdreg $0xFFFFFFFF;
	(pc) =	sbr.abs _section_cstart, $3  }
0xc0: {  	[dreg:$0x1] =	wrdreg $0xFFFFFFFF  }
0xc1: {  	_ =	task.clear_ibuf [dreg:s6], $0x2FFFF;
	_ =	strace $0x9FFFFFFF  }
0xc2: {  	(tm) =	ssettm $0x7FFFFFFF  }
0xc3: {  	_ =	shalt  }
tec
execute0_lowered:
.L_overlay_start_1:
0x0: {  	(tag) =	ssettag $0x1  }
0x1: {  	s0 =	rddreg [dreg:$0x0]  }
0x2: {  	s2 =	rddreg [dreg:$0x1];
	s7 =	stileid.u32  }
0x3: {  	s1 =	srdreg.scid;
	s16 =	smul.u32 $0xA000, s7  }
0x4: {  	s3 =	simm.s32 $0x0;
	s30 =	simm.s32 $0xE000;
	s6 =	smul.u32 $0xA00, s7  }
0x5: {  	s31 =	simm.s32 $0x3;
	s9 =	sand.u32 $0x1, s1;
	s7 =	smul.u32 $0x28000, s7  }
0x6: {  	[smem:$0x7FF] =	sst s3;
	s4 =	sadd.s32 $0x4E00, s0;
	s5 =	smul.u32 $0xA0000, s9  }
0x7: {  	_ =	strace $0x80000047;
	s17 =	ssub.s32 $0x2, s9;
	v0 =	vmov s9;
	s9 =	simm.s32 $0x0  }
0x8: {  	s6 =	sadd.s32 s6, s0;
	s8 =	sshrl.u32 s17, $0x1;
	s19 =	sshrl.u32 s7, $0x2  }
0x9: {  	s7 =	simm.s32 $0x1;
	s1 =	sadd.s32 s16, s5;
	s18 =	ssub.s32 s17, s8  }
0xa: {  	s5 =	sadd.s32 s19, s2;
	s20 =	sadd.s32 $0x2CE00, s6;
	s6 =	sadd.s32 $0x36E00, s6  }
0xb: {  	s8 =	simm.s32 $0x2;
	s1 =	sshrl.u32 s1, $0x3;
	[dreg:$0x3] =	wrdreg s20  }
0xc: {  	[dreg:$0x4] =	wrdreg s6;
	s21 =	sadd.s32 $0x800, s5;
	s22 =	sadd.s32 $0x1000, s5  }
0xd: {  	s23 =	sadd.s32 $0x1800, s5;
	s24 =	sadd.s32 $0x2000, s5;
	s25 =	sadd.s32 $0x2800, s5  }
0xe: {  	s26 =	sadd.s32 $0x3000, s5;
	s15 =	sadd.s32 $0x3800, s5;
	[dreg:$0x6] =	wrdreg s21  }
0xf: {  	s16 =	sadd.s32 $0x4000, s5;
	s17 =	sadd.s32 $0x4800, s5;
	[dreg:$0x7] =	wrdreg s22  }
0x10: {  	s19 =	sadd.s32 $0x5800, s5;
	s20 =	sadd.s32 $0x6000, s5;
	[dreg:$0x8] =	wrdreg s23  }
0x11: {  	s28 =	sadd.s32 $0x9000, s5;
	s29 =	sadd.s32 $0x9800, s5;
	[dreg:$0x9] =	wrdreg s24  }
0x12: {  	s6 =	simm.s32 $0xC000;
	s0 =	sadd.s32 s1, s0;
	[dreg:$0xa] =	wrdreg s25  }
0x13: {  	s1 =	smax.u32 s18, $0x1;
	[dreg:$0xb] =	wrdreg s26;
	s18 =	sadd.s32 $0x5000, s5  }
0x14: {  	s21 =	sadd.s32 $0x6800, s5;
	s22 =	sadd.s32 $0x7000, s5;
	s23 =	sadd.s32 $0x7800, s5  }
0x15: {  	s25 =	sadd.s32 $0x8000, s5;
	s26 =	sadd.s32 $0x8800, s5;
	[dreg:$0x5] =	wrdreg s1  }
0x16: {  	v1 =	vimm.f32 $0.0e+00;
	s24 =	sadd.s32 $0x40E00, s0;
	s1 =	simm.s32 $0x80;
	s0 =	simm.s32 $0xA000  }
.LBB2_1:
0x17: {  	s11 =	simm.s32 $0x100;
	s10 =	simm.s32 $0x0  }
.LBB2_2:
0x18: {  	p0 =	sne.s32 s11, $0x1F00;
	[tilespmem:s10+$0xE030] =	vst v1;
	s12 =	smov.u32 s11;
	s11 =	sadd.s32 $0x100, s11  }
.Ltmp0:
0x19: {  	[tilespmem:s10+$0xE020] =	vst v1;
	(pc) =	sbr.rel @p0 .LBB2_2-.Ltmp0, $3  }
0x1a: {  	[tilespmem:s10+$0xE000] =	vst v1  }
0x1b: {  	[tilespmem:s10+$0xE010] =	vst v1;
	_ =	sdelay $0x1  }
0x1c: {  	s10 =	sshra.s32 s12, $0x2  }
0x1d: {  	[tilespmem:s10+$0xE030] =	vst v1  }
0x1e: {  	[tilespmem:s10+$0xE020] =	vst v1  }
0x1f: {  	[tilespmem:s10+$0xE000] =	vst v1  }
0x20: {  	[tilespmem:s10+$0xE010] =	vst v1  }
0x21: {  	[spmem:s5] =	stream.linear.scatter [tilespmem:s30], [sflag:$0x3], $0x800, $0x38;
	[tilespmem:$0x18800] =	vst v63  }
0x22: {  	_ =	swait.ge [sflag:s31], $0x800  }
0x23: {  	[sflag:s31] =	ssyncset.done $0x0  }
0x24: {  	s11 =	rddreg [dreg:$0x6];
	[sflag:s31] =	ssyncadd.s32 $0xFFFFF800  }
0x25: {  	[spmem:s11] =	stream.linear.scatter [tilespmem:s30], [sflag:$0x3], $0x800, $0x38;
	[tilespmem:$0x18800] =	vst v63  }
0x26: {  	_ =	swait.ge [sflag:s31], $0x800  }
0x27: {  	[sflag:s31] =	ssyncset.done $0x0  }
0x28: {  	s12 =	rddreg [dreg:$0x7];
	[sflag:s31] =	ssyncadd.s32 $0xFFFFF800  }
0x29: {  	[spmem:s12] =	stream.linear.scatter [tilespmem:s30], [sflag:$0x3], $0x800, $0x38;
	[tilespmem:$0x18800] =	vst v63  }
0x2a: {  	_ =	swait.ge [sflag:s31], $0x800  }
0x2b: {  	[sflag:s31] =	ssyncset.done $0x0  }
0x2c: {  	s13 =	rddreg [dreg:$0x8];
	[sflag:s31] =	ssyncadd.s32 $0xFFFFF800  }
0x2d: {  	[spmem:s13] =	stream.linear.scatter [tilespmem:s30], [sflag:$0x3], $0x800, $0x38;
	[tilespmem:$0x18800] =	vst v63  }
0x2e: {  	_ =	swait.ge [sflag:s31], $0x800  }
0x2f: {  	[sflag:s31] =	ssyncset.done $0x0  }
0x30: {  	s14 =	rddreg [dreg:$0x9];
	[sflag:s31] =	ssyncadd.s32 $0xFFFFF800  }
0x31: {  	[spmem:s14] =	stream.linear.scatter [tilespmem:s30], [sflag:$0x3], $0x800, $0x38;
	[tilespmem:$0x18800] =	vst v63  }
0x32: {  	_ =	swait.ge [sflag:s31], $0x800  }
0x33: {  	[sflag:s31] =	ssyncset.done $0x0  }
0x34: {  	s11 =	rddreg [dreg:$0xa];
	[sflag:s31] =	ssyncadd.s32 $0xFFFFF800  }
0x35: {  	[spmem:s11] =	stream.linear.scatter [tilespmem:s30], [sflag:$0x3], $0x800, $0x38;
	[tilespmem:$0x18800] =	vst v63  }
0x36: {  	_ =	swait.ge [sflag:s31], $0x800  }
0x37: {  	[sflag:s31] =	ssyncset.done $0x0  }
0x38: {  	s12 =	rddreg [dreg:$0xb];
	[sflag:s31] =	ssyncadd.s32 $0xFFFFF800  }
0x39: {  	[spmem:s12] =	stream.linear.scatter [tilespmem:s30], [sflag:$0x3], $0x800, $0x38;
	[tilespmem:$0x18800] =	vst v63  }
0x3a: {  	_ =	swait.ge [sflag:s31], $0x800  }
0x3b: {  	[sflag:s31] =	ssyncset.done $0x0  }
0x3c: {  	[sflag:s31] =	ssyncadd.s32 $0xFFFFF800  }
0x3d: {  	[spmem:s15] =	stream.linear.scatter [tilespmem:s30], [sflag:$0x3], $0x800, $0x38;
	[tilespmem:$0x18800] =	vst v63  }
0x3e: {  	_ =	swait.ge [sflag:s31], $0x800  }
0x3f: {  	[sflag:s31] =	ssyncset.done $0x0  }
0x40: {  	[sflag:s31] =	ssyncadd.s32 $0xFFFFF800  }
0x41: {  	[spmem:s16] =	stream.linear.scatter [tilespmem:s30], [sflag:$0x3], $0x800, $0x38;
	[tilespmem:$0x18800] =	vst v63  }
0x42: {  	_ =	swait.ge [sflag:s31], $0x800  }
0x43: {  	[sflag:s31] =	ssyncset.done $0x0  }
0x44: {  	[sflag:s31] =	ssyncadd.s32 $0xFFFFF800  }
0x45: {  	[spmem:s17] =	stream.linear.scatter [tilespmem:s30], [sflag:$0x3], $0x800, $0x38;
	[tilespmem:$0x18800] =	vst v63  }
0x46: {  	_ =	swait.ge [sflag:s31], $0x800  }
0x47: {  	[sflag:s31] =	ssyncset.done $0x0  }
0x48: {  	[sflag:s31] =	ssyncadd.s32 $0xFFFFF800  }
0x49: {  	[spmem:s18] =	stream.linear.scatter [tilespmem:s30], [sflag:$0x3], $0x800, $0x38;
	[tilespmem:$0x18800] =	vst v63  }
0x4a: {  	_ =	swait.ge [sflag:s31], $0x800  }
0x4b: {  	[sflag:s31] =	ssyncset.done $0x0  }
0x4c: {  	[sflag:s31] =	ssyncadd.s32 $0xFFFFF800  }
0x4d: {  	[spmem:s19] =	stream.linear.scatter [tilespmem:s30], [sflag:$0x3], $0x800, $0x38;
	[tilespmem:$0x18800] =	vst v63  }
0x4e: {  	_ =	swait.ge [sflag:s31], $0x800  }
0x4f: {  	[sflag:s31] =	ssyncset.done $0x0  }
0x50: {  	[sflag:s31] =	ssyncadd.s32 $0xFFFFF800  }
0x51: {  	[spmem:s20] =	stream.linear.scatter [tilespmem:s30], [sflag:$0x3], $0x800, $0x38;
	[tilespmem:$0x18800] =	vst v63  }
0x52: {  	_ =	swait.ge [sflag:s31], $0x800  }
0x53: {  	[sflag:s31] =	ssyncset.done $0x0  }
0x54: {  	[sflag:s31] =	ssyncadd.s32 $0xFFFFF800  }
0x55: {  	[spmem:s21] =	stream.linear.scatter [tilespmem:s30], [sflag:$0x3], $0x800, $0x38;
	[tilespmem:$0x18800] =	vst v63  }
0x56: {  	_ =	swait.ge [sflag:s31], $0x800  }
0x57: {  	[sflag:s31] =	ssyncset.done $0x0  }
0x58: {  	[sflag:s31] =	ssyncadd.s32 $0xFFFFF800  }
0x59: {  	[spmem:s22] =	stream.linear.scatter [tilespmem:s30], [sflag:$0x3], $0x800, $0x38;
	[tilespmem:$0x18800] =	vst v63  }
0x5a: {  	_ =	swait.ge [sflag:s31], $0x800  }
0x5b: {  	[sflag:s31] =	ssyncset.done $0x0  }
0x5c: {  	[sflag:s31] =	ssyncadd.s32 $0xFFFFF800  }
0x5d: {  	[spmem:s23] =	stream.linear.scatter [tilespmem:s30], [sflag:$0x3], $0x800, $0x38;
	[tilespmem:$0x18800] =	vst v63  }
0x5e: {  	_ =	swait.ge [sflag:s31], $0x800  }
0x5f: {  	[sflag:s31] =	ssyncset.done $0x0  }
0x60: {  	[sflag:s31] =	ssyncadd.s32 $0xFFFFF800  }
0x61: {  	[spmem:s25] =	stream.linear.scatter [tilespmem:s30], [sflag:$0x3], $0x800, $0x38;
	[tilespmem:$0x18800] =	vst v63  }
0x62: {  	_ =	swait.ge [sflag:s31], $0x800  }
0x63: {  	[sflag:s31] =	ssyncset.done $0x0  }
0x64: {  	[sflag:s31] =	ssyncadd.s32 $0xFFFFF800  }
0x65: {  	[spmem:s26] =	stream.linear.scatter [tilespmem:s30], [sflag:$0x3], $0x800, $0x38;
	[tilespmem:$0x18800] =	vst v63  }
0x66: {  	_ =	swait.ge [sflag:s31], $0x800  }
0x67: {  	[sflag:s31] =	ssyncset.done $0x0  }
0x68: {  	[sflag:s31] =	ssyncadd.s32 $0xFFFFF800  }
0x69: {  	[spmem:s28] =	stream.linear.scatter [tilespmem:s30], [sflag:$0x3], $0x800, $0x38;
	[tilespmem:$0x18800] =	vst v63  }
0x6a: {  	_ =	swait.ge [sflag:s31], $0x800  }
0x6b: {  	[sflag:s31] =	ssyncset.done $0x0  }
0x6c: {  	[sflag:s31] =	ssyncadd.s32 $0xFFFFF800  }
0x6d: {  	[spmem:s29] =	stream.linear.scatter [tilespmem:s30], [sflag:$0x3], $0x800, $0x38;
	[tilespmem:$0x18800] =	vst v63  }
0x6e: {  	_ =	swait.ge [sflag:s31], $0x800  }
0x6f: {  	[sflag:s31] =	ssyncset.done $0x0  }
0x70: {  	s13 =	simm.s32 $0x0;
	s11 =	rddreg [dreg:$0x3];
	[sflag:s31] =	ssyncadd.s32 $0xFFFFF800  }
0x71: {  	[tilespmem:s13], [sflag:$0x3] =	stream.linear.gather [hbm4b:s11+s13], $0x5000, $0x38;
	[tilespmem:$0x18800] =	vst v63  }
0x72: {  	_ =	swait.ge [sflag:s31], $0x5000  }
0x73: {  	[sflag:s31] =	ssyncset.done $0x0  }
0x74: {  	s12 =	simm.s32 $0x5000;
	s14 =	rddreg [dreg:$0x4];
	[sflag:s31] =	ssyncadd.s32 $0xFFFFB000  }
0x75: {  	[tilespmem:s12], [sflag:$0x3] =	stream.linear.gather [hbm4b:s14+s13], $0x5000, $0x38;
	[tilespmem:$0x18800] =	vst v63  }
0x76: {  	_ =	swait.ge [sflag:s31], $0x5000  }
0x77: {  	[sflag:s31] =	ssyncset.done $0x0  }
0x78: {  	s10 =	simm.s32 $0x0;
	[sflag:s31] =	ssyncadd.s32 $0xFFFFB000  }
0x79: {  	v3 =	vld [tilespmem:s10+$0x0]  }
0x7a: {  	v4 =	vld [tilespmem:s10+$0x10]  }
0x7b: {  	v6 =	vld [tilespmem:s10+$0x20]  }
0x7c: {  	v5 =	vld [tilespmem:s10+$0x30]  }
0x7d: {  	v2 =	vld [tilespmem:s10+$0x40]  }
0x7e: {  	v7 =	vshll.u32 v3, $0x1;
	v3 =	vld [tilespmem:s10+$0x50]  }
0x7f: {  	s11 =	simm.s32 $0x200;
	v8 =	vshll.u32 v4, $0x1;
	v4 =	vld [tilespmem:s10+$0x60];
	v7 =	vor.u32 v0, v7  }
.LBB2_4:
0x80: {  	s12 =	sshra.s32 s11, $0x2;
	p0 =	sne.s32 s11, $0x13E00;
	[tilespmem:s10+$0x0] =	vst v7;
	v7 =	vor.u32 v0, v8;
	v6 =	vshll.u32 v6, $0x1;
	v8 =	vld [tilespmem:s10+$0x70]  }
0x81: {  	v9 =	vld [tilespmem:s12+$0x0];
	[tilespmem:s10+$0x10] =	vst v7;
	v6 =	vor.u32 v0, v6;
	v5 =	vshll.u32 v5, $0x1  }
0x82: {  	v10 =	vld [tilespmem:s12+$0x10];
	[tilespmem:s10+$0x20] =	vst v6;
	v5 =	vor.u32 v0, v5;
	v2 =	vshll.u32 v2, $0x1  }
.Ltmp1:
0x83: {  	v6 =	vld [tilespmem:s12+$0x20];
	[tilespmem:s10+$0x30] =	vst v5;
	v2 =	vor.u32 v0, v2;
	v3 =	vshll.u32 v3, $0x1;
	(pc) =	sbr.rel @p0 .LBB2_4-.Ltmp1, $4  }
0x84: {  	v5 =	vld [tilespmem:s12+$0x30];
	[tilespmem:s10+$0x40] =	vst v2;
	v3 =	vor.u32 v0, v3;
	v4 =	vshll.u32 v4, $0x1  }
0x85: {  	v2 =	vld [tilespmem:s12+$0x40];
	[tilespmem:s10+$0x50] =	vst v3;
	v4 =	vor.u32 v0, v4;
	v7 =	vshll.u32 v8, $0x1  }
0x86: {  	v8 =	vshll.u32 v9, $0x1;
	v3 =	vld [tilespmem:s12+$0x50];
	[tilespmem:s10+$0x60] =	vst v4;
	v9 =	vor.u32 v0, v7  }
0x87: {  	s11 =	sadd.s32 $0x200, s11;
	v7 =	vor.u32 v0, v8;
	v8 =	vshll.u32 v10, $0x1;
	v4 =	vld [tilespmem:s12+$0x60];
	[tilespmem:s10+$0x70] =	vst v9;
	s10 =	smov.u32 s12  }
0x88: {  	[tilespmem:s10+$0x0] =	vst v7;
	v62 =	vor.u32 v0, v8;
	v6 =	vshll.u32 v6, $0x1;
	v63 =	vld [tilespmem:s10+$0x70]  }
0x89: {  	[tilespmem:s10+$0x10] =	vst v62;
	v6 =	vor.u32 v0, v6;
	v5 =	vshll.u32 v5, $0x1  }
0x8a: {  	[tilespmem:s10+$0x20] =	vst v6;
	v5 =	vor.u32 v0, v5;
	v2 =	vshll.u32 v2, $0x1  }
0x8b: {  	[tilespmem:s10+$0x30] =	vst v5;
	v2 =	vor.u32 v0, v2;
	v3 =	vshll.u32 v3, $0x1  }
0x8c: {  	[tilespmem:s10+$0x40] =	vst v2;
	v2 =	vor.u32 v0, v3;
	v3 =	vshll.u32 v4, $0x1  }
0x8d: {  	[tilespmem:s10+$0x50] =	vst v2;
	v2 =	vor.u32 v0, v3;
	v3 =	vshll.u32 v63, $0x1  }
0x8e: {  	[tilespmem:s10+$0x60] =	vst v2;
	v2 =	vor.u32 v0, v3  }
0x8f: {  	[tilespmem:s10+$0x70] =	vst v2  }
0x90: {  	s14 =	simm.s32 $0x0;
	[bflag:$0x0] =	sbarrier.arrive $0xFFFF  }
0x91: {  	[tilespmem:s0], [sflag:$0x1] =	stream.indirect.gather [hbm4b:s4+s1], $0x40, s14, s1, $0xb8;
	[tilespmem:$0x18800] =	vst v63  }
0x92: {  	s11 =	simm.s32 $0x80  }
0x93: {  	[tilespmem:s6], [sflag:$0x2] =	stream.indirect.gather [hbm4b:s4+s1], $0x40, s11, s1, $0xb8;
	[tilespmem:$0x18800] =	vst v63  }
0x94: {  	_ =	swait.ge [sflag:s7], $0x2000  }
0x95: {  	[sflag:s7] =	ssyncset.done $0x0  }
0x96: {  	s12 =	simm.s32 $0x5000;
	[sflag:s7] =	ssyncadd.s32 $0xFFFFE000  }
0x97: {  	[spmem:s2] =	stream.indirect.scatter.add.f32 [tilespmem:s0], [sflag:$0x3], $0x40, s12, s1, $0xb8;
	[tilespmem:$0x18800] =	vst v63  }
0x98: {  	_ =	swait.ge [sflag:s31], $0x2000  }
0x99: {  	[sflag:s31] =	ssyncset.done $0x0  }
0x9a: {  	s13 =	simm.s32 $0x100;
	[sflag:s31] =	ssyncadd.s32 $0xFFFFE000  }
0x9b: {  	[tilespmem:s0], [sflag:$0x1] =	stream.indirect.gather [hbm4b:s4+s1], $0x40, s13, s1, $0xb8;
	[tilespmem:$0x18800] =	vst v63  }
0x9c: {  	_ =	swait.ge [sflag:s8], $0x2000  }
0x9d: {  	[sflag:s8] =	ssyncset.done $0x0  }
0x9e: {  	s14 =	simm.s32 $0x5080;
	[sflag:s8] =	ssyncadd.s32 $0xFFFFE000  }
0x9f: {  	[spmem:s2] =	stream.indirect.scatter.add.f32 [tilespmem:s6], [sflag:$0x3], $0x40, s14, s1, $0xb8;
	[tilespmem:$0x18800] =	vst v63  }
0xa0: {  	_ =	swait.ge [sflag:s31], $0x2000  }
0xa1: {  	s10 =	simm.s32 $0x100;
	s11 =	simm.s32 $0x800;
	[sflag:s31] =	ssyncset.done $0x0  }
.LBB2_6:
0xa2: {  	s12 =	sadd.s32 $0x80, s10  }
0xa3: {  	[sflag:s31] =	ssyncadd.s32 $0xFFFFE000;
	s13 =	smov.u32 s11;
	s14 =	sadd.s32 $0x400, s11  }
0xa4: {  	[tilespmem:s6], [sflag:$0x2] =	stream.indirect.gather [hbm4b:s4+s1], $0x40, s12, s1, $0xb8;
	[tilespmem:$0x18800] =	vst v63  }
0xa5: {  	p0 =	sne.s32 s11, $0x13800;
	_ =	swait.ge [sflag:s7], $0x2000  }
0xa6: {  	[sflag:s7] =	ssyncset.done $0x0  }
0xa7: {  	s11 =	sadd.s32 $0x5000, s10;
	[sflag:s7] =	ssyncadd.s32 $0xFFFFE000  }
0xa8: {  	[spmem:s2] =	stream.indirect.scatter.add.f32 [tilespmem:s0], [sflag:$0x3], $0x40, s11, s1, $0xb8;
	[tilespmem:$0x18800] =	vst v63  }
0xa9: {  	_ =	swait.ge [sflag:s31], $0x2000  }
0xaa: {  	[sflag:s31] =	ssyncset.done $0x0  }
0xab: {  	s11 =	sadd.s32 $0x100, s10;
	[sflag:s31] =	ssyncadd.s32 $0xFFFFE000  }
0xac: {  	[tilespmem:s0], [sflag:$0x1] =	stream.indirect.gather [hbm4b:s4+s1], $0x40, s11, s1, $0xb8;
	[tilespmem:$0x18800] =	vst v63  }
0xad: {  	_ =	swait.ge [sflag:s8], $0x2000  }
.Ltmp2:
0xae: {  	[sflag:s8] =	ssyncset.done $0x0;
	(pc) =	sbr.rel @p0 .LBB2_6-.Ltmp2, $4  }
0xaf: {  	s10 =	sadd.s32 $0x5080, s10;
	[sflag:s8] =	ssyncadd.s32 $0xFFFFE000  }
0xb0: {  	[spmem:s2] =	stream.indirect.scatter.add.f32 [tilespmem:s6], [sflag:$0x3], $0x40, s10, s1, $0xb8;
	[tilespmem:$0x18800] =	vst v63  }
0xb1: {  	_ =	swait.ge [sflag:s31], $0x2000  }
0xb2: {  	s11 =	smov.u32 s14;
	s10 =	sshra.s32 s13, $0x2;
	[sflag:s31] =	ssyncset.done $0x0  }
0xb3: {  	s11 =	sadd.s32 $0x80, s10;
	[sflag:s31] =	ssyncadd.s32 $0xFFFFE000  }
0xb4: {  	[tilespmem:s6], [sflag:$0x2] =	stream.indirect.gather [hbm4b:s4+s1], $0x40, s11, s1, $0xb8;
	[tilespmem:$0x18800] =	vst v63  }
0xb5: {  	_ =	swait.ge [sflag:s7], $0x2000  }
0xb6: {  	[sflag:s7] =	ssyncset.done $0x0  }
0xb7: {  	s12 =	sadd.s32 $0x5000, s10;
	[sflag:s7] =	ssyncadd.s32 $0xFFFFE000  }
0xb8: {  	[spmem:s2] =	stream.indirect.scatter.add.f32 [tilespmem:s0], [sflag:$0x3], $0x40, s12, s1, $0xb8;
	[tilespmem:$0x18800] =	vst v63  }
0xb9: {  	_ =	swait.ge [sflag:s31], $0x2000  }
0xba: {  	[sflag:s31] =	ssyncset.done $0x0  }
0xbb: {  	s13 =	sadd.s32 $0x100, s10;
	[sflag:s31] =	ssyncadd.s32 $0xFFFFE000  }
0xbc: {  	[tilespmem:s0], [sflag:$0x1] =	stream.indirect.gather [hbm4b:s4+s1], $0x40, s13, s1, $0xb8;
	[tilespmem:$0x18800] =	vst v63  }
0xbd: {  	_ =	swait.ge [sflag:s8], $0x2000  }
0xbe: {  	[sflag:s8] =	ssyncset.done $0x0  }
0xbf: {  	s14 =	sadd.s32 $0x5080, s10;
	[sflag:s8] =	ssyncadd.s32 $0xFFFFE000  }
0xc0: {  	[spmem:s2] =	stream.indirect.scatter.add.f32 [tilespmem:s6], [sflag:$0x3], $0x40, s14, s1, $0xb8;
	[tilespmem:$0x18800] =	vst v63  }
0xc1: {  	_ =	swait.ge [sflag:s31], $0x2000  }
0xc2: {  	[sflag:s31] =	ssyncset.done $0x0  }
0xc3: {  	s11 =	simm.s32 $0x4F80;
	[sflag:s31] =	ssyncadd.s32 $0xFFFFE000  }
0xc4: {  	[tilespmem:s6], [sflag:$0x2] =	stream.indirect.gather [hbm4b:s4+s1], $0x40, s11, s1, $0xb8;
	[tilespmem:$0x18800] =	vst v63  }
0xc5: {  	_ =	swait.ge [sflag:s7], $0x2000  }
0xc6: {  	[sflag:s7] =	ssyncset.done $0x0  }
0xc7: {  	s12 =	simm.s32 $0x9F00;
	[sflag:s7] =	ssyncadd.s32 $0xFFFFE000  }
0xc8: {  	[spmem:s2] =	stream.indirect.scatter.add.f32 [tilespmem:s0], [sflag:$0x3], $0x40, s12, s1, $0xb8;
	[tilespmem:$0x18800] =	vst v63  }
0xc9: {  	_ =	swait.ge [sflag:s31], $0x2000  }
0xca: {  	[sflag:s31] =	ssyncset.done $0x0  }
0xcb: {  	[sflag:s31] =	ssyncadd.s32 $0xFFFFE000  }
0xcc: {  	_ =	swait.ge [sflag:s8], $0x2000  }
0xcd: {  	[sflag:s8] =	ssyncset.done $0x0  }
0xce: {  	s13 =	simm.s32 $0x9F80;
	[sflag:s8] =	ssyncadd.s32 $0xFFFFE000  }
0xcf: {  	[spmem:s2] =	stream.indirect.scatter.add.f32 [tilespmem:s6], [sflag:$0x3], $0x40, s13, s1, $0xb8;
	[tilespmem:$0x18800] =	vst v63  }
0xd0: {  	_ =	swait.ge [sflag:s31], $0x2000  }
0xd1: {  	[sflag:s31] =	ssyncset.done $0x0  }
0xd2: {  	[sflag:s31] =	ssyncadd.s32 $0xFFFFE000  }
0xd3: {  	[bflag:$0x0] =	sbarrier.arrive $0xFFFF  }
0xd4: {  	[tilespmem:s30], [sflag:$0x3] =	stream.linear.gather [spmem:s5], $0x800, $0x38;
	[tilespmem:$0x18800] =	vst v63  }
0xd5: {  	_ =	swait.ge [sflag:s31], $0x800  }
0xd6: {  	[sflag:s31] =	ssyncset.done $0x0  }
0xd7: {  	s14 =	sadd.s32 $0x0, s24;
	[sflag:s31] =	ssyncadd.s32 $0xFFFFF800  }
0xd8: {  	[hbm4b:s14+s3] =	stream.linear.scatter [tilespmem:s30], [sflag:$0x3], $0x800, $0x38;
	[tilespmem:$0x18800] =	vst v63  }
0xd9: {  	_ =	swait.ge [sflag:s31], $0x800  }
0xda: {  	s10 =	simm.s32 $0x100;
	s11 =	smov.u32 s5;
	[sflag:s31] =	ssyncset.done $0x0  }
.LBB2_8:
0xdb: {  	p0 =	sne.s32 s10, $0x1300;
	[sflag:s31] =	ssyncadd.s32 $0xFFFFF800;
	s11 =	sadd.s32 $0x800, s11  }
0xdc: {  	[tilespmem:s30], [sflag:$0x3] =	stream.linear.gather [spmem:s11], $0x800, $0x38;
	[tilespmem:$0x18800] =	vst v63  }
0xdd: {  	s12 =	smov.u32 s10;
	s10 =	sadd.s32 $0x100, s10;
	_ =	swait.ge [sflag:s31], $0x800  }
.Ltmp3:
0xde: {  	[sflag:s31] =	ssyncset.done $0x0;
	(pc) =	sbr.rel @p0 .LBB2_8-.Ltmp3, $4  }
0xdf: {  	s12 =	sadd.s32 s12, s24;
	[sflag:s31] =	ssyncadd.s32 $0xFFFFF800  }
0xe0: {  	[hbm4b:s12+s3] =	stream.linear.scatter [tilespmem:s30], [sflag:$0x3], $0x800, $0x38;
	[tilespmem:$0x18800] =	vst v63  }
0xe1: {  	_ =	swait.ge [sflag:s31], $0x800  }
0xe2: {  	[sflag:s31] =	ssyncset.done $0x0  }
0xe3: {  	s9 =	sadd.s32 $0x1, s9;
	s10 =	rddreg [dreg:$0x5]  }
0xe4: {  	p0 =	sne.s32 s9, s10  }
.Ltmp4:
0xe5: {  	_ = 	snop;
	(pc) =	sbr.rel @p0 .LBB2_1-.Ltmp4, $2  }
0xe6: {  	_ =	sdelay $0x2  }
0xe7: {  	[sflag:s31] =	ssyncadd.s32 $0xFFFFF800  }
0xe8: {  	_ =	sfence.sel $0x180000  }
0xe9: {  	[bflag:$0x0] =	sbarrier.arrive $0xFFFF  }
0xea: {  	_ =	strace $0x90000047  }
0xeb: {  	s0 =	stileid.u32;
	[bflag:$0x2] =	sbarrier.arrive $0xFFFF  }
0xec: {  	p0 =	sne.s32 s0, $0x0;
	s0 =	rddreg [dreg:$0x2]  }
0xed: {  	s0 =	sadd.s32 @!p0 $0x100000, s0  }
0xee: {  	[sflag:s0] =	ssyncadd.tile.s32 @!p0 $0x1;
	_ =	shalt  }
.Lfunc_end2:
_tile_overlayer_lowered:
.L_overlay_start_2:
0xef: {  	(tag) =	ssettag $0x2  }
0xf0: {  	s0 =	rddreg [dreg:$0x0];
	s2 =	stileid.u32  }
0xf1: {  	s1 =	rddreg [dreg:$0x1];
	p0 =	sne.s32 s2, $0x0  }
0xf2: {  	s3 =	rddreg [dreg:$0x2];
	[bflag:$0x3] =	sbarrier.arrive $0xFFFF;
	s2 =	simm.s32 @!p0 $0x1C03  }
0xf3: {  	[timem:s3], [sflag:s2] =	dma.local @!p0 [hbm:s0], s1  }
0xf4: {  	s0 =	simm.s32 @!p0 $0x3  }
0xf5: {  	_ =	swait.ge @!p0 [sflag:s0], s1  }
0xf6: {  	s1 =	ssub.s32 @!p0 $0x0, s1;
	[sflag:s0] =	ssyncset.done @!p0 $0x0  }
0xf7: {  	[sflag:s0] =	ssyncadd.s32 @!p0 s1  }
0xf8: {  	[bflag:$0x3] =	sbarrier.arrive $0xFFFF  }
0xf9: {  	_ =	shalt  }

</sc_bundles>
